<compile_context>
chip_gen: v7x
topology: tpu7x:2x2x1
jax: 0.10.2.dev20260603
libtpu: 0.0.44.dev20260713+nightly
codegen_flags: <defaults>
</compile_context>

<pallas_src>
import jax
import jax.numpy as jnp
from jax import lax
from jax.experimental import pallas as pl
from jax.experimental.pallas import tpu as pltpu
from jax.experimental.pallas import tpu_sc as plsc

NC = 2
NS = 16
NW = NC * NS

B = 16384
D = 32
NCHUNK = 1
CB = B // NCHUNK
BPW = CB // NW
K = 16
NG = BPW // K
NP = BPW // 128

BN = 2048


H = K // 2


def _scalars(idx_v, g, ks):
    lane = lax.iota(jnp.int32, 16)
    ids16 = idx_v[pl.ds(g * K, K)]
    return [jnp.sum(jnp.where(lane == k, ids16, 0)) for k in ks]


def _fire(tab_hbm, gbuf, sem, vs, slot0):
    for k, v in enumerate(vs):
        col0 = pl.multiple_of((v >> 7) << 7, 128)
        pltpu.async_copy(tab_hbm.at[:, pl.ds(col0, 128)],
                         gbuf.at[slot0 + k], sem)


def _drain(tab_hbm, gbuf, sem, slot0):
    for k in range(H):
        pltpu.make_async_copy(tab_hbm.at[:, pl.ds(0, 128)],
                              gbuf.at[slot0 + k], sem).wait()


def _extract(gbuf, cols, vs, g, slot0):
    lane = lax.iota(jnp.int32, 16)
    f_lo = lane
    f_hi = lane + 16
    for k, v in enumerate(vs):
        i = g * K + slot0 + k
        c16 = jnp.full((16,), v & 127, jnp.int32)
        l16 = jnp.full((16,), i & 127, jnp.int32)
        lo = plsc.load_gather(gbuf.at[slot0 + k], [f_lo, c16])
        hi = plsc.load_gather(gbuf.at[slot0 + k], [f_hi, c16])
        piece = cols.at[i >> 7]
        plsc.store_scatter(piece, [f_lo, l16], lo)
        plsc.store_scatter(piece, [f_hi, l16], hi)


def _gather_table(tab_hbm, idx_v, gbuf, cols, sem_a, sem_b):
    _fire(tab_hbm, gbuf, sem_a, _scalars(idx_v, 0, range(H)), 0)

    def body(g, carry):
        vs_a = _scalars(idx_v, g, range(H))
        vs_b = _scalars(idx_v, g, range(H, K))
        _fire(tab_hbm, gbuf, sem_b, vs_b, H)
        _drain(tab_hbm, gbuf, sem_a, 0)
        _extract(gbuf, cols, vs_a, g, 0)
        gn = jnp.minimum(g + 1, NG - 1)
        vs_an = _scalars(idx_v, gn, range(H))
        _fire(tab_hbm, gbuf, sem_a, vs_an, 0)
        _drain(tab_hbm, gbuf, sem_b, H)
        _extract(gbuf, cols, vs_b, g, H)
        return carry

    lax.fori_loop(0, NG, body, 0)
    _drain(tab_hbm, gbuf, sem_a, 0)


def _gather_body(pid_hbm, ptab_hbm, pout_hbm,
                 pidx_v, gbuf, pcols, sem_a, sem_b):
    wid = lax.axis_index("s") * NC + lax.axis_index("c")
    base = wid * BPW
    pltpu.sync_copy(pid_hbm.at[pl.ds(base, BPW)], pidx_v)

    _gather_table(ptab_hbm, pidx_v, gbuf, pcols, sem_a, sem_b)

    for j in range(NP):
        pltpu.sync_copy(pcols.at[j], pout_hbm.at[:, pl.ds(base + j * 128, 128)])


def _sc_gather_prod(pid, ptab_t):
    mesh = plsc.VectorSubcoreMesh(
        core_axis_name="c", subcore_axis_name="s",
        num_cores=NC, num_subcores=NS)
    f = pl.kernel(
        _gather_body,
        out_type=jax.ShapeDtypeStruct((D, CB), jnp.float32),
        mesh=mesh,
        scratch_types=[
            pltpu.VMEM((BPW,), jnp.int32),
            pltpu.VMEM((K, D, 128), jnp.float32),
            pltpu.VMEM((NP, D, 128), jnp.float32),
            pltpu.SemaphoreType.DMA,
            pltpu.SemaphoreType.DMA,
        ],
        compiler_params=pltpu.CompilerParams(needs_layout_passes=False),
    )
    return f(pid, ptab_t)


UCH = 128
UG = BPW // UCH


def _ugather_body(uid_hbm, utab_hbm, uout_hbm, uidx_v, urows_v, sem):
    wid = lax.axis_index("s") * NC + lax.axis_index("c")
    base = wid * BPW
    pltpu.sync_copy(uid_hbm.at[wid], uidx_v)
    copies = [
        pltpu.async_copy(utab_hbm.at[uidx_v.at[j]],
                         urows_v.at[pl.ds(j * UCH, UCH)], sem)
        for j in range(UG)
    ]
    for c in copies:
        c.wait()
    pltpu.sync_copy(urows_v, uout_hbm.at[pl.ds(base, BPW)])


def _sc_gather_user(uid3, utab):
    mesh = plsc.VectorSubcoreMesh(
        core_axis_name="c", subcore_axis_name="s",
        num_cores=NC, num_subcores=NS)
    f = pl.kernel(
        _ugather_body,
        out_type=jax.ShapeDtypeStruct((CB, D), jnp.float32),
        mesh=mesh,
        scratch_types=[
            pltpu.VMEM((UG, UCH), jnp.int32),
            pltpu.VMEM((BPW, D), jnp.float32),
            pltpu.SemaphoreType.DMA,
        ],
        compiler_params=pltpu.CompilerParams(use_tc_tiling_on_sc=False),
    )
    return f(uid3, utab)


def _mlp_body(u_ref, p_ref, w1u_ref, w1p_ref, b1_ref, w2_ref, b2_ref,
              w3_ref, b3_ref, out_ref):
    cdn = (((0,), (0,)), ((), ()))
    cdn_u = (((0,), (1,)), ((), ()))
    h = (lax.dot_general(w1u_ref[...], u_ref[...], cdn_u,
                         preferred_element_type=jnp.float32)
         + lax.dot_general(w1p_ref[...], p_ref[...], cdn,
                           preferred_element_type=jnp.float32)
         + b1_ref[...])
    h = jnp.maximum(h, 0.0)
    h = jnp.maximum(lax.dot_general(w2_ref[...], h, cdn,
                                    preferred_element_type=jnp.float32)
                    + b2_ref[...], 0.0)
    s = lax.dot_general(w3_ref[...], h, cdn,
                        preferred_element_type=jnp.float32) + b3_ref[...]
    out_ref[...] = s.reshape(BN)


def _mlp(u_t, p_t, w1u, w1p, b1c, w2, b2c, w3, b3c):
    n_blocks = CB // BN
    full = lambda i: (0, 0)
    return pl.pallas_call(
        _mlp_body,
        grid=(n_blocks,),
        in_specs=[
            pl.BlockSpec((BN, D), lambda i: (i, 0)),
            pl.BlockSpec((D, BN), lambda i: (0, i)),
            pl.BlockSpec(w1u.shape, full),
            pl.BlockSpec(w1p.shape, full),
            pl.BlockSpec(b1c.shape, full),
            pl.BlockSpec(w2.shape, full),
            pl.BlockSpec(b2c.shape, full),
            pl.BlockSpec(w3.shape, full),
            pl.BlockSpec(b3c.shape, full),
        ],
        out_specs=pl.BlockSpec((BN,), lambda i: (i,)),
        out_shape=jax.ShapeDtypeStruct((CB,), jnp.float32),
        compiler_params=pltpu.CompilerParams(
            dimension_semantics=("arbitrary",)),
    )(u_t, p_t, w1u, w1p, b1c, w2, b2c, w3, b3c)


@jax.jit
def kernel(user_id, product_id, user_table, product_table, W1, b1, W2, b2,
           W3, b3):
    uid3 = user_id.astype(jnp.int32).reshape(NW, UG, UCH)
    pid = product_id.astype(jnp.int32)
    p_t = _sc_gather_prod(pid, product_table.T)
    uid3, p_t = lax.optimization_barrier((uid3, p_t))
    u_emb = _sc_gather_user(uid3, user_table)
    out = _mlp(u_emb, p_t, W1[:D], W1[D:], b1.reshape(-1, 1),
               W2, b2.reshape(-1, 1), W3, b3.reshape(1, 1))
    return out.reshape(B, 1)

# --- scband reference (transcript-rebuilt; emitter-appended) ---
"""Pipeline reference for scband-ranking-model-17738214932518 (READ-ONLY COPY).

The authoritative reference and input builder live on the scoring server;
editing this copy changes nothing except your own understanding.
"""

import jax, jax.numpy as jnp
import numpy as np

USER_VOCAB = 100000
PROD_VOCAB = 1000000
D = 32
B = 16384

def setup_inputs(seed: int = 0) -> dict:
    key = jax.random.key(seed)
    ks = jax.random.split(key, 10)
    user_id = jax.random.randint(ks[0], (B,), 0, USER_VOCAB + 1)
    product_id = jax.random.randint(ks[1], (B,), 0, PROD_VOCAB + 1)
    user_table = jax.random.normal(ks[2], (USER_VOCAB + 1, D), dtype=jnp.float32) * 0.05
    product_table = jax.random.normal(ks[3], (PROD_VOCAB + 1, D), dtype=jnp.float32) * 0.05
    W1 = jax.random.normal(ks[4], (2 * D, 256), dtype=jnp.float32) * (1.0 / np.sqrt(2 * D))
    b1 = jnp.zeros((256,), dtype=jnp.float32)
    W2 = jax.random.normal(ks[5], (256, 64), dtype=jnp.float32) * (1.0 / np.sqrt(256))
    b2 = jnp.zeros((64,), dtype=jnp.float32)
    W3 = jax.random.normal(ks[6], (64, 1), dtype=jnp.float32) * (1.0 / np.sqrt(64))
    b3 = jnp.zeros((1,), dtype=jnp.float32)
    return {"user_id": user_id, "product_id": product_id, "user_table": user_table, "product_table": product_table, "W1": W1, "b1": b1, "W2": W2, "b2": b2, "W3": W3, "b3": b3}


def reference(user_id, product_id, user_table, product_table, W1, b1, W2, b2, W3, b3):
    # StringLookup is modeled as pre-resolved integer ids (values in [0, vocab], 0 = OOV)
    user_emb = jnp.take(user_table, user_id, axis=0)
    product_emb = jnp.take(product_table, product_id, axis=0)
    h = jnp.concatenate([user_emb, product_emb], axis=1)
    h = jax.nn.relu(h @ W1 + b1)
    h = jax.nn.relu(h @ W2 + b2)
    return h @ W3 + b3

if __name__ == "__main__":
    import jax
    _d = setup_inputs()
    print(jax.jit(kernel)(*tuple(_d.values())))

</pallas_src>

<mosaic_0001>
#map = affine_map<(d0, d1) -> (0, 0, 0)>
#map1 = affine_map<(d0, d1) -> (0, 0)>
module attributes {stable_mosaic.version = 14 : i64} {
  func.func @_ugather_body(%arg0: i32, %arg1: i32, %arg2: memref<32x4x128xi32, #tpu.memory_space<hbm>>, %arg3: memref<100001x32xf32, #tpu.memory_space<hbm>>, %arg4: memref<16384x32xf32, #tpu.memory_space<hbm>>, %arg5: memref<4x128xi32, #tpu.memory_space<vmem>>, %arg6: memref<512x32xf32, #tpu.memory_space<vmem>>, %arg7: memref<!tpu.dma_semaphore, #tpu.memory_space<semaphore_mem>>) attributes {dimension_semantics = [#tpu.dimension_semantics<core_parallel>, #tpu.dimension_semantics<subcore_parallel>], iteration_bounds = array<i64: 2, 16>, scalar_prefetch = 0 : i64, scratch_operands = 3 : i64, tpu.core_type = #tpu.core_type<sc_vector_subcore>, window_params = [{transform_indices = #map}, {transform_indices = #map1}, {transform_indices = #map1}]} {
    %mul3A = arith.constant 2 : i32
    %mul3A_0 = arith.muli %arg1, %mul3A : i32
    %add3A = arith.addi %mul3A_0, %arg0 : i32
    %mul3A_1 = arith.constant 512 : i32
    %mul3A_2 = arith.muli %add3A, %mul3A_1 : i32
    "tpu.region"() ({
      %run_scoped3A = tpu.sem_alloc : memref<!tpu.dma_semaphore, #tpu.memory_space<semaphore_mem>>
      %dma_start3A_81 = arith.constant 0 : i32
      %dma_start3A_82 = arith.constant 0 : i32
      %dma_start3A_83 = tpu.memref_slice %arg2[%add3A, %dma_start3A_81, %dma_start3A_82] : memref<32x4x128xi32, #tpu.memory_space<hbm>> -> memref<1x4x128xi32, #tpu.memory_space<hbm>>
      %dma_start3A_84 = tpu.memref_squeeze %dma_start3A_83 : memref<1x4x128xi32, #tpu.memory_space<hbm>> -> memref<4x128xi32, #tpu.memory_space<hbm>>
      %dma_start3A_85 = arith.constant 0 : i32
      %dma_start3A_86 = arith.constant 0 : i32
      %dma_start3A_87 = tpu.memref_slice %arg2[%add3A, %dma_start3A_85, %dma_start3A_86] : memref<32x4x128xi32, #tpu.memory_space<hbm>> -> memref<1x4x128xi32, #tpu.memory_space<hbm>>
      %dma_start3A_88 = tpu.memref_squeeze %dma_start3A_87 : memref<1x4x128xi32, #tpu.memory_space<hbm>> -> memref<4x128xi32, #tpu.memory_space<hbm>>
      tpu.enqueue_dma source(%dma_start3A_88 : memref<4x128xi32, #tpu.memory_space<hbm>>) target(%arg5 : memref<4x128xi32, #tpu.memory_space<vmem>>) target_semaphore(%run_scoped3A : memref<!tpu.dma_semaphore, #tpu.memory_space<semaphore_mem>>)
      %dma_wait3A_89 = arith.constant 0 : i32
      %dma_wait3A_90 = arith.constant 0 : i32
      %dma_wait3A_91 = tpu.memref_slice %arg2[%add3A, %dma_wait3A_89, %dma_wait3A_90] : memref<32x4x128xi32, #tpu.memory_space<hbm>> -> memref<1x4x128xi32, #tpu.memory_space<hbm>>
      %dma_wait3A_92 = tpu.memref_squeeze %dma_wait3A_91 : memref<1x4x128xi32, #tpu.memory_space<hbm>> -> memref<4x128xi32, #tpu.memory_space<hbm>>
      %dma_wait3A_93 = arith.constant 0 : i32
      %dma_wait3A_94 = arith.constant 0 : i32
      %dma_wait3A_95 = tpu.memref_slice %arg2[%add3A, %dma_wait3A_93, %dma_wait3A_94] : memref<32x4x128xi32, #tpu.memory_space<hbm>> -> memref<1x4x128xi32, #tpu.memory_space<hbm>>
      %dma_wait3A_96 = tpu.memref_squeeze %dma_wait3A_95 : memref<1x4x128xi32, #tpu.memory_space<hbm>> -> memref<4x128xi32, #tpu.memory_space<hbm>>
      tpu.wait_dma2 semaphore(%run_scoped3A : memref<!tpu.dma_semaphore, #tpu.memory_space<semaphore_mem>>) src(%dma_wait3A_96 : memref<4x128xi32, #tpu.memory_space<hbm>>) dst(%arg5 : memref<4x128xi32, #tpu.memory_space<vmem>>)
      tpu.yield
    }) : () -> ()
    %dma_start3A = arith.constant 0 : i32
    %dma_start3A_3 = arith.constant 0 : i32
    %dma_start3A_4 = arith.constant 0 : i32
    %dma_start3A_5 = tpu.memref_slice %arg6[%dma_start3A_3, %dma_start3A_4] : memref<512x32xf32, #tpu.memory_space<vmem>> -> memref<128x32xf32, #tpu.memory_space<vmem>>
    %dma_start3A_6 = arith.constant 0 : i32
    %dma_start3A_7 = tpu.memref_slice %arg5[%dma_start3A, %dma_start3A_6] : memref<4x128xi32, #tpu.memory_space<vmem>> -> memref<1x128xi32, #tpu.memory_space<vmem>>
    %dma_start3A_8 = tpu.memref_squeeze %dma_start3A_7 : memref<1x128xi32, #tpu.memory_space<vmem>> -> memref<128xi32, #tpu.memory_space<vmem>>
    %dma_start3A_9 = arith.constant 0 : i32
    %dma_start3A_10 = arith.constant 0 : i32
    %dma_start3A_11 = tpu.memref_slice %arg3[%dma_start3A_9, %dma_start3A_10] : memref<100001x32xf32, #tpu.memory_space<hbm>> -> memref<100001x32xf32, #tpu.memory_space<hbm>>
    tpu.enqueue_indirect_dma source(%dma_start3A_11 : memref<100001x32xf32, #tpu.memory_space<hbm>>) target(%dma_start3A_5 : memref<128x32xf32, #tpu.memory_space<vmem>>) offsets(%dma_start3A_8 : memref<128xi32, #tpu.memory_space<vmem>>) semaphore(%arg7 : memref<!tpu.dma_semaphore, #tpu.memory_space<semaphore_mem>>)
    %dma_start3A_12 = arith.constant 1 : i32
    %dma_start3A_13 = arith.constant 128 : i32
    %dma_start3A_14 = arith.constant 0 : i32
    %dma_start3A_15 = tpu.memref_slice %arg6[%dma_start3A_13, %dma_start3A_14] : memref<512x32xf32, #tpu.memory_space<vmem>> -> memref<128x32xf32, #tpu.memory_space<vmem>>
    %dma_start3A_16 = arith.constant 0 : i32
    %dma_start3A_17 = tpu.memref_slice %arg5[%dma_start3A_12, %dma_start3A_16] : memref<4x128xi32, #tpu.memory_space<vmem>> -> memref<1x128xi32, #tpu.memory_space<vmem>>
    %dma_start3A_18 = tpu.memref_squeeze %dma_start3A_17 : memref<1x128xi32, #tpu.memory_space<vmem>> -> memref<128xi32, #tpu.memory_space<vmem>>
    %dma_start3A_19 = arith.constant 0 : i32
    %dma_start3A_20 = arith.constant 0 : i32
    %dma_start3A_21 = tpu.memref_slice %arg3[%dma_start3A_19, %dma_start3A_20] : memref<100001x32xf32, #tpu.memory_space<hbm>> -> memref<100001x32xf32, #tpu.memory_space<hbm>>
    tpu.enqueue_indirect_dma source(%dma_start3A_21 : memref<100001x32xf32, #tpu.memory_space<hbm>>) target(%dma_start3A_15 : memref<128x32xf32, #tpu.memory_space<vmem>>) offsets(%dma_start3A_18 : memref<128xi32, #tpu.memory_space<vmem>>) semaphore(%arg7 : memref<!tpu.dma_semaphore, #tpu.memory_space<semaphore_mem>>)
    %dma_start3A_22 = arith.constant 2 : i32
    %dma_start3A_23 = arith.constant 256 : i32
    %dma_start3A_24 = arith.constant 0 : i32
    %dma_start3A_25 = tpu.memref_slice %arg6[%dma_start3A_23, %dma_start3A_24] : memref<512x32xf32, #tpu.memory_space<vmem>> -> memref<128x32xf32, #tpu.memory_space<vmem>>
    %dma_start3A_26 = arith.constant 0 : i32
    %dma_start3A_27 = tpu.memref_slice %arg5[%dma_start3A_22, %dma_start3A_26] : memref<4x128xi32, #tpu.memory_space<vmem>> -> memref<1x128xi32, #tpu.memory_space<vmem>>
    %dma_start3A_28 = tpu.memref_squeeze %dma_start3A_27 : memref<1x128xi32, #tpu.memory_space<vmem>> -> memref<128xi32, #tpu.memory_space<vmem>>
    %dma_start3A_29 = arith.constant 0 : i32
    %dma_start3A_30 = arith.constant 0 : i32
    %dma_start3A_31 = tpu.memref_slice %arg3[%dma_start3A_29, %dma_start3A_30] : memref<100001x32xf32, #tpu.memory_space<hbm>> -> memref<100001x32xf32, #tpu.memory_space<hbm>>
    tpu.enqueue_indirect_dma source(%dma_start3A_31 : memref<100001x32xf32, #tpu.memory_space<hbm>>) target(%dma_start3A_25 : memref<128x32xf32, #tpu.memory_space<vmem>>) offsets(%dma_start3A_28 : memref<128xi32, #tpu.memory_space<vmem>>) semaphore(%arg7 : memref<!tpu.dma_semaphore, #tpu.memory_space<semaphore_mem>>)
    %dma_start3A_32 = arith.constant 3 : i32
    %dma_start3A_33 = arith.constant 384 : i32
    %dma_start3A_34 = arith.constant 0 : i32
    %dma_start3A_35 = tpu.memref_slice %arg6[%dma_start3A_33, %dma_start3A_34] : memref<512x32xf32, #tpu.memory_space<vmem>> -> memref<128x32xf32, #tpu.memory_space<vmem>>
    %dma_start3A_36 = arith.constant 0 : i32
    %dma_start3A_37 = tpu.memref_slice %arg5[%dma_start3A_32, %dma_start3A_36] : memref<4x128xi32, #tpu.memory_space<vmem>> -> memref<1x128xi32, #tpu.memory_space<vmem>>
    %dma_start3A_38 = tpu.memref_squeeze %dma_start3A_37 : memref<1x128xi32, #tpu.memory_space<vmem>> -> memref<128xi32, #tpu.memory_space<vmem>>
    %dma_start3A_39 = arith.constant 0 : i32
    %dma_start3A_40 = arith.constant 0 : i32
    %dma_start3A_41 = tpu.memref_slice %arg3[%dma_start3A_39, %dma_start3A_40] : memref<100001x32xf32, #tpu.memory_space<hbm>> -> memref<100001x32xf32, #tpu.memory_space<hbm>>
    tpu.enqueue_indirect_dma source(%dma_start3A_41 : memref<100001x32xf32, #tpu.memory_space<hbm>>) target(%dma_start3A_35 : memref<128x32xf32, #tpu.memory_space<vmem>>) offsets(%dma_start3A_38 : memref<128xi32, #tpu.memory_space<vmem>>) semaphore(%arg7 : memref<!tpu.dma_semaphore, #tpu.memory_space<semaphore_mem>>)
    %dma_wait3A = arith.constant 0 : i32
    %dma_wait3A_42 = arith.constant 0 : i32
    %dma_wait3A_43 = arith.constant 0 : i32
    %dma_wait3A_44 = tpu.memref_slice %arg6[%dma_wait3A_42, %dma_wait3A_43] : memref<512x32xf32, #tpu.memory_space<vmem>> -> memref<128x32xf32, #tpu.memory_space<vmem>>
    %dma_wait3A_45 = arith.constant 0 : i32
    %dma_wait3A_46 = tpu.memref_slice %arg5[%dma_wait3A, %dma_wait3A_45] : memref<4x128xi32, #tpu.memory_space<vmem>> -> memref<1x128xi32, #tpu.memory_space<vmem>>
    %dma_wait3A_47 = tpu.memref_squeeze %dma_wait3A_46 : memref<1x128xi32, #tpu.memory_space<vmem>> -> memref<128xi32, #tpu.memory_space<vmem>>
    %dma_wait3A_48 = arith.constant 0 : i32
    %dma_wait3A_49 = arith.constant 0 : i32
    %dma_wait3A_50 = tpu.memref_slice %arg3[%dma_wait3A_48, %dma_wait3A_49] : memref<100001x32xf32, #tpu.memory_space<hbm>> -> memref<100001x32xf32, #tpu.memory_space<hbm>>
    tpu.wait_indirect_dma semaphore(%arg7 : memref<!tpu.dma_semaphore, #tpu.memory_space<semaphore_mem>>) src(%dma_wait3A_50 : memref<100001x32xf32, #tpu.memory_space<hbm>>) dst(%dma_wait3A_44 : memref<128x32xf32, #tpu.memory_space<vmem>>)
    %dma_wait3A_51 = arith.constant 1 : i32
    %dma_wait3A_52 = arith.constant 128 : i32
    %dma_wait3A_53 = arith.constant 0 : i32
    %dma_wait3A_54 = tpu.memref_slice %arg6[%dma_wait3A_52, %dma_wait3A_53] : memref<512x32xf32, #tpu.memory_space<vmem>> -> memref<128x32xf32, #tpu.memory_space<vmem>>
    %dma_wait3A_55 = arith.constant 0 : i32
    %dma_wait3A_56 = tpu.memref_slice %arg5[%dma_wait3A_51, %dma_wait3A_55] : memref<4x128xi32, #tpu.memory_space<vmem>> -> memref<1x128xi32, #tpu.memory_space<vmem>>
    %dma_wait3A_57 = tpu.memref_squeeze %dma_wait3A_56 : memref<1x128xi32, #tpu.memory_space<vmem>> -> memref<128xi32, #tpu.memory_space<vmem>>
    %dma_wait3A_58 = arith.constant 0 : i32
    %dma_wait3A_59 = arith.constant 0 : i32
    %dma_wait3A_60 = tpu.memref_slice %arg3[%dma_wait3A_58, %dma_wait3A_59] : memref<100001x32xf32, #tpu.memory_space<hbm>> -> memref<100001x32xf32, #tpu.memory_space<hbm>>
    tpu.wait_indirect_dma semaphore(%arg7 : memref<!tpu.dma_semaphore, #tpu.memory_space<semaphore_mem>>) src(%dma_wait3A_60 : memref<100001x32xf32, #tpu.memory_space<hbm>>) dst(%dma_wait3A_54 : memref<128x32xf32, #tpu.memory_space<vmem>>)
    %dma_wait3A_61 = arith.constant 2 : i32
    %dma_wait3A_62 = arith.constant 256 : i32
    %dma_wait3A_63 = arith.constant 0 : i32
    %dma_wait3A_64 = tpu.memref_slice %arg6[%dma_wait3A_62, %dma_wait3A_63] : memref<512x32xf32, #tpu.memory_space<vmem>> -> memref<128x32xf32, #tpu.memory_space<vmem>>
    %dma_wait3A_65 = arith.constant 0 : i32
    %dma_wait3A_66 = tpu.memref_slice %arg5[%dma_wait3A_61, %dma_wait3A_65] : memref<4x128xi32, #tpu.memory_space<vmem>> -> memref<1x128xi32, #tpu.memory_space<vmem>>
    %dma_wait3A_67 = tpu.memref_squeeze %dma_wait3A_66 : memref<1x128xi32, #tpu.memory_space<vmem>> -> memref<128xi32, #tpu.memory_space<vmem>>
    %dma_wait3A_68 = arith.constant 0 : i32
    %dma_wait3A_69 = arith.constant 0 : i32
    %dma_wait3A_70 = tpu.memref_slice %arg3[%dma_wait3A_68, %dma_wait3A_69] : memref<100001x32xf32, #tpu.memory_space<hbm>> -> memref<100001x32xf32, #tpu.memory_space<hbm>>
    tpu.wait_indirect_dma semaphore(%arg7 : memref<!tpu.dma_semaphore, #tpu.memory_space<semaphore_mem>>) src(%dma_wait3A_70 : memref<100001x32xf32, #tpu.memory_space<hbm>>) dst(%dma_wait3A_64 : memref<128x32xf32, #tpu.memory_space<vmem>>)
    %dma_wait3A_71 = arith.constant 3 : i32
    %dma_wait3A_72 = arith.constant 384 : i32
    %dma_wait3A_73 = arith.constant 0 : i32
    %dma_wait3A_74 = tpu.memref_slice %arg6[%dma_wait3A_72, %dma_wait3A_73] : memref<512x32xf32, #tpu.memory_space<vmem>> -> memref<128x32xf32, #tpu.memory_space<vmem>>
    %dma_wait3A_75 = arith.constant 0 : i32
    %dma_wait3A_76 = tpu.memref_slice %arg5[%dma_wait3A_71, %dma_wait3A_75] : memref<4x128xi32, #tpu.memory_space<vmem>> -> memref<1x128xi32, #tpu.memory_space<vmem>>
    %dma_wait3A_77 = tpu.memref_squeeze %dma_wait3A_76 : memref<1x128xi32, #tpu.memory_space<vmem>> -> memref<128xi32, #tpu.memory_space<vmem>>
    %dma_wait3A_78 = arith.constant 0 : i32
    %dma_wait3A_79 = arith.constant 0 : i32
    %dma_wait3A_80 = tpu.memref_slice %arg3[%dma_wait3A_78, %dma_wait3A_79] : memref<100001x32xf32, #tpu.memory_space<hbm>> -> memref<100001x32xf32, #tpu.memory_space<hbm>>
    tpu.wait_indirect_dma semaphore(%arg7 : memref<!tpu.dma_semaphore, #tpu.memory_space<semaphore_mem>>) src(%dma_wait3A_80 : memref<100001x32xf32, #tpu.memory_space<hbm>>) dst(%dma_wait3A_74 : memref<128x32xf32, #tpu.memory_space<vmem>>)
    "tpu.region"() ({
      %run_scoped3A = tpu.sem_alloc : memref<!tpu.dma_semaphore, #tpu.memory_space<semaphore_mem>>
      %dma_start3A_81 = arith.constant 0 : i32
      %dma_start3A_82 = tpu.memref_slice %arg4[%mul3A_2, %dma_start3A_81] : memref<16384x32xf32, #tpu.memory_space<hbm>> -> memref<512x32xf32, #tpu.memory_space<hbm>>
      %dma_start3A_83 = arith.constant 0 : i32
      %dma_start3A_84 = tpu.memref_slice %arg4[%mul3A_2, %dma_start3A_83] : memref<16384x32xf32, #tpu.memory_space<hbm>> -> memref<512x32xf32, #tpu.memory_space<hbm>>
      tpu.enqueue_dma source(%arg6 : memref<512x32xf32, #tpu.memory_space<vmem>>) target(%dma_start3A_84 : memref<512x32xf32, #tpu.memory_space<hbm>>) target_semaphore(%run_scoped3A : memref<!tpu.dma_semaphore, #tpu.memory_space<semaphore_mem>>)
      %dma_wait3A_85 = arith.constant 0 : i32
      %dma_wait3A_86 = tpu.memref_slice %arg4[%mul3A_2, %dma_wait3A_85] : memref<16384x32xf32, #tpu.memory_space<hbm>> -> memref<512x32xf32, #tpu.memory_space<hbm>>
      %dma_wait3A_87 = arith.constant 0 : i32
      %dma_wait3A_88 = tpu.memref_slice %arg4[%mul3A_2, %dma_wait3A_87] : memref<16384x32xf32, #tpu.memory_space<hbm>> -> memref<512x32xf32, #tpu.memory_space<hbm>>
      tpu.wait_dma2 semaphore(%run_scoped3A : memref<!tpu.dma_semaphore, #tpu.memory_space<semaphore_mem>>) src(%arg6 : memref<512x32xf32, #tpu.memory_space<vmem>>) dst(%dma_wait3A_88 : memref<512x32xf32, #tpu.memory_space<hbm>>)
      tpu.yield
    }) : () -> ()
    return
  }
}

#map = affine_map<(d0, d1) -> (0)>
#map1 = affine_map<(d0, d1) -> (0, 0)>
module attributes {stable_mosaic.version = 14 : i64} {
  func.func @_gather_body(%arg0: i32, %arg1: i32, %arg2: memref<16384xi32, #tpu.memory_space<hbm>>, %arg3: memref<32x1000001xf32, #tpu.memory_space<hbm>>, %arg4: memref<32x16384xf32, #tpu.memory_space<hbm>>, %arg5: memref<512xi32, #tpu.memory_space<vmem>>, %arg6: memref<16x32x128xf32, #tpu.memory_space<vmem>>, %arg7: memref<4x32x128xf32, #tpu.memory_space<vmem>>, %arg8: memref<!tpu.dma_semaphore, #tpu.memory_space<semaphore_mem>>, %arg9: memref<!tpu.dma_semaphore, #tpu.memory_space<semaphore_mem>>) attributes {dimension_semantics = [#tpu.dimension_semantics<core_parallel>, #tpu.dimension_semantics<subcore_parallel>], iteration_bounds = array<i64: 2, 16>, scalar_prefetch = 0 : i64, scratch_operands = 5 : i64, tpu.core_type = #tpu.core_type<sc_vector_subcore>, window_params = [{transform_indices = #map}, {transform_indices = #map1}, {transform_indices = #map1}]} {
    %mul3A = arith.constant 2 : i32
    %mul3A_0 = arith.muli %arg1, %mul3A : i32
    %add3A = arith.addi %mul3A_0, %arg0 : i32
    %mul3A_1 = arith.constant 512 : i32
    %mul3A_2 = arith.muli %add3A, %mul3A_1 : i32
    "tpu.region"() ({
      %run_scoped3A_354 = tpu.sem_alloc : memref<!tpu.dma_semaphore, #tpu.memory_space<semaphore_mem>>
      %dma_start3A_355 = tpu.memref_slice %arg2[%mul3A_2] : memref<16384xi32, #tpu.memory_space<hbm>> -> memref<512xi32, #tpu.memory_space<hbm>>
      %dma_start3A_356 = tpu.memref_slice %arg2[%mul3A_2] : memref<16384xi32, #tpu.memory_space<hbm>> -> memref<512xi32, #tpu.memory_space<hbm>>
      tpu.enqueue_dma source(%dma_start3A_356 : memref<512xi32, #tpu.memory_space<hbm>>) target(%arg5 : memref<512xi32, #tpu.memory_space<vmem>>) target_semaphore(%run_scoped3A_354 : memref<!tpu.dma_semaphore, #tpu.memory_space<semaphore_mem>>)
      %dma_wait3A_357 = tpu.memref_slice %arg2[%mul3A_2] : memref<16384xi32, #tpu.memory_space<hbm>> -> memref<512xi32, #tpu.memory_space<hbm>>
      %dma_wait3A_358 = tpu.memref_slice %arg2[%mul3A_2] : memref<16384xi32, #tpu.memory_space<hbm>> -> memref<512xi32, #tpu.memory_space<hbm>>
      tpu.wait_dma2 semaphore(%run_scoped3A_354 : memref<!tpu.dma_semaphore, #tpu.memory_space<semaphore_mem>>) src(%dma_wait3A_358 : memref<512xi32, #tpu.memory_space<hbm>>) dst(%arg5 : memref<512xi32, #tpu.memory_space<vmem>>)
      tpu.yield
    }) : () -> ()
    %iota3A = tpu.iota {dimensions = array<i32: 0>} : vector<16xi32>
    %get3A = arith.constant 0 : index
    %get3A_3 = tpu.vector_load %arg5[%get3A] {strides = array<i32>} : memref<512xi32, #tpu.memory_space<vmem>>, vector<16xi32>,
    %eq3A = arith.constant 0 : i32
    %eq3A_4 = vector.broadcast %eq3A : i32 to vector<16xi32>
    %eq3A_5 = arith.cmpi eq, %iota3A, %eq3A_4 : vector<16xi32>
    %jit3A = arith.constant 0 : i32
    %broadcast_in_dim3A = vector.broadcast %jit3A : i32 to vector<16xi32>
    %select_n3A = arith.select %eq3A_5, %get3A_3, %broadcast_in_dim3A : vector<16xi1>, vector<16xi32>
    %reduce_sum3A = arith.constant true
    %reduce_sum3A_6 = vector.broadcast %reduce_sum3A : i1 to vector<16xi1>
    %reduce_sum3A_7 = tpu.scan <sum>, %select_n3A masked %reduce_sum3A_6 : vector<16xi32>, vector<16xi1> -> vector<16xi32>
    %reduce_sum3A_8 = vector.extract %reduce_sum3A_7[15] : i32 from vector<16xi32>
    %eq3A_9 = arith.constant 1 : i32
    %eq3A_10 = vector.broadcast %eq3A_9 : i32 to vector<16xi32>
    %eq3A_11 = arith.cmpi eq, %iota3A, %eq3A_10 : vector<16xi32>
    %jit3A_12 = arith.constant 0 : i32
    %broadcast_in_dim3A_13 = vector.broadcast %jit3A_12 : i32 to vector<16xi32>
    %select_n3A_14 = arith.select %eq3A_11, %get3A_3, %broadcast_in_dim3A_13 : vector<16xi1>, vector<16xi32>
    %reduce_sum3A_15 = arith.constant true
    %reduce_sum3A_16 = vector.broadcast %reduce_sum3A_15 : i1 to vector<16xi1>
    %reduce_sum3A_17 = tpu.scan <sum>, %select_n3A_14 masked %reduce_sum3A_16 : vector<16xi32>, vector<16xi1> -> vector<16xi32>
    %reduce_sum3A_18 = vector.extract %reduce_sum3A_17[15] : i32 from vector<16xi32>
    %eq3A_19 = arith.constant 2 : i32
    %eq3A_20 = vector.broadcast %eq3A_19 : i32 to vector<16xi32>
    %eq3A_21 = arith.cmpi eq, %iota3A, %eq3A_20 : vector<16xi32>
    %jit3A_22 = arith.constant 0 : i32
    %broadcast_in_dim3A_23 = vector.broadcast %jit3A_22 : i32 to vector<16xi32>
    %select_n3A_24 = arith.select %eq3A_21, %get3A_3, %broadcast_in_dim3A_23 : vector<16xi1>, vector<16xi32>
    %reduce_sum3A_25 = arith.constant true
    %reduce_sum3A_26 = vector.broadcast %reduce_sum3A_25 : i1 to vector<16xi1>
    %reduce_sum3A_27 = tpu.scan <sum>, %select_n3A_24 masked %reduce_sum3A_26 : vector<16xi32>, vector<16xi1> -> vector<16xi32>
    %reduce_sum3A_28 = vector.extract %reduce_sum3A_27[15] : i32 from vector<16xi32>
    %eq3A_29 = arith.constant 3 : i32
    %eq3A_30 = vector.broadcast %eq3A_29 : i32 to vector<16xi32>
    %eq3A_31 = arith.cmpi eq, %iota3A, %eq3A_30 : vector<16xi32>
    %jit3A_32 = arith.constant 0 : i32
    %broadcast_in_dim3A_33 = vector.broadcast %jit3A_32 : i32 to vector<16xi32>
    %select_n3A_34 = arith.select %eq3A_31, %get3A_3, %broadcast_in_dim3A_33 : vector<16xi1>, vector<16xi32>
    %reduce_sum3A_35 = arith.constant true
    %reduce_sum3A_36 = vector.broadcast %reduce_sum3A_35 : i1 to vector<16xi1>
    %reduce_sum3A_37 = tpu.scan <sum>, %select_n3A_34 masked %reduce_sum3A_36 : vector<16xi32>, vector<16xi1> -> vector<16xi32>
    %reduce_sum3A_38 = vector.extract %reduce_sum3A_37[15] : i32 from vector<16xi32>
    %eq3A_39 = arith.constant 4 : i32
    %eq3A_40 = vector.broadcast %eq3A_39 : i32 to vector<16xi32>
    %eq3A_41 = arith.cmpi eq, %iota3A, %eq3A_40 : vector<16xi32>
    %jit3A_42 = arith.constant 0 : i32
    %broadcast_in_dim3A_43 = vector.broadcast %jit3A_42 : i32 to vector<16xi32>
    %select_n3A_44 = arith.select %eq3A_41, %get3A_3, %broadcast_in_dim3A_43 : vector<16xi1>, vector<16xi32>
    %reduce_sum3A_45 = arith.constant true
    %reduce_sum3A_46 = vector.broadcast %reduce_sum3A_45 : i1 to vector<16xi1>
    %reduce_sum3A_47 = tpu.scan <sum>, %select_n3A_44 masked %reduce_sum3A_46 : vector<16xi32>, vector<16xi1> -> vector<16xi32>
    %reduce_sum3A_48 = vector.extract %reduce_sum3A_47[15] : i32 from vector<16xi32>
    %eq3A_49 = arith.constant 5 : i32
    %eq3A_50 = vector.broadcast %eq3A_49 : i32 to vector<16xi32>
    %eq3A_51 = arith.cmpi eq, %iota3A, %eq3A_50 : vector<16xi32>
    %jit3A_52 = arith.constant 0 : i32
    %broadcast_in_dim3A_53 = vector.broadcast %jit3A_52 : i32 to vector<16xi32>
    %select_n3A_54 = arith.select %eq3A_51, %get3A_3, %broadcast_in_dim3A_53 : vector<16xi1>, vector<16xi32>
    %reduce_sum3A_55 = arith.constant true
    %reduce_sum3A_56 = vector.broadcast %reduce_sum3A_55 : i1 to vector<16xi1>
    %reduce_sum3A_57 = tpu.scan <sum>, %select_n3A_54 masked %reduce_sum3A_56 : vector<16xi32>, vector<16xi1> -> vector<16xi32>
    %reduce_sum3A_58 = vector.extract %reduce_sum3A_57[15] : i32 from vector<16xi32>
    %eq3A_59 = arith.constant 6 : i32
    %eq3A_60 = vector.broadcast %eq3A_59 : i32 to vector<16xi32>
    %eq3A_61 = arith.cmpi eq, %iota3A, %eq3A_60 : vector<16xi32>
    %jit3A_62 = arith.constant 0 : i32
    %broadcast_in_dim3A_63 = vector.broadcast %jit3A_62 : i32 to vector<16xi32>
    %select_n3A_64 = arith.select %eq3A_61, %get3A_3, %broadcast_in_dim3A_63 : vector<16xi1>, vector<16xi32>
    %reduce_sum3A_65 = arith.constant true
    %reduce_sum3A_66 = vector.broadcast %reduce_sum3A_65 : i1 to vector<16xi1>
    %reduce_sum3A_67 = tpu.scan <sum>, %select_n3A_64 masked %reduce_sum3A_66 : vector<16xi32>, vector<16xi1> -> vector<16xi32>
    %reduce_sum3A_68 = vector.extract %reduce_sum3A_67[15] : i32 from vector<16xi32>
    %eq3A_69 = arith.constant 7 : i32
    %eq3A_70 = vector.broadcast %eq3A_69 : i32 to vector<16xi32>
    %eq3A_71 = arith.cmpi eq, %iota3A, %eq3A_70 : vector<16xi32>
    %jit3A_72 = arith.constant 0 : i32
    %broadcast_in_dim3A_73 = vector.broadcast %jit3A_72 : i32 to vector<16xi32>
    %select_n3A_74 = arith.select %eq3A_71, %get3A_3, %broadcast_in_dim3A_73 : vector<16xi1>, vector<16xi32>
    %reduce_sum3A_75 = arith.constant true
    %reduce_sum3A_76 = vector.broadcast %reduce_sum3A_75 : i1 to vector<16xi1>
    %reduce_sum3A_77 = tpu.scan <sum>, %select_n3A_74 masked %reduce_sum3A_76 : vector<16xi32>, vector<16xi1> -> vector<16xi32>
    %reduce_sum3A_78 = vector.extract %reduce_sum3A_77[15] : i32 from vector<16xi32>
    %shift_right_arithmetic3A = arith.constant 7 : i32
    %shift_right_arithmetic3A_79 = arith.shrsi %reduce_sum3A_8, %shift_right_arithmetic3A : i32
    %shift_left3A = arith.constant 7 : i32
    %shift_left3A_80 = arith.shli %shift_right_arithmetic3A_79, %shift_left3A : i32
    %multiple_of3A = tpu.assume_multiple %shift_left3A_80, 128 : i32
    %dma_start3A = arith.constant 0 : i32
    %dma_start3A_81 = arith.constant 0 : i32
    %dma_start3A_82 = arith.constant 0 : i32
    %dma_start3A_83 = tpu.memref_slice %arg6[%dma_start3A, %dma_start3A_81, %dma_start3A_82] : memref<16x32x128xf32, #tpu.memory_space<vmem>> -> memref<1x32x128xf32, #tpu.memory_space<vmem>>
    %dma_start3A_84 = tpu.memref_squeeze %dma_start3A_83 : memref<1x32x128xf32, #tpu.memory_space<vmem>> -> memref<32x128xf32, #tpu.memory_space<vmem>>
    %dma_start3A_85 = arith.constant 0 : i32
    %dma_start3A_86 = tpu.memref_slice %arg3[%dma_start3A_85, %multiple_of3A] : memref<32x1000001xf32, #tpu.memory_space<hbm>> -> memref<32x128xf32, #tpu.memory_space<hbm>>
    %dma_start3A_87 = arith.constant 0 : i32
    %dma_start3A_88 = arith.constant 0 : i32
    %dma_start3A_89 = tpu.memref_slice %arg6[%dma_start3A, %dma_start3A_87, %dma_start3A_88] : memref<16x32x128xf32, #tpu.memory_space<vmem>> -> memref<1x32x128xf32, #tpu.memory_space<vmem>>
    %dma_start3A_90 = tpu.memref_squeeze %dma_start3A_89 : memref<1x32x128xf32, #tpu.memory_space<vmem>> -> memref<32x128xf32, #tpu.memory_space<vmem>>
    %dma_start3A_91 = arith.constant 0 : i32
    %dma_start3A_92 = tpu.memref_slice %arg3[%dma_start3A_91, %multiple_of3A] : memref<32x1000001xf32, #tpu.memory_space<hbm>> -> memref<32x128xf32, #tpu.memory_space<hbm>>
    tpu.enqueue_dma source(%dma_start3A_92 : memref<32x128xf32, #tpu.memory_space<hbm>>) target(%dma_start3A_90 : memref<32x128xf32, #tpu.memory_space<vmem>>) target_semaphore(%arg8 : memref<!tpu.dma_semaphore, #tpu.memory_space<semaphore_mem>>)
    %shift_right_arithmetic3A_93 = arith.constant 7 : i32
    %shift_right_arithmetic3A_94 = arith.shrsi %reduce_sum3A_18, %shift_right_arithmetic3A_93 : i32
    %shift_left3A_95 = arith.constant 7 : i32
    %shift_left3A_96 = arith.shli %shift_right_arithmetic3A_94, %shift_left3A_95 : i32
    %multiple_of3A_97 = tpu.assume_multiple %shift_left3A_96, 128 : i32
    %dma_start3A_98 = arith.constant 1 : i32
    %dma_start3A_99 = arith.constant 0 : i32
    %dma_start3A_100 = arith.constant 0 : i32
    %dma_start3A_101 = tpu.memref_slice %arg6[%dma_start3A_98, %dma_start3A_99, %dma_start3A_100] : memref<16x32x128xf32, #tpu.memory_space<vmem>> -> memref<1x32x128xf32, #tpu.memory_space<vmem>>
    %dma_start3A_102 = tpu.memref_squeeze %dma_start3A_101 : memref<1x32x128xf32, #tpu.memory_space<vmem>> -> memref<32x128xf32, #tpu.memory_space<vmem>>
    %dma_start3A_103 = arith.constant 0 : i32
    %dma_start3A_104 = tpu.memref_slice %arg3[%dma_start3A_103, %multiple_of3A_97] : memref<32x1000001xf32, #tpu.memory_space<hbm>> -> memref<32x128xf32, #tpu.memory_space<hbm>>
    %dma_start3A_105 = arith.constant 0 : i32
    %dma_start3A_106 = arith.constant 0 : i32
    %dma_start3A_107 = tpu.memref_slice %arg6[%dma_start3A_98, %dma_start3A_105, %dma_start3A_106] : memref<16x32x128xf32, #tpu.memory_space<vmem>> -> memref<1x32x128xf32, #tpu.memory_space<vmem>>
    %dma_start3A_108 = tpu.memref_squeeze %dma_start3A_107 : memref<1x32x128xf32, #tpu.memory_space<vmem>> -> memref<32x128xf32, #tpu.memory_space<vmem>>
    %dma_start3A_109 = arith.constant 0 : i32
    %dma_start3A_110 = tpu.memref_slice %arg3[%dma_start3A_109, %multiple_of3A_97] : memref<32x1000001xf32, #tpu.memory_space<hbm>> -> memref<32x128xf32, #tpu.memory_space<hbm>>
    tpu.enqueue_dma source(%dma_start3A_110 : memref<32x128xf32, #tpu.memory_space<hbm>>) target(%dma_start3A_108 : memref<32x128xf32, #tpu.memory_space<vmem>>) target_semaphore(%arg8 : memref<!tpu.dma_semaphore, #tpu.memory_space<semaphore_mem>>)
    %shift_right_arithmetic3A_111 = arith.constant 7 : i32
    %shift_right_arithmetic3A_112 = arith.shrsi %reduce_sum3A_28, %shift_right_arithmetic3A_111 : i32
    %shift_left3A_113 = arith.constant 7 : i32
    %shift_left3A_114 = arith.shli %shift_right_arithmetic3A_112, %shift_left3A_113 : i32
    %multiple_of3A_115 = tpu.assume_multiple %shift_left3A_114, 128 : i32
    %dma_start3A_116 = arith.constant 2 : i32
    %dma_start3A_117 = arith.constant 0 : i32
    %dma_start3A_118 = arith.constant 0 : i32
    %dma_start3A_119 = tpu.memref_slice %arg6[%dma_start3A_116, %dma_start3A_117, %dma_start3A_118] : memref<16x32x128xf32, #tpu.memory_space<vmem>> -> memref<1x32x128xf32, #tpu.memory_space<vmem>>
    %dma_start3A_120 = tpu.memref_squeeze %dma_start3A_119 : memref<1x32x128xf32, #tpu.memory_space<vmem>> -> memref<32x128xf32, #tpu.memory_space<vmem>>
    %dma_start3A_121 = arith.constant 0 : i32
    %dma_start3A_122 = tpu.memref_slice %arg3[%dma_start3A_121, %multiple_of3A_115] : memref<32x1000001xf32, #tpu.memory_space<hbm>> -> memref<32x128xf32, #tpu.memory_space<hbm>>
    %dma_start3A_123 = arith.constant 0 : i32
    %dma_start3A_124 = arith.constant 0 : i32
    %dma_start3A_125 = tpu.memref_slice %arg6[%dma_start3A_116, %dma_start3A_123, %dma_start3A_124] : memref<16x32x128xf32, #tpu.memory_space<vmem>> -> memref<1x32x128xf32, #tpu.memory_space<vmem>>
    %dma_start3A_126 = tpu.memref_squeeze %dma_start3A_125 : memref<1x32x128xf32, #tpu.memory_space<vmem>> -> memref<32x128xf32, #tpu.memory_space<vmem>>
    %dma_start3A_127 = arith.constant 0 : i32
    %dma_start3A_128 = tpu.memref_slice %arg3[%dma_start3A_127, %multiple_of3A_115] : memref<32x1000001xf32, #tpu.memory_space<hbm>> -> memref<32x128xf32, #tpu.memory_space<hbm>>
    tpu.enqueue_dma source(%dma_start3A_128 : memref<32x128xf32, #tpu.memory_space<hbm>>) target(%dma_start3A_126 : memref<32x128xf32, #tpu.memory_space<vmem>>) target_semaphore(%arg8 : memref<!tpu.dma_semaphore, #tpu.memory_space<semaphore_mem>>)
    %shift_right_arithmetic3A_129 = arith.constant 7 : i32
    %shift_right_arithmetic3A_130 = arith.shrsi %reduce_sum3A_38, %shift_right_arithmetic3A_129 : i32
    %shift_left3A_131 = arith.constant 7 : i32
    %shift_left3A_132 = arith.shli %shift_right_arithmetic3A_130, %shift_left3A_131 : i32
    %multiple_of3A_133 = tpu.assume_multiple %shift_left3A_132, 128 : i32
    %dma_start3A_134 = arith.constant 3 : i32
    %dma_start3A_135 = arith.constant 0 : i32
    %dma_start3A_136 = arith.constant 0 : i32
    %dma_start3A_137 = tpu.memref_slice %arg6[%dma_start3A_134, %dma_start3A_135, %dma_start3A_136] : memref<16x32x128xf32, #tpu.memory_space<vmem>> -> memref<1x32x128xf32, #tpu.memory_space<vmem>>
    %dma_start3A_138 = tpu.memref_squeeze %dma_start3A_137 : memref<1x32x128xf32, #tpu.memory_space<vmem>> -> memref<32x128xf32, #tpu.memory_space<vmem>>
    %dma_start3A_139 = arith.constant 0 : i32
    %dma_start3A_140 = tpu.memref_slice %arg3[%dma_start3A_139, %multiple_of3A_133] : memref<32x1000001xf32, #tpu.memory_space<hbm>> -> memref<32x128xf32, #tpu.memory_space<hbm>>
    %dma_start3A_141 = arith.constant 0 : i32
    %dma_start3A_142 = arith.constant 0 : i32
    %dma_start3A_143 = tpu.memref_slice %arg6[%dma_start3A_134, %dma_start3A_141, %dma_start3A_142] : memref<16x32x128xf32, #tpu.memory_space<vmem>> -> memref<1x32x128xf32, #tpu.memory_space<vmem>>
    %dma_start3A_144 = tpu.memref_squeeze %dma_start3A_143 : memref<1x32x128xf32, #tpu.memory_space<vmem>> -> memref<32x128xf32, #tpu.memory_space<vmem>>
    %dma_start3A_145 = arith.constant 0 : i32
    %dma_start3A_146 = tpu.memref_slice %arg3[%dma_start3A_145, %multiple_of3A_133] : memref<32x1000001xf32, #tpu.memory_space<hbm>> -> memref<32x128xf32, #tpu.memory_space<hbm>>
    tpu.enqueue_dma source(%dma_start3A_146 : memref<32x128xf32, #tpu.memory_space<hbm>>) target(%dma_start3A_144 : memref<32x128xf32, #tpu.memory_space<vmem>>) target_semaphore(%arg8 : memref<!tpu.dma_semaphore, #tpu.memory_space<semaphore_mem>>)
    %shift_right_arithmetic3A_147 = arith.constant 7 : i32
    %shift_right_arithmetic3A_148 = arith.shrsi %reduce_sum3A_48, %shift_right_arithmetic3A_147 : i32
    %shift_left3A_149 = arith.constant 7 : i32
    %shift_left3A_150 = arith.shli %shift_right_arithmetic3A_148, %shift_left3A_149 : i32
    %multiple_of3A_151 = tpu.assume_multiple %shift_left3A_150, 128 : i32
    %dma_start3A_152 = arith.constant 4 : i32
    %dma_start3A_153 = arith.constant 0 : i32
    %dma_start3A_154 = arith.constant 0 : i32
    %dma_start3A_155 = tpu.memref_slice %arg6[%dma_start3A_152, %dma_start3A_153, %dma_start3A_154] : memref<16x32x128xf32, #tpu.memory_space<vmem>> -> memref<1x32x128xf32, #tpu.memory_space<vmem>>
    %dma_start3A_156 = tpu.memref_squeeze %dma_start3A_155 : memref<1x32x128xf32, #tpu.memory_space<vmem>> -> memref<32x128xf32, #tpu.memory_space<vmem>>
    %dma_start3A_157 = arith.constant 0 : i32
    %dma_start3A_158 = tpu.memref_slice %arg3[%dma_start3A_157, %multiple_of3A_151] : memref<32x1000001xf32, #tpu.memory_space<hbm>> -> memref<32x128xf32, #tpu.memory_space<hbm>>
    %dma_start3A_159 = arith.constant 0 : i32
    %dma_start3A_160 = arith.constant 0 : i32
    %dma_start3A_161 = tpu.memref_slice %arg6[%dma_start3A_152, %dma_start3A_159, %dma_start3A_160] : memref<16x32x128xf32, #tpu.memory_space<vmem>> -> memref<1x32x128xf32, #tpu.memory_space<vmem>>
    %dma_start3A_162 = tpu.memref_squeeze %dma_start3A_161 : memref<1x32x128xf32, #tpu.memory_space<vmem>> -> memref<32x128xf32, #tpu.memory_space<vmem>>
    %dma_start3A_163 = arith.constant 0 : i32
    %dma_start3A_164 = tpu.memref_slice %arg3[%dma_start3A_163, %multiple_of3A_151] : memref<32x1000001xf32, #tpu.memory_space<hbm>> -> memref<32x128xf32, #tpu.memory_space<hbm>>
    tpu.enqueue_dma source(%dma_start3A_164 : memref<32x128xf32, #tpu.memory_space<hbm>>) target(%dma_start3A_162 : memref<32x128xf32, #tpu.memory_space<vmem>>) target_semaphore(%arg8 : memref<!tpu.dma_semaphore, #tpu.memory_space<semaphore_mem>>)
    %shift_right_arithmetic3A_165 = arith.constant 7 : i32
    %shift_right_arithmetic3A_166 = arith.shrsi %reduce_sum3A_58, %shift_right_arithmetic3A_165 : i32
    %shift_left3A_167 = arith.constant 7 : i32
    %shift_left3A_168 = arith.shli %shift_right_arithmetic3A_166, %shift_left3A_167 : i32
    %multiple_of3A_169 = tpu.assume_multiple %shift_left3A_168, 128 : i32
    %dma_start3A_170 = arith.constant 5 : i32
    %dma_start3A_171 = arith.constant 0 : i32
    %dma_start3A_172 = arith.constant 0 : i32
    %dma_start3A_173 = tpu.memref_slice %arg6[%dma_start3A_170, %dma_start3A_171, %dma_start3A_172] : memref<16x32x128xf32, #tpu.memory_space<vmem>> -> memref<1x32x128xf32, #tpu.memory_space<vmem>>
    %dma_start3A_174 = tpu.memref_squeeze %dma_start3A_173 : memref<1x32x128xf32, #tpu.memory_space<vmem>> -> memref<32x128xf32, #tpu.memory_space<vmem>>
    %dma_start3A_175 = arith.constant 0 : i32
    %dma_start3A_176 = tpu.memref_slice %arg3[%dma_start3A_175, %multiple_of3A_169] : memref<32x1000001xf32, #tpu.memory_space<hbm>> -> memref<32x128xf32, #tpu.memory_space<hbm>>
    %dma_start3A_177 = arith.constant 0 : i32
    %dma_start3A_178 = arith.constant 0 : i32
    %dma_start3A_179 = tpu.memref_slice %arg6[%dma_start3A_170, %dma_start3A_177, %dma_start3A_178] : memref<16x32x128xf32, #tpu.memory_space<vmem>> -> memref<1x32x128xf32, #tpu.memory_space<vmem>>
    %dma_start3A_180 = tpu.memref_squeeze %dma_start3A_179 : memref<1x32x128xf32, #tpu.memory_space<vmem>> -> memref<32x128xf32, #tpu.memory_space<vmem>>
    %dma_start3A_181 = arith.constant 0 : i32
    %dma_start3A_182 = tpu.memref_slice %arg3[%dma_start3A_181, %multiple_of3A_169] : memref<32x1000001xf32, #tpu.memory_space<hbm>> -> memref<32x128xf32, #tpu.memory_space<hbm>>
    tpu.enqueue_dma source(%dma_start3A_182 : memref<32x128xf32, #tpu.memory_space<hbm>>) target(%dma_start3A_180 : memref<32x128xf32, #tpu.memory_space<vmem>>) target_semaphore(%arg8 : memref<!tpu.dma_semaphore, #tpu.memory_space<semaphore_mem>>)
    %shift_right_arithmetic3A_183 = arith.constant 7 : i32
    %shift_right_arithmetic3A_184 = arith.shrsi %reduce_sum3A_68, %shift_right_arithmetic3A_183 : i32
    %shift_left3A_185 = arith.constant 7 : i32
    %shift_left3A_186 = arith.shli %shift_right_arithmetic3A_184, %shift_left3A_185 : i32
    %multiple_of3A_187 = tpu.assume_multiple %shift_left3A_186, 128 : i32
    %dma_start3A_188 = arith.constant 6 : i32
    %dma_start3A_189 = arith.constant 0 : i32
    %dma_start3A_190 = arith.constant 0 : i32
    %dma_start3A_191 = tpu.memref_slice %arg6[%dma_start3A_188, %dma_start3A_189, %dma_start3A_190] : memref<16x32x128xf32, #tpu.memory_space<vmem>> -> memref<1x32x128xf32, #tpu.memory_space<vmem>>
    %dma_start3A_192 = tpu.memref_squeeze %dma_start3A_191 : memref<1x32x128xf32, #tpu.memory_space<vmem>> -> memref<32x128xf32, #tpu.memory_space<vmem>>
    %dma_start3A_193 = arith.constant 0 : i32
    %dma_start3A_194 = tpu.memref_slice %arg3[%dma_start3A_193, %multiple_of3A_187] : memref<32x1000001xf32, #tpu.memory_space<hbm>> -> memref<32x128xf32, #tpu.memory_space<hbm>>
    %dma_start3A_195 = arith.constant 0 : i32
    %dma_start3A_196 = arith.constant 0 : i32
    %dma_start3A_197 = tpu.memref_slice %arg6[%dma_start3A_188, %dma_start3A_195, %dma_start3A_196] : memref<16x32x128xf32, #tpu.memory_space<vmem>> -> memref<1x32x128xf32, #tpu.memory_space<vmem>>
    %dma_start3A_198 = tpu.memref_squeeze %dma_start3A_197 : memref<1x32x128xf32, #tpu.memory_space<vmem>> -> memref<32x128xf32, #tpu.memory_space<vmem>>
    %dma_start3A_199 = arith.constant 0 : i32
    %dma_start3A_200 = tpu.memref_slice %arg3[%dma_start3A_199, %multiple_of3A_187] : memref<32x1000001xf32, #tpu.memory_space<hbm>> -> memref<32x128xf32, #tpu.memory_space<hbm>>
    tpu.enqueue_dma source(%dma_start3A_200 : memref<32x128xf32, #tpu.memory_space<hbm>>) target(%dma_start3A_198 : memref<32x128xf32, #tpu.memory_space<vmem>>) target_semaphore(%arg8 : memref<!tpu.dma_semaphore, #tpu.memory_space<semaphore_mem>>)
    %shift_right_arithmetic3A_201 = arith.constant 7 : i32
    %shift_right_arithmetic3A_202 = arith.shrsi %reduce_sum3A_78, %shift_right_arithmetic3A_201 : i32
    %shift_left3A_203 = arith.constant 7 : i32
    %shift_left3A_204 = arith.shli %shift_right_arithmetic3A_202, %shift_left3A_203 : i32
    %multiple_of3A_205 = tpu.assume_multiple %shift_left3A_204, 128 : i32
    %dma_start3A_206 = arith.constant 7 : i32
    %dma_start3A_207 = arith.constant 0 : i32
    %dma_start3A_208 = arith.constant 0 : i32
    %dma_start3A_209 = tpu.memref_slice %arg6[%dma_start3A_206, %dma_start3A_207, %dma_start3A_208] : memref<16x32x128xf32, #tpu.memory_space<vmem>> -> memref<1x32x128xf32, #tpu.memory_space<vmem>>
    %dma_start3A_210 = tpu.memref_squeeze %dma_start3A_209 : memref<1x32x128xf32, #tpu.memory_space<vmem>> -> memref<32x128xf32, #tpu.memory_space<vmem>>
    %dma_start3A_211 = arith.constant 0 : i32
    %dma_start3A_212 = tpu.memref_slice %arg3[%dma_start3A_211, %multiple_of3A_205] : memref<32x1000001xf32, #tpu.memory_space<hbm>> -> memref<32x128xf32, #tpu.memory_space<hbm>>
    %dma_start3A_213 = arith.constant 0 : i32
    %dma_start3A_214 = arith.constant 0 : i32
    %dma_start3A_215 = tpu.memref_slice %arg6[%dma_start3A_206, %dma_start3A_213, %dma_start3A_214] : memref<16x32x128xf32, #tpu.memory_space<vmem>> -> memref<1x32x128xf32, #tpu.memory_space<vmem>>
    %dma_start3A_216 = tpu.memref_squeeze %dma_start3A_215 : memref<1x32x128xf32, #tpu.memory_space<vmem>> -> memref<32x128xf32, #tpu.memory_space<vmem>>
    %dma_start3A_217 = arith.constant 0 : i32
    %dma_start3A_218 = tpu.memref_slice %arg3[%dma_start3A_217, %multiple_of3A_205] : memref<32x1000001xf32, #tpu.memory_space<hbm>> -> memref<32x128xf32, #tpu.memory_space<hbm>>
    tpu.enqueue_dma source(%dma_start3A_218 : memref<32x128xf32, #tpu.memory_space<hbm>>) target(%dma_start3A_216 : memref<32x128xf32, #tpu.memory_space<vmem>>) target_semaphore(%arg8 : memref<!tpu.dma_semaphore, #tpu.memory_space<semaphore_mem>>)
    %scan3A = arith.constant 0 : i32
    %scan3A_219 = arith.constant 0 : i32
    %scan3A_220 = arith.constant 32 : i32
    %scan3A_221 = arith.addi %scan3A_219, %scan3A_220 : i32
    %scan3A_222 = arith.constant 1 : i32
    scf.for %scan3A_354 = %scan3A_219 to %scan3A_221 step %scan3A_222  : i32 {
      %iota3A_355 = tpu.iota {dimensions = array<i32: 0>} : vector<16xi32>
      %mul3A_356 = arith.constant 16 : i32
      %mul3A_357 = arith.muli %scan3A_354, %mul3A_356 : i32
      %get3A_358 = arith.index_cast %mul3A_357 : i32 to index
      %get3A_359 = tpu.vector_load %arg5[%get3A_358] {strides = array<i32>} : memref<512xi32, #tpu.memory_space<vmem>>, vector<16xi32>,
      %eq3A_360 = arith.constant 0 : i32
      %eq3A_361 = vector.broadcast %eq3A_360 : i32 to vector<16xi32>
      %eq3A_362 = arith.cmpi eq, %iota3A_355, %eq3A_361 : vector<16xi32>
      %jit3A_363 = arith.constant 0 : i32
      %broadcast_in_dim3A_364 = vector.broadcast %jit3A_363 : i32 to vector<16xi32>
      %select_n3A_365 = arith.select %eq3A_362, %get3A_359, %broadcast_in_dim3A_364 : vector<16xi1>, vector<16xi32>
      %reduce_sum3A_366 = arith.constant true
      %reduce_sum3A_367 = vector.broadcast %reduce_sum3A_366 : i1 to vector<16xi1>
      %reduce_sum3A_368 = tpu.scan <sum>, %select_n3A_365 masked %reduce_sum3A_367 : vector<16xi32>, vector<16xi1> -> vector<16xi32>
      %reduce_sum3A_369 = vector.extract %reduce_sum3A_368[15] : i32 from vector<16xi32>
      %eq3A_370 = arith.constant 1 : i32
      %eq3A_371 = vector.broadcast %eq3A_370 : i32 to vector<16xi32>
      %eq3A_372 = arith.cmpi eq, %iota3A_355, %eq3A_371 : vector<16xi32>
      %jit3A_373 = arith.constant 0 : i32
      %broadcast_in_dim3A_374 = vector.broadcast %jit3A_373 : i32 to vector<16xi32>
      %select_n3A_375 = arith.select %eq3A_372, %get3A_359, %broadcast_in_dim3A_374 : vector<16xi1>, vector<16xi32>
      %reduce_sum3A_376 = arith.constant true
      %reduce_sum3A_377 = vector.broadcast %reduce_sum3A_376 : i1 to vector<16xi1>
      %reduce_sum3A_378 = tpu.scan <sum>, %select_n3A_375 masked %reduce_sum3A_377 : vector<16xi32>, vector<16xi1> -> vector<16xi32>
      %reduce_sum3A_379 = vector.extract %reduce_sum3A_378[15] : i32 from vector<16xi32>
      %eq3A_380 = arith.constant 2 : i32
      %eq3A_381 = vector.broadcast %eq3A_380 : i32 to vector<16xi32>
      %eq3A_382 = arith.cmpi eq, %iota3A_355, %eq3A_381 : vector<16xi32>
      %jit3A_383 = arith.constant 0 : i32
      %broadcast_in_dim3A_384 = vector.broadcast %jit3A_383 : i32 to vector<16xi32>
      %select_n3A_385 = arith.select %eq3A_382, %get3A_359, %broadcast_in_dim3A_384 : vector<16xi1>, vector<16xi32>
      %reduce_sum3A_386 = arith.constant true
      %reduce_sum3A_387 = vector.broadcast %reduce_sum3A_386 : i1 to vector<16xi1>
      %reduce_sum3A_388 = tpu.scan <sum>, %select_n3A_385 masked %reduce_sum3A_387 : vector<16xi32>, vector<16xi1> -> vector<16xi32>
      %reduce_sum3A_389 = vector.extract %reduce_sum3A_388[15] : i32 from vector<16xi32>
      %eq3A_390 = arith.constant 3 : i32
      %eq3A_391 = vector.broadcast %eq3A_390 : i32 to vector<16xi32>
      %eq3A_392 = arith.cmpi eq, %iota3A_355, %eq3A_391 : vector<16xi32>
      %jit3A_393 = arith.constant 0 : i32
      %broadcast_in_dim3A_394 = vector.broadcast %jit3A_393 : i32 to vector<16xi32>
      %select_n3A_395 = arith.select %eq3A_392, %get3A_359, %broadcast_in_dim3A_394 : vector<16xi1>, vector<16xi32>
      %reduce_sum3A_396 = arith.constant true
      %reduce_sum3A_397 = vector.broadcast %reduce_sum3A_396 : i1 to vector<16xi1>
      %reduce_sum3A_398 = tpu.scan <sum>, %select_n3A_395 masked %reduce_sum3A_397 : vector<16xi32>, vector<16xi1> -> vector<16xi32>
      %reduce_sum3A_399 = vector.extract %reduce_sum3A_398[15] : i32 from vector<16xi32>
      %eq3A_400 = arith.constant 4 : i32
      %eq3A_401 = vector.broadcast %eq3A_400 : i32 to vector<16xi32>
      %eq3A_402 = arith.cmpi eq, %iota3A_355, %eq3A_401 : vector<16xi32>
      %jit3A_403 = arith.constant 0 : i32
      %broadcast_in_dim3A_404 = vector.broadcast %jit3A_403 : i32 to vector<16xi32>
      %select_n3A_405 = arith.select %eq3A_402, %get3A_359, %broadcast_in_dim3A_404 : vector<16xi1>, vector<16xi32>
      %reduce_sum3A_406 = arith.constant true
      %reduce_sum3A_407 = vector.broadcast %reduce_sum3A_406 : i1 to vector<16xi1>
      %reduce_sum3A_408 = tpu.scan <sum>, %select_n3A_405 masked %reduce_sum3A_407 : vector<16xi32>, vector<16xi1> -> vector<16xi32>
      %reduce_sum3A_409 = vector.extract %reduce_sum3A_408[15] : i32 from vector<16xi32>
      %eq3A_410 = arith.constant 5 : i32
      %eq3A_411 = vector.broadcast %eq3A_410 : i32 to vector<16xi32>
      %eq3A_412 = arith.cmpi eq, %iota3A_355, %eq3A_411 : vector<16xi32>
      %jit3A_413 = arith.constant 0 : i32
      %broadcast_in_dim3A_414 = vector.broadcast %jit3A_413 : i32 to vector<16xi32>
      %select_n3A_415 = arith.select %eq3A_412, %get3A_359, %broadcast_in_dim3A_414 : vector<16xi1>, vector<16xi32>
      %reduce_sum3A_416 = arith.constant true
      %reduce_sum3A_417 = vector.broadcast %reduce_sum3A_416 : i1 to vector<16xi1>
      %reduce_sum3A_418 = tpu.scan <sum>, %select_n3A_415 masked %reduce_sum3A_417 : vector<16xi32>, vector<16xi1> -> vector<16xi32>
      %reduce_sum3A_419 = vector.extract %reduce_sum3A_418[15] : i32 from vector<16xi32>
      %eq3A_420 = arith.constant 6 : i32
      %eq3A_421 = vector.broadcast %eq3A_420 : i32 to vector<16xi32>
      %eq3A_422 = arith.cmpi eq, %iota3A_355, %eq3A_421 : vector<16xi32>
      %jit3A_423 = arith.constant 0 : i32
      %broadcast_in_dim3A_424 = vector.broadcast %jit3A_423 : i32 to vector<16xi32>
      %select_n3A_425 = arith.select %eq3A_422, %get3A_359, %broadcast_in_dim3A_424 : vector<16xi1>, vector<16xi32>
      %reduce_sum3A_426 = arith.constant true
      %reduce_sum3A_427 = vector.broadcast %reduce_sum3A_426 : i1 to vector<16xi1>
      %reduce_sum3A_428 = tpu.scan <sum>, %select_n3A_425 masked %reduce_sum3A_427 : vector<16xi32>, vector<16xi1> -> vector<16xi32>
      %reduce_sum3A_429 = vector.extract %reduce_sum3A_428[15] : i32 from vector<16xi32>
      %eq3A_430 = arith.constant 7 : i32
      %eq3A_431 = vector.broadcast %eq3A_430 : i32 to vector<16xi32>
      %eq3A_432 = arith.cmpi eq, %iota3A_355, %eq3A_431 : vector<16xi32>
      %jit3A_433 = arith.constant 0 : i32
      %broadcast_in_dim3A_434 = vector.broadcast %jit3A_433 : i32 to vector<16xi32>
      %select_n3A_435 = arith.select %eq3A_432, %get3A_359, %broadcast_in_dim3A_434 : vector<16xi1>, vector<16xi32>
      %reduce_sum3A_436 = arith.constant true
      %reduce_sum3A_437 = vector.broadcast %reduce_sum3A_436 : i1 to vector<16xi1>
      %reduce_sum3A_438 = tpu.scan <sum>, %select_n3A_435 masked %reduce_sum3A_437 : vector<16xi32>, vector<16xi1> -> vector<16xi32>
      %reduce_sum3A_439 = vector.extract %reduce_sum3A_438[15] : i32 from vector<16xi32>
      %iota3A_440 = tpu.iota {dimensions = array<i32: 0>} : vector<16xi32>
      %mul3A_441 = arith.constant 16 : i32
      %mul3A_442 = arith.muli %scan3A_354, %mul3A_441 : i32
      %get3A_443 = arith.index_cast %mul3A_442 : i32 to index
      %get3A_444 = tpu.vector_load %arg5[%get3A_443] {strides = array<i32>} : memref<512xi32, #tpu.memory_space<vmem>>, vector<16xi32>,
      %eq3A_445 = arith.constant 8 : i32
      %eq3A_446 = vector.broadcast %eq3A_445 : i32 to vector<16xi32>
      %eq3A_447 = arith.cmpi eq, %iota3A_440, %eq3A_446 : vector<16xi32>
      %jit3A_448 = arith.constant 0 : i32
      %broadcast_in_dim3A_449 = vector.broadcast %jit3A_448 : i32 to vector<16xi32>
      %select_n3A_450 = arith.select %eq3A_447, %get3A_444, %broadcast_in_dim3A_449 : vector<16xi1>, vector<16xi32>
      %reduce_sum3A_451 = arith.constant true
      %reduce_sum3A_452 = vector.broadcast %reduce_sum3A_451 : i1 to vector<16xi1>
      %reduce_sum3A_453 = tpu.scan <sum>, %select_n3A_450 masked %reduce_sum3A_452 : vector<16xi32>, vector<16xi1> -> vector<16xi32>
      %reduce_sum3A_454 = vector.extract %reduce_sum3A_453[15] : i32 from vector<16xi32>
      %eq3A_455 = arith.constant 9 : i32
      %eq3A_456 = vector.broadcast %eq3A_455 : i32 to vector<16xi32>
      %eq3A_457 = arith.cmpi eq, %iota3A_440, %eq3A_456 : vector<16xi32>
      %jit3A_458 = arith.constant 0 : i32
      %broadcast_in_dim3A_459 = vector.broadcast %jit3A_458 : i32 to vector<16xi32>
      %select_n3A_460 = arith.select %eq3A_457, %get3A_444, %broadcast_in_dim3A_459 : vector<16xi1>, vector<16xi32>
      %reduce_sum3A_461 = arith.constant true
      %reduce_sum3A_462 = vector.broadcast %reduce_sum3A_461 : i1 to vector<16xi1>
      %reduce_sum3A_463 = tpu.scan <sum>, %select_n3A_460 masked %reduce_sum3A_462 : vector<16xi32>, vector<16xi1> -> vector<16xi32>
      %reduce_sum3A_464 = vector.extract %reduce_sum3A_463[15] : i32 from vector<16xi32>
      %eq3A_465 = arith.constant 10 : i32
      %eq3A_466 = vector.broadcast %eq3A_465 : i32 to vector<16xi32>
      %eq3A_467 = arith.cmpi eq, %iota3A_440, %eq3A_466 : vector<16xi32>
      %jit3A_468 = arith.constant 0 : i32
      %broadcast_in_dim3A_469 = vector.broadcast %jit3A_468 : i32 to vector<16xi32>
      %select_n3A_470 = arith.select %eq3A_467, %get3A_444, %broadcast_in_dim3A_469 : vector<16xi1>, vector<16xi32>
      %reduce_sum3A_471 = arith.constant true
      %reduce_sum3A_472 = vector.broadcast %reduce_sum3A_471 : i1 to vector<16xi1>
      %reduce_sum3A_473 = tpu.scan <sum>, %select_n3A_470 masked %reduce_sum3A_472 : vector<16xi32>, vector<16xi1> -> vector<16xi32>
      %reduce_sum3A_474 = vector.extract %reduce_sum3A_473[15] : i32 from vector<16xi32>
      %eq3A_475 = arith.constant 11 : i32
      %eq3A_476 = vector.broadcast %eq3A_475 : i32 to vector<16xi32>
      %eq3A_477 = arith.cmpi eq, %iota3A_440, %eq3A_476 : vector<16xi32>
      %jit3A_478 = arith.constant 0 : i32
      %broadcast_in_dim3A_479 = vector.broadcast %jit3A_478 : i32 to vector<16xi32>
      %select_n3A_480 = arith.select %eq3A_477, %get3A_444, %broadcast_in_dim3A_479 : vector<16xi1>, vector<16xi32>
      %reduce_sum3A_481 = arith.constant true
      %reduce_sum3A_482 = vector.broadcast %reduce_sum3A_481 : i1 to vector<16xi1>
      %reduce_sum3A_483 = tpu.scan <sum>, %select_n3A_480 masked %reduce_sum3A_482 : vector<16xi32>, vector<16xi1> -> vector<16xi32>
      %reduce_sum3A_484 = vector.extract %reduce_sum3A_483[15] : i32 from vector<16xi32>
      %eq3A_485 = arith.constant 12 : i32
      %eq3A_486 = vector.broadcast %eq3A_485 : i32 to vector<16xi32>
      %eq3A_487 = arith.cmpi eq, %iota3A_440, %eq3A_486 : vector<16xi32>
      %jit3A_488 = arith.constant 0 : i32
      %broadcast_in_dim3A_489 = vector.broadcast %jit3A_488 : i32 to vector<16xi32>
      %select_n3A_490 = arith.select %eq3A_487, %get3A_444, %broadcast_in_dim3A_489 : vector<16xi1>, vector<16xi32>
      %reduce_sum3A_491 = arith.constant true
      %reduce_sum3A_492 = vector.broadcast %reduce_sum3A_491 : i1 to vector<16xi1>
      %reduce_sum3A_493 = tpu.scan <sum>, %select_n3A_490 masked %reduce_sum3A_492 : vector<16xi32>, vector<16xi1> -> vector<16xi32>
      %reduce_sum3A_494 = vector.extract %reduce_sum3A_493[15] : i32 from vector<16xi32>
      %eq3A_495 = arith.constant 13 : i32
      %eq3A_496 = vector.broadcast %eq3A_495 : i32 to vector<16xi32>
      %eq3A_497 = arith.cmpi eq, %iota3A_440, %eq3A_496 : vector<16xi32>
      %jit3A_498 = arith.constant 0 : i32
      %broadcast_in_dim3A_499 = vector.broadcast %jit3A_498 : i32 to vector<16xi32>
      %select_n3A_500 = arith.select %eq3A_497, %get3A_444, %broadcast_in_dim3A_499 : vector<16xi1>, vector<16xi32>
      %reduce_sum3A_501 = arith.constant true
      %reduce_sum3A_502 = vector.broadcast %reduce_sum3A_501 : i1 to vector<16xi1>
      %reduce_sum3A_503 = tpu.scan <sum>, %select_n3A_500 masked %reduce_sum3A_502 : vector<16xi32>, vector<16xi1> -> vector<16xi32>
      %reduce_sum3A_504 = vector.extract %reduce_sum3A_503[15] : i32 from vector<16xi32>
      %eq3A_505 = arith.constant 14 : i32
      %eq3A_506 = vector.broadcast %eq3A_505 : i32 to vector<16xi32>
      %eq3A_507 = arith.cmpi eq, %iota3A_440, %eq3A_506 : vector<16xi32>
      %jit3A_508 = arith.constant 0 : i32
      %broadcast_in_dim3A_509 = vector.broadcast %jit3A_508 : i32 to vector<16xi32>
      %select_n3A_510 = arith.select %eq3A_507, %get3A_444, %broadcast_in_dim3A_509 : vector<16xi1>, vector<16xi32>
      %reduce_sum3A_511 = arith.constant true
      %reduce_sum3A_512 = vector.broadcast %reduce_sum3A_511 : i1 to vector<16xi1>
      %reduce_sum3A_513 = tpu.scan <sum>, %select_n3A_510 masked %reduce_sum3A_512 : vector<16xi32>, vector<16xi1> -> vector<16xi32>
      %reduce_sum3A_514 = vector.extract %reduce_sum3A_513[15] : i32 from vector<16xi32>
      %eq3A_515 = arith.constant 15 : i32
      %eq3A_516 = vector.broadcast %eq3A_515 : i32 to vector<16xi32>
      %eq3A_517 = arith.cmpi eq, %iota3A_440, %eq3A_516 : vector<16xi32>
      %jit3A_518 = arith.constant 0 : i32
      %broadcast_in_dim3A_519 = vector.broadcast %jit3A_518 : i32 to vector<16xi32>
      %select_n3A_520 = arith.select %eq3A_517, %get3A_444, %broadcast_in_dim3A_519 : vector<16xi1>, vector<16xi32>
      %reduce_sum3A_521 = arith.constant true
      %reduce_sum3A_522 = vector.broadcast %reduce_sum3A_521 : i1 to vector<16xi1>
      %reduce_sum3A_523 = tpu.scan <sum>, %select_n3A_520 masked %reduce_sum3A_522 : vector<16xi32>, vector<16xi1> -> vector<16xi32>
      %reduce_sum3A_524 = vector.extract %reduce_sum3A_523[15] : i32 from vector<16xi32>
      %shift_right_arithmetic3A_525 = arith.constant 7 : i32
      %shift_right_arithmetic3A_526 = arith.shrsi %reduce_sum3A_454, %shift_right_arithmetic3A_525 : i32
      %shift_left3A_527 = arith.constant 7 : i32
      %shift_left3A_528 = arith.shli %shift_right_arithmetic3A_526, %shift_left3A_527 : i32
      %multiple_of3A_529 = tpu.assume_multiple %shift_left3A_528, 128 : i32
      %dma_start3A_530 = arith.constant 8 : i32
      %dma_start3A_531 = arith.constant 0 : i32
      %dma_start3A_532 = arith.constant 0 : i32
      %dma_start3A_533 = tpu.memref_slice %arg6[%dma_start3A_530, %dma_start3A_531, %dma_start3A_532] : memref<16x32x128xf32, #tpu.memory_space<vmem>> -> memref<1x32x128xf32, #tpu.memory_space<vmem>>
      %dma_start3A_534 = tpu.memref_squeeze %dma_start3A_533 : memref<1x32x128xf32, #tpu.memory_space<vmem>> -> memref<32x128xf32, #tpu.memory_space<vmem>>
      %dma_start3A_535 = arith.constant 0 : i32
      %dma_start3A_536 = tpu.memref_slice %arg3[%dma_start3A_535, %multiple_of3A_529] : memref<32x1000001xf32, #tpu.memory_space<hbm>> -> memref<32x128xf32, #tpu.memory_space<hbm>>
      %dma_start3A_537 = arith.constant 0 : i32
      %dma_start3A_538 = arith.constant 0 : i32
      %dma_start3A_539 = tpu.memref_slice %arg6[%dma_start3A_530, %dma_start3A_537, %dma_start3A_538] : memref<16x32x128xf32, #tpu.memory_space<vmem>> -> memref<1x32x128xf32, #tpu.memory_space<vmem>>
      %dma_start3A_540 = tpu.memref_squeeze %dma_start3A_539 : memref<1x32x128xf32, #tpu.memory_space<vmem>> -> memref<32x128xf32, #tpu.memory_space<vmem>>
      %dma_start3A_541 = arith.constant 0 : i32
      %dma_start3A_542 = tpu.memref_slice %arg3[%dma_start3A_541, %multiple_of3A_529] : memref<32x1000001xf32, #tpu.memory_space<hbm>> -> memref<32x128xf32, #tpu.memory_space<hbm>>
      tpu.enqueue_dma source(%dma_start3A_542 : memref<32x128xf32, #tpu.memory_space<hbm>>) target(%dma_start3A_540 : memref<32x128xf32, #tpu.memory_space<vmem>>) target_semaphore(%arg9 : memref<!tpu.dma_semaphore, #tpu.memory_space<semaphore_mem>>)
      %shift_right_arithmetic3A_543 = arith.constant 7 : i32
      %shift_right_arithmetic3A_544 = arith.shrsi %reduce_sum3A_464, %shift_right_arithmetic3A_543 : i32
      %shift_left3A_545 = arith.constant 7 : i32
      %shift_left3A_546 = arith.shli %shift_right_arithmetic3A_544, %shift_left3A_545 : i32
      %multiple_of3A_547 = tpu.assume_multiple %shift_left3A_546, 128 : i32
      %dma_start3A_548 = arith.constant 9 : i32
      %dma_start3A_549 = arith.constant 0 : i32
      %dma_start3A_550 = arith.constant 0 : i32
      %dma_start3A_551 = tpu.memref_slice %arg6[%dma_start3A_548, %dma_start3A_549, %dma_start3A_550] : memref<16x32x128xf32, #tpu.memory_space<vmem>> -> memref<1x32x128xf32, #tpu.memory_space<vmem>>
      %dma_start3A_552 = tpu.memref_squeeze %dma_start3A_551 : memref<1x32x128xf32, #tpu.memory_space<vmem>> -> memref<32x128xf32, #tpu.memory_space<vmem>>
      %dma_start3A_553 = arith.constant 0 : i32
      %dma_start3A_554 = tpu.memref_slice %arg3[%dma_start3A_553, %multiple_of3A_547] : memref<32x1000001xf32, #tpu.memory_space<hbm>> -> memref<32x128xf32, #tpu.memory_space<hbm>>
      %dma_start3A_555 = arith.constant 0 : i32
      %dma_start3A_556 = arith.constant 0 : i32
      %dma_start3A_557 = tpu.memref_slice %arg6[%dma_start3A_548, %dma_start3A_555, %dma_start3A_556] : memref<16x32x128xf32, #tpu.memory_space<vmem>> -> memref<1x32x128xf32, #tpu.memory_space<vmem>>
      %dma_start3A_558 = tpu.memref_squeeze %dma_start3A_557 : memref<1x32x128xf32, #tpu.memory_space<vmem>> -> memref<32x128xf32, #tpu.memory_space<vmem>>
      %dma_start3A_559 = arith.constant 0 : i32
      %dma_start3A_560 = tpu.memref_slice %arg3[%dma_start3A_559, %multiple_of3A_547] : memref<32x1000001xf32, #tpu.memory_space<hbm>> -> memref<32x128xf32, #tpu.memory_space<hbm>>
      tpu.enqueue_dma source(%dma_start3A_560 : memref<32x128xf32, #tpu.memory_space<hbm>>) target(%dma_start3A_558 : memref<32x128xf32, #tpu.memory_space<vmem>>) target_semaphore(%arg9 : memref<!tpu.dma_semaphore, #tpu.memory_space<semaphore_mem>>)
      %shift_right_arithmetic3A_561 = arith.constant 7 : i32
      %shift_right_arithmetic3A_562 = arith.shrsi %reduce_sum3A_474, %shift_right_arithmetic3A_561 : i32
      %shift_left3A_563 = arith.constant 7 : i32
      %shift_left3A_564 = arith.shli %shift_right_arithmetic3A_562, %shift_left3A_563 : i32
      %multiple_of3A_565 = tpu.assume_multiple %shift_left3A_564, 128 : i32
      %dma_start3A_566 = arith.constant 10 : i32
      %dma_start3A_567 = arith.constant 0 : i32
      %dma_start3A_568 = arith.constant 0 : i32
      %dma_start3A_569 = tpu.memref_slice %arg6[%dma_start3A_566, %dma_start3A_567, %dma_start3A_568] : memref<16x32x128xf32, #tpu.memory_space<vmem>> -> memref<1x32x128xf32, #tpu.memory_space<vmem>>
      %dma_start3A_570 = tpu.memref_squeeze %dma_start3A_569 : memref<1x32x128xf32, #tpu.memory_space<vmem>> -> memref<32x128xf32, #tpu.memory_space<vmem>>
      %dma_start3A_571 = arith.constant 0 : i32
      %dma_start3A_572 = tpu.memref_slice %arg3[%dma_start3A_571, %multiple_of3A_565] : memref<32x1000001xf32, #tpu.memory_space<hbm>> -> memref<32x128xf32, #tpu.memory_space<hbm>>
      %dma_start3A_573 = arith.constant 0 : i32
      %dma_start3A_574 = arith.constant 0 : i32
      %dma_start3A_575 = tpu.memref_slice %arg6[%dma_start3A_566, %dma_start3A_573, %dma_start3A_574] : memref<16x32x128xf32, #tpu.memory_space<vmem>> -> memref<1x32x128xf32, #tpu.memory_space<vmem>>
      %dma_start3A_576 = tpu.memref_squeeze %dma_start3A_575 : memref<1x32x128xf32, #tpu.memory_space<vmem>> -> memref<32x128xf32, #tpu.memory_space<vmem>>
      %dma_start3A_577 = arith.constant 0 : i32
      %dma_start3A_578 = tpu.memref_slice %arg3[%dma_start3A_577, %multiple_of3A_565] : memref<32x1000001xf32, #tpu.memory_space<hbm>> -> memref<32x128xf32, #tpu.memory_space<hbm>>
      tpu.enqueue_dma source(%dma_start3A_578 : memref<32x128xf32, #tpu.memory_space<hbm>>) target(%dma_start3A_576 : memref<32x128xf32, #tpu.memory_space<vmem>>) target_semaphore(%arg9 : memref<!tpu.dma_semaphore, #tpu.memory_space<semaphore_mem>>)
      %shift_right_arithmetic3A_579 = arith.constant 7 : i32
      %shift_right_arithmetic3A_580 = arith.shrsi %reduce_sum3A_484, %shift_right_arithmetic3A_579 : i32
      %shift_left3A_581 = arith.constant 7 : i32
      %shift_left3A_582 = arith.shli %shift_right_arithmetic3A_580, %shift_left3A_581 : i32
      %multiple_of3A_583 = tpu.assume_multiple %shift_left3A_582, 128 : i32
      %dma_start3A_584 = arith.constant 11 : i32
      %dma_start3A_585 = arith.constant 0 : i32
      %dma_start3A_586 = arith.constant 0 : i32
      %dma_start3A_587 = tpu.memref_slice %arg6[%dma_start3A_584, %dma_start3A_585, %dma_start3A_586] : memref<16x32x128xf32, #tpu.memory_space<vmem>> -> memref<1x32x128xf32, #tpu.memory_space<vmem>>
      %dma_start3A_588 = tpu.memref_squeeze %dma_start3A_587 : memref<1x32x128xf32, #tpu.memory_space<vmem>> -> memref<32x128xf32, #tpu.memory_space<vmem>>
      %dma_start3A_589 = arith.constant 0 : i32
      %dma_start3A_590 = tpu.memref_slice %arg3[%dma_start3A_589, %multiple_of3A_583] : memref<32x1000001xf32, #tpu.memory_space<hbm>> -> memref<32x128xf32, #tpu.memory_space<hbm>>
      %dma_start3A_591 = arith.constant 0 : i32
      %dma_start3A_592 = arith.constant 0 : i32
      %dma_start3A_593 = tpu.memref_slice %arg6[%dma_start3A_584, %dma_start3A_591, %dma_start3A_592] : memref<16x32x128xf32, #tpu.memory_space<vmem>> -> memref<1x32x128xf32, #tpu.memory_space<vmem>>
      %dma_start3A_594 = tpu.memref_squeeze %dma_start3A_593 : memref<1x32x128xf32, #tpu.memory_space<vmem>> -> memref<32x128xf32, #tpu.memory_space<vmem>>
      %dma_start3A_595 = arith.constant 0 : i32
      %dma_start3A_596 = tpu.memref_slice %arg3[%dma_start3A_595, %multiple_of3A_583] : memref<32x1000001xf32, #tpu.memory_space<hbm>> -> memref<32x128xf32, #tpu.memory_space<hbm>>
      tpu.enqueue_dma source(%dma_start3A_596 : memref<32x128xf32, #tpu.memory_space<hbm>>) target(%dma_start3A_594 : memref<32x128xf32, #tpu.memory_space<vmem>>) target_semaphore(%arg9 : memref<!tpu.dma_semaphore, #tpu.memory_space<semaphore_mem>>)
      %shift_right_arithmetic3A_597 = arith.constant 7 : i32
      %shift_right_arithmetic3A_598 = arith.shrsi %reduce_sum3A_494, %shift_right_arithmetic3A_597 : i32
      %shift_left3A_599 = arith.constant 7 : i32
      %shift_left3A_600 = arith.shli %shift_right_arithmetic3A_598, %shift_left3A_599 : i32
      %multiple_of3A_601 = tpu.assume_multiple %shift_left3A_600, 128 : i32
      %dma_start3A_602 = arith.constant 12 : i32
      %dma_start3A_603 = arith.constant 0 : i32
      %dma_start3A_604 = arith.constant 0 : i32
      %dma_start3A_605 = tpu.memref_slice %arg6[%dma_start3A_602, %dma_start3A_603, %dma_start3A_604] : memref<16x32x128xf32, #tpu.memory_space<vmem>> -> memref<1x32x128xf32, #tpu.memory_space<vmem>>
      %dma_start3A_606 = tpu.memref_squeeze %dma_start3A_605 : memref<1x32x128xf32, #tpu.memory_space<vmem>> -> memref<32x128xf32, #tpu.memory_space<vmem>>
      %dma_start3A_607 = arith.constant 0 : i32
      %dma_start3A_608 = tpu.memref_slice %arg3[%dma_start3A_607, %multiple_of3A_601] : memref<32x1000001xf32, #tpu.memory_space<hbm>> -> memref<32x128xf32, #tpu.memory_space<hbm>>
      %dma_start3A_609 = arith.constant 0 : i32
      %dma_start3A_610 = arith.constant 0 : i32
      %dma_start3A_611 = tpu.memref_slice %arg6[%dma_start3A_602, %dma_start3A_609, %dma_start3A_610] : memref<16x32x128xf32, #tpu.memory_space<vmem>> -> memref<1x32x128xf32, #tpu.memory_space<vmem>>
      %dma_start3A_612 = tpu.memref_squeeze %dma_start3A_611 : memref<1x32x128xf32, #tpu.memory_space<vmem>> -> memref<32x128xf32, #tpu.memory_space<vmem>>
      %dma_start3A_613 = arith.constant 0 : i32
      %dma_start3A_614 = tpu.memref_slice %arg3[%dma_start3A_613, %multiple_of3A_601] : memref<32x1000001xf32, #tpu.memory_space<hbm>> -> memref<32x128xf32, #tpu.memory_space<hbm>>
      tpu.enqueue_dma source(%dma_start3A_614 : memref<32x128xf32, #tpu.memory_space<hbm>>) target(%dma_start3A_612 : memref<32x128xf32, #tpu.memory_space<vmem>>) target_semaphore(%arg9 : memref<!tpu.dma_semaphore, #tpu.memory_space<semaphore_mem>>)
      %shift_right_arithmetic3A_615 = arith.constant 7 : i32
      %shift_right_arithmetic3A_616 = arith.shrsi %reduce_sum3A_504, %shift_right_arithmetic3A_615 : i32
      %shift_left3A_617 = arith.constant 7 : i32
      %shift_left3A_618 = arith.shli %shift_right_arithmetic3A_616, %shift_left3A_617 : i32
      %multiple_of3A_619 = tpu.assume_multiple %shift_left3A_618, 128 : i32
      %dma_start3A_620 = arith.constant 13 : i32
      %dma_start3A_621 = arith.constant 0 : i32
      %dma_start3A_622 = arith.constant 0 : i32
      %dma_start3A_623 = tpu.memref_slice %arg6[%dma_start3A_620, %dma_start3A_621, %dma_start3A_622] : memref<16x32x128xf32, #tpu.memory_space<vmem>> -> memref<1x32x128xf32, #tpu.memory_space<vmem>>
      %dma_start3A_624 = tpu.memref_squeeze %dma_start3A_623 : memref<1x32x128xf32, #tpu.memory_space<vmem>> -> memref<32x128xf32, #tpu.memory_space<vmem>>
      %dma_start3A_625 = arith.constant 0 : i32
      %dma_start3A_626 = tpu.memref_slice %arg3[%dma_start3A_625, %multiple_of3A_619] : memref<32x1000001xf32, #tpu.memory_space<hbm>> -> memref<32x128xf32, #tpu.memory_space<hbm>>
      %dma_start3A_627 = arith.constant 0 : i32
      %dma_start3A_628 = arith.constant 0 : i32
      %dma_start3A_629 = tpu.memref_slice %arg6[%dma_start3A_620, %dma_start3A_627, %dma_start3A_628] : memref<16x32x128xf32, #tpu.memory_space<vmem>> -> memref<1x32x128xf32, #tpu.memory_space<vmem>>
      %dma_start3A_630 = tpu.memref_squeeze %dma_start3A_629 : memref<1x32x128xf32, #tpu.memory_space<vmem>> -> memref<32x128xf32, #tpu.memory_space<vmem>>
      %dma_start3A_631 = arith.constant 0 : i32
      %dma_start3A_632 = tpu.memref_slice %arg3[%dma_start3A_631, %multiple_of3A_619] : memref<32x1000001xf32, #tpu.memory_space<hbm>> -> memref<32x128xf32, #tpu.memory_space<hbm>>
      tpu.enqueue_dma source(%dma_start3A_632 : memref<32x128xf32, #tpu.memory_space<hbm>>) target(%dma_start3A_630 : memref<32x128xf32, #tpu.memory_space<vmem>>) target_semaphore(%arg9 : memref<!tpu.dma_semaphore, #tpu.memory_space<semaphore_mem>>)
      %shift_right_arithmetic3A_633 = arith.constant 7 : i32
      %shift_right_arithmetic3A_634 = arith.shrsi %reduce_sum3A_514, %shift_right_arithmetic3A_633 : i32
      %shift_left3A_635 = arith.constant 7 : i32
      %shift_left3A_636 = arith.shli %shift_right_arithmetic3A_634, %shift_left3A_635 : i32
      %multiple_of3A_637 = tpu.assume_multiple %shift_left3A_636, 128 : i32
      %dma_start3A_638 = arith.constant 14 : i32
      %dma_start3A_639 = arith.constant 0 : i32
      %dma_start3A_640 = arith.constant 0 : i32
      %dma_start3A_641 = tpu.memref_slice %arg6[%dma_start3A_638, %dma_start3A_639, %dma_start3A_640] : memref<16x32x128xf32, #tpu.memory_space<vmem>> -> memref<1x32x128xf32, #tpu.memory_space<vmem>>
      %dma_start3A_642 = tpu.memref_squeeze %dma_start3A_641 : memref<1x32x128xf32, #tpu.memory_space<vmem>> -> memref<32x128xf32, #tpu.memory_space<vmem>>
      %dma_start3A_643 = arith.constant 0 : i32
      %dma_start3A_644 = tpu.memref_slice %arg3[%dma_start3A_643, %multiple_of3A_637] : memref<32x1000001xf32, #tpu.memory_space<hbm>> -> memref<32x128xf32, #tpu.memory_space<hbm>>
      %dma_start3A_645 = arith.constant 0 : i32
      %dma_start3A_646 = arith.constant 0 : i32
      %dma_start3A_647 = tpu.memref_slice %arg6[%dma_start3A_638, %dma_start3A_645, %dma_start3A_646] : memref<16x32x128xf32, #tpu.memory_space<vmem>> -> memref<1x32x128xf32, #tpu.memory_space<vmem>>
      %dma_start3A_648 = tpu.memref_squeeze %dma_start3A_647 : memref<1x32x128xf32, #tpu.memory_space<vmem>> -> memref<32x128xf32, #tpu.memory_space<vmem>>
      %dma_start3A_649 = arith.constant 0 : i32
      %dma_start3A_650 = tpu.memref_slice %arg3[%dma_start3A_649, %multiple_of3A_637] : memref<32x1000001xf32, #tpu.memory_space<hbm>> -> memref<32x128xf32, #tpu.memory_space<hbm>>
      tpu.enqueue_dma source(%dma_start3A_650 : memref<32x128xf32, #tpu.memory_space<hbm>>) target(%dma_start3A_648 : memref<32x128xf32, #tpu.memory_space<vmem>>) target_semaphore(%arg9 : memref<!tpu.dma_semaphore, #tpu.memory_space<semaphore_mem>>)
      %shift_right_arithmetic3A_651 = arith.constant 7 : i32
      %shift_right_arithmetic3A_652 = arith.shrsi %reduce_sum3A_524, %shift_right_arithmetic3A_651 : i32
      %shift_left3A_653 = arith.constant 7 : i32
      %shift_left3A_654 = arith.shli %shift_right_arithmetic3A_652, %shift_left3A_653 : i32
      %multiple_of3A_655 = tpu.assume_multiple %shift_left3A_654, 128 : i32
      %dma_start3A_656 = arith.constant 15 : i32
      %dma_start3A_657 = arith.constant 0 : i32
      %dma_start3A_658 = arith.constant 0 : i32
      %dma_start3A_659 = tpu.memref_slice %arg6[%dma_start3A_656, %dma_start3A_657, %dma_start3A_658] : memref<16x32x128xf32, #tpu.memory_space<vmem>> -> memref<1x32x128xf32, #tpu.memory_space<vmem>>
      %dma_start3A_660 = tpu.memref_squeeze %dma_start3A_659 : memref<1x32x128xf32, #tpu.memory_space<vmem>> -> memref<32x128xf32, #tpu.memory_space<vmem>>
      %dma_start3A_661 = arith.constant 0 : i32
      %dma_start3A_662 = tpu.memref_slice %arg3[%dma_start3A_661, %multiple_of3A_655] : memref<32x1000001xf32, #tpu.memory_space<hbm>> -> memref<32x128xf32, #tpu.memory_space<hbm>>
      %dma_start3A_663 = arith.constant 0 : i32
      %dma_start3A_664 = arith.constant 0 : i32
      %dma_start3A_665 = tpu.memref_slice %arg6[%dma_start3A_656, %dma_start3A_663, %dma_start3A_664] : memref<16x32x128xf32, #tpu.memory_space<vmem>> -> memref<1x32x128xf32, #tpu.memory_space<vmem>>
      %dma_start3A_666 = tpu.memref_squeeze %dma_start3A_665 : memref<1x32x128xf32, #tpu.memory_space<vmem>> -> memref<32x128xf32, #tpu.memory_space<vmem>>
      %dma_start3A_667 = arith.constant 0 : i32
      %dma_start3A_668 = tpu.memref_slice %arg3[%dma_start3A_667, %multiple_of3A_655] : memref<32x1000001xf32, #tpu.memory_space<hbm>> -> memref<32x128xf32, #tpu.memory_space<hbm>>
      tpu.enqueue_dma source(%dma_start3A_668 : memref<32x128xf32, #tpu.memory_space<hbm>>) target(%dma_start3A_666 : memref<32x128xf32, #tpu.memory_space<vmem>>) target_semaphore(%arg9 : memref<!tpu.dma_semaphore, #tpu.memory_space<semaphore_mem>>)
      %dma_wait3A_669 = arith.constant 0 : i32
      %dma_wait3A_670 = arith.constant 0 : i32
      %dma_wait3A_671 = arith.constant 0 : i32
      %dma_wait3A_672 = tpu.memref_slice %arg6[%dma_wait3A_669, %dma_wait3A_670, %dma_wait3A_671] : memref<16x32x128xf32, #tpu.memory_space<vmem>> -> memref<1x32x128xf32, #tpu.memory_space<vmem>>
      %dma_wait3A_673 = tpu.memref_squeeze %dma_wait3A_672 : memref<1x32x128xf32, #tpu.memory_space<vmem>> -> memref<32x128xf32, #tpu.memory_space<vmem>>
      %dma_wait3A_674 = arith.constant 0 : i32
      %dma_wait3A_675 = arith.constant 0 : i32
      %dma_wait3A_676 = tpu.memref_slice %arg3[%dma_wait3A_674, %dma_wait3A_675] : memref<32x1000001xf32, #tpu.memory_space<hbm>> -> memref<32x128xf32, #tpu.memory_space<hbm>>
      %dma_wait3A_677 = arith.constant 0 : i32
      %dma_wait3A_678 = arith.constant 0 : i32
      %dma_wait3A_679 = tpu.memref_slice %arg6[%dma_wait3A_669, %dma_wait3A_677, %dma_wait3A_678] : memref<16x32x128xf32, #tpu.memory_space<vmem>> -> memref<1x32x128xf32, #tpu.memory_space<vmem>>
      %dma_wait3A_680 = tpu.memref_squeeze %dma_wait3A_679 : memref<1x32x128xf32, #tpu.memory_space<vmem>> -> memref<32x128xf32, #tpu.memory_space<vmem>>
      %dma_wait3A_681 = arith.constant 0 : i32
      %dma_wait3A_682 = arith.constant 0 : i32
      %dma_wait3A_683 = tpu.memref_slice %arg3[%dma_wait3A_681, %dma_wait3A_682] : memref<32x1000001xf32, #tpu.memory_space<hbm>> -> memref<32x128xf32, #tpu.memory_space<hbm>>
      tpu.wait_dma2 semaphore(%arg8 : memref<!tpu.dma_semaphore, #tpu.memory_space<semaphore_mem>>) src(%dma_wait3A_683 : memref<32x128xf32, #tpu.memory_space<hbm>>) dst(%dma_wait3A_680 : memref<32x128xf32, #tpu.memory_space<vmem>>)
      %dma_wait3A_684 = arith.constant 1 : i32
      %dma_wait3A_685 = arith.constant 0 : i32
      %dma_wait3A_686 = arith.constant 0 : i32
      %dma_wait3A_687 = tpu.memref_slice %arg6[%dma_wait3A_684, %dma_wait3A_685, %dma_wait3A_686] : memref<16x32x128xf32, #tpu.memory_space<vmem>> -> memref<1x32x128xf32, #tpu.memory_space<vmem>>
      %dma_wait3A_688 = tpu.memref_squeeze %dma_wait3A_687 : memref<1x32x128xf32, #tpu.memory_space<vmem>> -> memref<32x128xf32, #tpu.memory_space<vmem>>
      %dma_wait3A_689 = arith.constant 0 : i32
      %dma_wait3A_690 = arith.constant 0 : i32
      %dma_wait3A_691 = tpu.memref_slice %arg3[%dma_wait3A_689, %dma_wait3A_690] : memref<32x1000001xf32, #tpu.memory_space<hbm>> -> memref<32x128xf32, #tpu.memory_space<hbm>>
      %dma_wait3A_692 = arith.constant 0 : i32
      %dma_wait3A_693 = arith.constant 0 : i32
      %dma_wait3A_694 = tpu.memref_slice %arg6[%dma_wait3A_684, %dma_wait3A_692, %dma_wait3A_693] : memref<16x32x128xf32, #tpu.memory_space<vmem>> -> memref<1x32x128xf32, #tpu.memory_space<vmem>>
      %dma_wait3A_695 = tpu.memref_squeeze %dma_wait3A_694 : memref<1x32x128xf32, #tpu.memory_space<vmem>> -> memref<32x128xf32, #tpu.memory_space<vmem>>
      %dma_wait3A_696 = arith.constant 0 : i32
      %dma_wait3A_697 = arith.constant 0 : i32
      %dma_wait3A_698 = tpu.memref_slice %arg3[%dma_wait3A_696, %dma_wait3A_697] : memref<32x1000001xf32, #tpu.memory_space<hbm>> -> memref<32x128xf32, #tpu.memory_space<hbm>>
      tpu.wait_dma2 semaphore(%arg8 : memref<!tpu.dma_semaphore, #tpu.memory_space<semaphore_mem>>) src(%dma_wait3A_698 : memref<32x128xf32, #tpu.memory_space<hbm>>) dst(%dma_wait3A_695 : memref<32x128xf32, #tpu.memory_space<vmem>>)
      %dma_wait3A_699 = arith.constant 2 : i32
      %dma_wait3A_700 = arith.constant 0 : i32
      %dma_wait3A_701 = arith.constant 0 : i32
      %dma_wait3A_702 = tpu.memref_slice %arg6[%dma_wait3A_699, %dma_wait3A_700, %dma_wait3A_701] : memref<16x32x128xf32, #tpu.memory_space<vmem>> -> memref<1x32x128xf32, #tpu.memory_space<vmem>>
      %dma_wait3A_703 = tpu.memref_squeeze %dma_wait3A_702 : memref<1x32x128xf32, #tpu.memory_space<vmem>> -> memref<32x128xf32, #tpu.memory_space<vmem>>
      %dma_wait3A_704 = arith.constant 0 : i32
      %dma_wait3A_705 = arith.constant 0 : i32
      %dma_wait3A_706 = tpu.memref_slice %arg3[%dma_wait3A_704, %dma_wait3A_705] : memref<32x1000001xf32, #tpu.memory_space<hbm>> -> memref<32x128xf32, #tpu.memory_space<hbm>>
      %dma_wait3A_707 = arith.constant 0 : i32
      %dma_wait3A_708 = arith.constant 0 : i32
      %dma_wait3A_709 = tpu.memref_slice %arg6[%dma_wait3A_699, %dma_wait3A_707, %dma_wait3A_708] : memref<16x32x128xf32, #tpu.memory_space<vmem>> -> memref<1x32x128xf32, #tpu.memory_space<vmem>>
      %dma_wait3A_710 = tpu.memref_squeeze %dma_wait3A_709 : memref<1x32x128xf32, #tpu.memory_space<vmem>> -> memref<32x128xf32, #tpu.memory_space<vmem>>
      %dma_wait3A_711 = arith.constant 0 : i32
      %dma_wait3A_712 = arith.constant 0 : i32
      %dma_wait3A_713 = tpu.memref_slice %arg3[%dma_wait3A_711, %dma_wait3A_712] : memref<32x1000001xf32, #tpu.memory_space<hbm>> -> memref<32x128xf32, #tpu.memory_space<hbm>>
      tpu.wait_dma2 semaphore(%arg8 : memref<!tpu.dma_semaphore, #tpu.memory_space<semaphore_mem>>) src(%dma_wait3A_713 : memref<32x128xf32, #tpu.memory_space<hbm>>) dst(%dma_wait3A_710 : memref<32x128xf32, #tpu.memory_space<vmem>>)
      %dma_wait3A_714 = arith.constant 3 : i32
      %dma_wait3A_715 = arith.constant 0 : i32
      %dma_wait3A_716 = arith.constant 0 : i32
      %dma_wait3A_717 = tpu.memref_slice %arg6[%dma_wait3A_714, %dma_wait3A_715, %dma_wait3A_716] : memref<16x32x128xf32, #tpu.memory_space<vmem>> -> memref<1x32x128xf32, #tpu.memory_space<vmem>>
      %dma_wait3A_718 = tpu.memref_squeeze %dma_wait3A_717 : memref<1x32x128xf32, #tpu.memory_space<vmem>> -> memref<32x128xf32, #tpu.memory_space<vmem>>
      %dma_wait3A_719 = arith.constant 0 : i32
      %dma_wait3A_720 = arith.constant 0 : i32
      %dma_wait3A_721 = tpu.memref_slice %arg3[%dma_wait3A_719, %dma_wait3A_720] : memref<32x1000001xf32, #tpu.memory_space<hbm>> -> memref<32x128xf32, #tpu.memory_space<hbm>>
      %dma_wait3A_722 = arith.constant 0 : i32
      %dma_wait3A_723 = arith.constant 0 : i32
      %dma_wait3A_724 = tpu.memref_slice %arg6[%dma_wait3A_714, %dma_wait3A_722, %dma_wait3A_723] : memref<16x32x128xf32, #tpu.memory_space<vmem>> -> memref<1x32x128xf32, #tpu.memory_space<vmem>>
      %dma_wait3A_725 = tpu.memref_squeeze %dma_wait3A_724 : memref<1x32x128xf32, #tpu.memory_space<vmem>> -> memref<32x128xf32, #tpu.memory_space<vmem>>
      %dma_wait3A_726 = arith.constant 0 : i32
      %dma_wait3A_727 = arith.constant 0 : i32
      %dma_wait3A_728 = tpu.memref_slice %arg3[%dma_wait3A_726, %dma_wait3A_727] : memref<32x1000001xf32, #tpu.memory_space<hbm>> -> memref<32x128xf32, #tpu.memory_space<hbm>>
      tpu.wait_dma2 semaphore(%arg8 : memref<!tpu.dma_semaphore, #tpu.memory_space<semaphore_mem>>) src(%dma_wait3A_728 : memref<32x128xf32, #tpu.memory_space<hbm>>) dst(%dma_wait3A_725 : memref<32x128xf32, #tpu.memory_space<vmem>>)
      %dma_wait3A_729 = arith.constant 4 : i32
      %dma_wait3A_730 = arith.constant 0 : i32
      %dma_wait3A_731 = arith.constant 0 : i32
      %dma_wait3A_732 = tpu.memref_slice %arg6[%dma_wait3A_729, %dma_wait3A_730, %dma_wait3A_731] : memref<16x32x128xf32, #tpu.memory_space<vmem>> -> memref<1x32x128xf32, #tpu.memory_space<vmem>>
      %dma_wait3A_733 = tpu.memref_squeeze %dma_wait3A_732 : memref<1x32x128xf32, #tpu.memory_space<vmem>> -> memref<32x128xf32, #tpu.memory_space<vmem>>
      %dma_wait3A_734 = arith.constant 0 : i32
      %dma_wait3A_735 = arith.constant 0 : i32
      %dma_wait3A_736 = tpu.memref_slice %arg3[%dma_wait3A_734, %dma_wait3A_735] : memref<32x1000001xf32, #tpu.memory_space<hbm>> -> memref<32x128xf32, #tpu.memory_space<hbm>>
      %dma_wait3A_737 = arith.constant 0 : i32
      %dma_wait3A_738 = arith.constant 0 : i32
      %dma_wait3A_739 = tpu.memref_slice %arg6[%dma_wait3A_729, %dma_wait3A_737, %dma_wait3A_738] : memref<16x32x128xf32, #tpu.memory_space<vmem>> -> memref<1x32x128xf32, #tpu.memory_space<vmem>>
      %dma_wait3A_740 = tpu.memref_squeeze %dma_wait3A_739 : memref<1x32x128xf32, #tpu.memory_space<vmem>> -> memref<32x128xf32, #tpu.memory_space<vmem>>
      %dma_wait3A_741 = arith.constant 0 : i32
      %dma_wait3A_742 = arith.constant 0 : i32
      %dma_wait3A_743 = tpu.memref_slice %arg3[%dma_wait3A_741, %dma_wait3A_742] : memref<32x1000001xf32, #tpu.memory_space<hbm>> -> memref<32x128xf32, #tpu.memory_space<hbm>>
      tpu.wait_dma2 semaphore(%arg8 : memref<!tpu.dma_semaphore, #tpu.memory_space<semaphore_mem>>) src(%dma_wait3A_743 : memref<32x128xf32, #tpu.memory_space<hbm>>) dst(%dma_wait3A_740 : memref<32x128xf32, #tpu.memory_space<vmem>>)
      %dma_wait3A_744 = arith.constant 5 : i32
      %dma_wait3A_745 = arith.constant 0 : i32
      %dma_wait3A_746 = arith.constant 0 : i32
      %dma_wait3A_747 = tpu.memref_slice %arg6[%dma_wait3A_744, %dma_wait3A_745, %dma_wait3A_746] : memref<16x32x128xf32, #tpu.memory_space<vmem>> -> memref<1x32x128xf32, #tpu.memory_space<vmem>>
      %dma_wait3A_748 = tpu.memref_squeeze %dma_wait3A_747 : memref<1x32x128xf32, #tpu.memory_space<vmem>> -> memref<32x128xf32, #tpu.memory_space<vmem>>
      %dma_wait3A_749 = arith.constant 0 : i32
      %dma_wait3A_750 = arith.constant 0 : i32
      %dma_wait3A_751 = tpu.memref_slice %arg3[%dma_wait3A_749, %dma_wait3A_750] : memref<32x1000001xf32, #tpu.memory_space<hbm>> -> memref<32x128xf32, #tpu.memory_space<hbm>>
      %dma_wait3A_752 = arith.constant 0 : i32
      %dma_wait3A_753 = arith.constant 0 : i32
      %dma_wait3A_754 = tpu.memref_slice %arg6[%dma_wait3A_744, %dma_wait3A_752, %dma_wait3A_753] : memref<16x32x128xf32, #tpu.memory_space<vmem>> -> memref<1x32x128xf32, #tpu.memory_space<vmem>>
      %dma_wait3A_755 = tpu.memref_squeeze %dma_wait3A_754 : memref<1x32x128xf32, #tpu.memory_space<vmem>> -> memref<32x128xf32, #tpu.memory_space<vmem>>
      %dma_wait3A_756 = arith.constant 0 : i32
      %dma_wait3A_757 = arith.constant 0 : i32
      %dma_wait3A_758 = tpu.memref_slice %arg3[%dma_wait3A_756, %dma_wait3A_757] : memref<32x1000001xf32, #tpu.memory_space<hbm>> -> memref<32x128xf32, #tpu.memory_space<hbm>>
      tpu.wait_dma2 semaphore(%arg8 : memref<!tpu.dma_semaphore, #tpu.memory_space<semaphore_mem>>) src(%dma_wait3A_758 : memref<32x128xf32, #tpu.memory_space<hbm>>) dst(%dma_wait3A_755 : memref<32x128xf32, #tpu.memory_space<vmem>>)
      %dma_wait3A_759 = arith.constant 6 : i32
      %dma_wait3A_760 = arith.constant 0 : i32
      %dma_wait3A_761 = arith.constant 0 : i32
      %dma_wait3A_762 = tpu.memref_slice %arg6[%dma_wait3A_759, %dma_wait3A_760, %dma_wait3A_761] : memref<16x32x128xf32, #tpu.memory_space<vmem>> -> memref<1x32x128xf32, #tpu.memory_space<vmem>>
      %dma_wait3A_763 = tpu.memref_squeeze %dma_wait3A_762 : memref<1x32x128xf32, #tpu.memory_space<vmem>> -> memref<32x128xf32, #tpu.memory_space<vmem>>
      %dma_wait3A_764 = arith.constant 0 : i32
      %dma_wait3A_765 = arith.constant 0 : i32
      %dma_wait3A_766 = tpu.memref_slice %arg3[%dma_wait3A_764, %dma_wait3A_765] : memref<32x1000001xf32, #tpu.memory_space<hbm>> -> memref<32x128xf32, #tpu.memory_space<hbm>>
      %dma_wait3A_767 = arith.constant 0 : i32
      %dma_wait3A_768 = arith.constant 0 : i32
      %dma_wait3A_769 = tpu.memref_slice %arg6[%dma_wait3A_759, %dma_wait3A_767, %dma_wait3A_768] : memref<16x32x128xf32, #tpu.memory_space<vmem>> -> memref<1x32x128xf32, #tpu.memory_space<vmem>>
      %dma_wait3A_770 = tpu.memref_squeeze %dma_wait3A_769 : memref<1x32x128xf32, #tpu.memory_space<vmem>> -> memref<32x128xf32, #tpu.memory_space<vmem>>
      %dma_wait3A_771 = arith.constant 0 : i32
      %dma_wait3A_772 = arith.constant 0 : i32
      %dma_wait3A_773 = tpu.memref_slice %arg3[%dma_wait3A_771, %dma_wait3A_772] : memref<32x1000001xf32, #tpu.memory_space<hbm>> -> memref<32x128xf32, #tpu.memory_space<hbm>>
      tpu.wait_dma2 semaphore(%arg8 : memref<!tpu.dma_semaphore, #tpu.memory_space<semaphore_mem>>) src(%dma_wait3A_773 : memref<32x128xf32, #tpu.memory_space<hbm>>) dst(%dma_wait3A_770 : memref<32x128xf32, #tpu.memory_space<vmem>>)
      %dma_wait3A_774 = arith.constant 7 : i32
      %dma_wait3A_775 = arith.constant 0 : i32
      %dma_wait3A_776 = arith.constant 0 : i32
      %dma_wait3A_777 = tpu.memref_slice %arg6[%dma_wait3A_774, %dma_wait3A_775, %dma_wait3A_776] : memref<16x32x128xf32, #tpu.memory_space<vmem>> -> memref<1x32x128xf32, #tpu.memory_space<vmem>>
      %dma_wait3A_778 = tpu.memref_squeeze %dma_wait3A_777 : memref<1x32x128xf32, #tpu.memory_space<vmem>> -> memref<32x128xf32, #tpu.memory_space<vmem>>
      %dma_wait3A_779 = arith.constant 0 : i32
      %dma_wait3A_780 = arith.constant 0 : i32
      %dma_wait3A_781 = tpu.memref_slice %arg3[%dma_wait3A_779, %dma_wait3A_780] : memref<32x1000001xf32, #tpu.memory_space<hbm>> -> memref<32x128xf32, #tpu.memory_space<hbm>>
      %dma_wait3A_782 = arith.constant 0 : i32
      %dma_wait3A_783 = arith.constant 0 : i32
      %dma_wait3A_784 = tpu.memref_slice %arg6[%dma_wait3A_774, %dma_wait3A_782, %dma_wait3A_783] : memref<16x32x128xf32, #tpu.memory_space<vmem>> -> memref<1x32x128xf32, #tpu.memory_space<vmem>>
      %dma_wait3A_785 = tpu.memref_squeeze %dma_wait3A_784 : memref<1x32x128xf32, #tpu.memory_space<vmem>> -> memref<32x128xf32, #tpu.memory_space<vmem>>
      %dma_wait3A_786 = arith.constant 0 : i32
      %dma_wait3A_787 = arith.constant 0 : i32
      %dma_wait3A_788 = tpu.memref_slice %arg3[%dma_wait3A_786, %dma_wait3A_787] : memref<32x1000001xf32, #tpu.memory_space<hbm>> -> memref<32x128xf32, #tpu.memory_space<hbm>>
      tpu.wait_dma2 semaphore(%arg8 : memref<!tpu.dma_semaphore, #tpu.memory_space<semaphore_mem>>) src(%dma_wait3A_788 : memref<32x128xf32, #tpu.memory_space<hbm>>) dst(%dma_wait3A_785 : memref<32x128xf32, #tpu.memory_space<vmem>>)
      %iota3A_789 = tpu.iota {dimensions = array<i32: 0>} : vector<16xi32>
      %add3A_790 = arith.constant 16 : i32
      %add3A_791 = vector.broadcast %add3A_790 : i32 to vector<16xi32>
      %add3A_792 = arith.addi %iota3A_789, %add3A_791 : vector<16xi32>
      %mul3A_793 = arith.constant 16 : i32
      %mul3A_794 = arith.muli %scan3A_354, %mul3A_793 : i32
      %add3A_795 = arith.constant 0 : i32
      %add3A_796 = arith.addi %mul3A_794, %add3A_795 : i32
      %add3A_797 = arith.constant 0 : i32
      %add3A_798 = arith.addi %add3A_796, %add3A_797 : i32
      %and3A = arith.constant 127 : i32
      %and3A_799 = arith.andi %reduce_sum3A_369, %and3A : i32
      %broadcast_in_dim3A_800 = vector.broadcast %and3A_799 : i32 to vector<16xi32>
      %and3A_801 = arith.constant 127 : i32
      %and3A_802 = arith.andi %add3A_798, %and3A_801 : i32
      %broadcast_in_dim3A_803 = vector.broadcast %and3A_802 : i32 to vector<16xi32>
      %gather3A = arith.constant 0 : i32
      %gather3A_804 = arith.constant 0 : i32
      %gather3A_805 = arith.constant 0 : i32
      %gather3A_806 = tpu.memref_slice %arg6[%gather3A, %gather3A_804, %gather3A_805] : memref<16x32x128xf32, #tpu.memory_space<vmem>> -> memref<1x32x128xf32, #tpu.memory_space<vmem>>
      %gather3A_807 = tpu.memref_squeeze %gather3A_806 : memref<1x32x128xf32, #tpu.memory_space<vmem>> -> memref<32x128xf32, #tpu.memory_space<vmem>>
      %gather3A_808 = tpu.vector_load_idx %gather3A_807[%iota3A_789, %broadcast_in_dim3A_800] : memref<32x128xf32, #tpu.memory_space<vmem>>[vector<16xi32>, vector<16xi32>], vector<16xf32>,
      %gather3A_809 = arith.constant 0 : i32
      %gather3A_810 = arith.constant 0 : i32
      %gather3A_811 = arith.constant 0 : i32
      %gather3A_812 = tpu.memref_slice %arg6[%gather3A_809, %gather3A_810, %gather3A_811] : memref<16x32x128xf32, #tpu.memory_space<vmem>> -> memref<1x32x128xf32, #tpu.memory_space<vmem>>
      %gather3A_813 = tpu.memref_squeeze %gather3A_812 : memref<1x32x128xf32, #tpu.memory_space<vmem>> -> memref<32x128xf32, #tpu.memory_space<vmem>>
      %gather3A_814 = tpu.vector_load_idx %gather3A_813[%add3A_792, %broadcast_in_dim3A_800] : memref<32x128xf32, #tpu.memory_space<vmem>>[vector<16xi32>, vector<16xi32>], vector<16xf32>,
      %shift_right_arithmetic3A_815 = arith.constant 7 : i32
      %shift_right_arithmetic3A_816 = arith.shrsi %add3A_798, %shift_right_arithmetic3A_815 : i32
      %scatter3A = arith.constant 0 : i32
      %scatter3A_817 = arith.constant 0 : i32
      %scatter3A_818 = tpu.memref_slice %arg7[%shift_right_arithmetic3A_816, %scatter3A, %scatter3A_817] : memref<4x32x128xf32, #tpu.memory_space<vmem>> -> memref<1x32x128xf32, #tpu.memory_space<vmem>>
      %scatter3A_819 = tpu.memref_squeeze %scatter3A_818 : memref<1x32x128xf32, #tpu.memory_space<vmem>> -> memref<32x128xf32, #tpu.memory_space<vmem>>
      tpu.vector_store_idx %scatter3A_819[%iota3A_789, %broadcast_in_dim3A_803], %gather3A_808 : memref<32x128xf32, #tpu.memory_space<vmem>>[vector<16xi32>, vector<16xi32>], vector<16xf32>,
      %scatter3A_820 = arith.constant 0 : i32
      %scatter3A_821 = arith.constant 0 : i32
      %scatter3A_822 = tpu.memref_slice %arg7[%shift_right_arithmetic3A_816, %scatter3A_820, %scatter3A_821] : memref<4x32x128xf32, #tpu.memory_space<vmem>> -> memref<1x32x128xf32, #tpu.memory_space<vmem>>
      %scatter3A_823 = tpu.memref_squeeze %scatter3A_822 : memref<1x32x128xf32, #tpu.memory_space<vmem>> -> memref<32x128xf32, #tpu.memory_space<vmem>>
      tpu.vector_store_idx %scatter3A_823[%add3A_792, %broadcast_in_dim3A_803], %gather3A_814 : memref<32x128xf32, #tpu.memory_space<vmem>>[vector<16xi32>, vector<16xi32>], vector<16xf32>,
      %mul3A_824 = arith.constant 16 : i32
      %mul3A_825 = arith.muli %scan3A_354, %mul3A_824 : i32
      %add3A_826 = arith.constant 0 : i32
      %add3A_827 = arith.addi %mul3A_825, %add3A_826 : i32
      %add3A_828 = arith.constant 1 : i32
      %add3A_829 = arith.addi %add3A_827, %add3A_828 : i32
      %and3A_830 = arith.constant 127 : i32
      %and3A_831 = arith.andi %reduce_sum3A_379, %and3A_830 : i32
      %broadcast_in_dim3A_832 = vector.broadcast %and3A_831 : i32 to vector<16xi32>
      %and3A_833 = arith.constant 127 : i32
      %and3A_834 = arith.andi %add3A_829, %and3A_833 : i32
      %broadcast_in_dim3A_835 = vector.broadcast %and3A_834 : i32 to vector<16xi32>
      %gather3A_836 = arith.constant 1 : i32
      %gather3A_837 = arith.constant 0 : i32
      %gather3A_838 = arith.constant 0 : i32
      %gather3A_839 = tpu.memref_slice %arg6[%gather3A_836, %gather3A_837, %gather3A_838] : memref<16x32x128xf32, #tpu.memory_space<vmem>> -> memref<1x32x128xf32, #tpu.memory_space<vmem>>
      %gather3A_840 = tpu.memref_squeeze %gather3A_839 : memref<1x32x128xf32, #tpu.memory_space<vmem>> -> memref<32x128xf32, #tpu.memory_space<vmem>>
      %gather3A_841 = tpu.vector_load_idx %gather3A_840[%iota3A_789, %broadcast_in_dim3A_832] : memref<32x128xf32, #tpu.memory_space<vmem>>[vector<16xi32>, vector<16xi32>], vector<16xf32>,
      %gather3A_842 = arith.constant 1 : i32
      %gather3A_843 = arith.constant 0 : i32
      %gather3A_844 = arith.constant 0 : i32
      %gather3A_845 = tpu.memref_slice %arg6[%gather3A_842, %gather3A_843, %gather3A_844] : memref<16x32x128xf32, #tpu.memory_space<vmem>> -> memref<1x32x128xf32, #tpu.memory_space<vmem>>
      %gather3A_846 = tpu.memref_squeeze %gather3A_845 : memref<1x32x128xf32, #tpu.memory_space<vmem>> -> memref<32x128xf32, #tpu.memory_space<vmem>>
      %gather3A_847 = tpu.vector_load_idx %gather3A_846[%add3A_792, %broadcast_in_dim3A_832] : memref<32x128xf32, #tpu.memory_space<vmem>>[vector<16xi32>, vector<16xi32>], vector<16xf32>,
      %shift_right_arithmetic3A_848 = arith.constant 7 : i32
      %shift_right_arithmetic3A_849 = arith.shrsi %add3A_829, %shift_right_arithmetic3A_848 : i32
      %scatter3A_850 = arith.constant 0 : i32
      %scatter3A_851 = arith.constant 0 : i32
      %scatter3A_852 = tpu.memref_slice %arg7[%shift_right_arithmetic3A_849, %scatter3A_850, %scatter3A_851] : memref<4x32x128xf32, #tpu.memory_space<vmem>> -> memref<1x32x128xf32, #tpu.memory_space<vmem>>
      %scatter3A_853 = tpu.memref_squeeze %scatter3A_852 : memref<1x32x128xf32, #tpu.memory_space<vmem>> -> memref<32x128xf32, #tpu.memory_space<vmem>>
      tpu.vector_store_idx %scatter3A_853[%iota3A_789, %broadcast_in_dim3A_835], %gather3A_841 : memref<32x128xf32, #tpu.memory_space<vmem>>[vector<16xi32>, vector<16xi32>], vector<16xf32>,
      %scatter3A_854 = arith.constant 0 : i32
      %scatter3A_855 = arith.constant 0 : i32
      %scatter3A_856 = tpu.memref_slice %arg7[%shift_right_arithmetic3A_849, %scatter3A_854, %scatter3A_855] : memref<4x32x128xf32, #tpu.memory_space<vmem>> -> memref<1x32x128xf32, #tpu.memory_space<vmem>>
      %scatter3A_857 = tpu.memref_squeeze %scatter3A_856 : memref<1x32x128xf32, #tpu.memory_space<vmem>> -> memref<32x128xf32, #tpu.memory_space<vmem>>
      tpu.vector_store_idx %scatter3A_857[%add3A_792, %broadcast_in_dim3A_835], %gather3A_847 : memref<32x128xf32, #tpu.memory_space<vmem>>[vector<16xi32>, vector<16xi32>], vector<16xf32>,
      %mul3A_858 = arith.constant 16 : i32
      %mul3A_859 = arith.muli %scan3A_354, %mul3A_858 : i32
      %add3A_860 = arith.constant 0 : i32
      %add3A_861 = arith.addi %mul3A_859, %add3A_860 : i32
      %add3A_862 = arith.constant 2 : i32
      %add3A_863 = arith.addi %add3A_861, %add3A_862 : i32
      %and3A_864 = arith.constant 127 : i32
      %and3A_865 = arith.andi %reduce_sum3A_389, %and3A_864 : i32
      %broadcast_in_dim3A_866 = vector.broadcast %and3A_865 : i32 to vector<16xi32>
      %and3A_867 = arith.constant 127 : i32
      %and3A_868 = arith.andi %add3A_863, %and3A_867 : i32
      %broadcast_in_dim3A_869 = vector.broadcast %and3A_868 : i32 to vector<16xi32>
      %gather3A_870 = arith.constant 2 : i32
      %gather3A_871 = arith.constant 0 : i32
      %gather3A_872 = arith.constant 0 : i32
      %gather3A_873 = tpu.memref_slice %arg6[%gather3A_870, %gather3A_871, %gather3A_872] : memref<16x32x128xf32, #tpu.memory_space<vmem>> -> memref<1x32x128xf32, #tpu.memory_space<vmem>>
      %gather3A_874 = tpu.memref_squeeze %gather3A_873 : memref<1x32x128xf32, #tpu.memory_space<vmem>> -> memref<32x128xf32, #tpu.memory_space<vmem>>
      %gather3A_875 = tpu.vector_load_idx %gather3A_874[%iota3A_789, %broadcast_in_dim3A_866] : memref<32x128xf32, #tpu.memory_space<vmem>>[vector<16xi32>, vector<16xi32>], vector<16xf32>,
      %gather3A_876 = arith.constant 2 : i32
      %gather3A_877 = arith.constant 0 : i32
      %gather3A_878 = arith.constant 0 : i32
      %gather3A_879 = tpu.memref_slice %arg6[%gather3A_876, %gather3A_877, %gather3A_878] : memref<16x32x128xf32, #tpu.memory_space<vmem>> -> memref<1x32x128xf32, #tpu.memory_space<vmem>>
      %gather3A_880 = tpu.memref_squeeze %gather3A_879 : memref<1x32x128xf32, #tpu.memory_space<vmem>> -> memref<32x128xf32, #tpu.memory_space<vmem>>
      %gather3A_881 = tpu.vector_load_idx %gather3A_880[%add3A_792, %broadcast_in_dim3A_866] : memref<32x128xf32, #tpu.memory_space<vmem>>[vector<16xi32>, vector<16xi32>], vector<16xf32>,
      %shift_right_arithmetic3A_882 = arith.constant 7 : i32
      %shift_right_arithmetic3A_883 = arith.shrsi %add3A_863, %shift_right_arithmetic3A_882 : i32
      %scatter3A_884 = arith.constant 0 : i32
      %scatter3A_885 = arith.constant 0 : i32
      %scatter3A_886 = tpu.memref_slice %arg7[%shift_right_arithmetic3A_883, %scatter3A_884, %scatter3A_885] : memref<4x32x128xf32, #tpu.memory_space<vmem>> -> memref<1x32x128xf32, #tpu.memory_space<vmem>>
      %scatter3A_887 = tpu.memref_squeeze %scatter3A_886 : memref<1x32x128xf32, #tpu.memory_space<vmem>> -> memref<32x128xf32, #tpu.memory_space<vmem>>
      tpu.vector_store_idx %scatter3A_887[%iota3A_789, %broadcast_in_dim3A_869], %gather3A_875 : memref<32x128xf32, #tpu.memory_space<vmem>>[vector<16xi32>, vector<16xi32>], vector<16xf32>,
      %scatter3A_888 = arith.constant 0 : i32
      %scatter3A_889 = arith.constant 0 : i32
      %scatter3A_890 = tpu.memref_slice %arg7[%shift_right_arithmetic3A_883, %scatter3A_888, %scatter3A_889] : memref<4x32x128xf32, #tpu.memory_space<vmem>> -> memref<1x32x128xf32, #tpu.memory_space<vmem>>
      %scatter3A_891 = tpu.memref_squeeze %scatter3A_890 : memref<1x32x128xf32, #tpu.memory_space<vmem>> -> memref<32x128xf32, #tpu.memory_space<vmem>>
      tpu.vector_store_idx %scatter3A_891[%add3A_792, %broadcast_in_dim3A_869], %gather3A_881 : memref<32x128xf32, #tpu.memory_space<vmem>>[vector<16xi32>, vector<16xi32>], vector<16xf32>,
      %mul3A_892 = arith.constant 16 : i32
      %mul3A_893 = arith.muli %scan3A_354, %mul3A_892 : i32
      %add3A_894 = arith.constant 0 : i32
      %add3A_895 = arith.addi %mul3A_893, %add3A_894 : i32
      %add3A_896 = arith.constant 3 : i32
      %add3A_897 = arith.addi %add3A_895, %add3A_896 : i32
      %and3A_898 = arith.constant 127 : i32
      %and3A_899 = arith.andi %reduce_sum3A_399, %and3A_898 : i32
      %broadcast_in_dim3A_900 = vector.broadcast %and3A_899 : i32 to vector<16xi32>
      %and3A_901 = arith.constant 127 : i32
      %and3A_902 = arith.andi %add3A_897, %and3A_901 : i32
      %broadcast_in_dim3A_903 = vector.broadcast %and3A_902 : i32 to vector<16xi32>
      %gather3A_904 = arith.constant 3 : i32
      %gather3A_905 = arith.constant 0 : i32
      %gather3A_906 = arith.constant 0 : i32
      %gather3A_907 = tpu.memref_slice %arg6[%gather3A_904, %gather3A_905, %gather3A_906] : memref<16x32x128xf32, #tpu.memory_space<vmem>> -> memref<1x32x128xf32, #tpu.memory_space<vmem>>
      %gather3A_908 = tpu.memref_squeeze %gather3A_907 : memref<1x32x128xf32, #tpu.memory_space<vmem>> -> memref<32x128xf32, #tpu.memory_space<vmem>>
      %gather3A_909 = tpu.vector_load_idx %gather3A_908[%iota3A_789, %broadcast_in_dim3A_900] : memref<32x128xf32, #tpu.memory_space<vmem>>[vector<16xi32>, vector<16xi32>], vector<16xf32>,
      %gather3A_910 = arith.constant 3 : i32
      %gather3A_911 = arith.constant 0 : i32
      %gather3A_912 = arith.constant 0 : i32
      %gather3A_913 = tpu.memref_slice %arg6[%gather3A_910, %gather3A_911, %gather3A_912] : memref<16x32x128xf32, #tpu.memory_space<vmem>> -> memref<1x32x128xf32, #tpu.memory_space<vmem>>
      %gather3A_914 = tpu.memref_squeeze %gather3A_913 : memref<1x32x128xf32, #tpu.memory_space<vmem>> -> memref<32x128xf32, #tpu.memory_space<vmem>>
      %gather3A_915 = tpu.vector_load_idx %gather3A_914[%add3A_792, %broadcast_in_dim3A_900] : memref<32x128xf32, #tpu.memory_space<vmem>>[vector<16xi32>, vector<16xi32>], vector<16xf32>,
      %shift_right_arithmetic3A_916 = arith.constant 7 : i32
      %shift_right_arithmetic3A_917 = arith.shrsi %add3A_897, %shift_right_arithmetic3A_916 : i32
      %scatter3A_918 = arith.constant 0 : i32
      %scatter3A_919 = arith.constant 0 : i32
      %scatter3A_920 = tpu.memref_slice %arg7[%shift_right_arithmetic3A_917, %scatter3A_918, %scatter3A_919] : memref<4x32x128xf32, #tpu.memory_space<vmem>> -> memref<1x32x128xf32, #tpu.memory_space<vmem>>
      %scatter3A_921 = tpu.memref_squeeze %scatter3A_920 : memref<1x32x128xf32, #tpu.memory_space<vmem>> -> memref<32x128xf32, #tpu.memory_space<vmem>>
      tpu.vector_store_idx %scatter3A_921[%iota3A_789, %broadcast_in_dim3A_903], %gather3A_909 : memref<32x128xf32, #tpu.memory_space<vmem>>[vector<16xi32>, vector<16xi32>], vector<16xf32>,
      %scatter3A_922 = arith.constant 0 : i32
      %scatter3A_923 = arith.constant 0 : i32
      %scatter3A_924 = tpu.memref_slice %arg7[%shift_right_arithmetic3A_917, %scatter3A_922, %scatter3A_923] : memref<4x32x128xf32, #tpu.memory_space<vmem>> -> memref<1x32x128xf32, #tpu.memory_space<vmem>>
      %scatter3A_925 = tpu.memref_squeeze %scatter3A_924 : memref<1x32x128xf32, #tpu.memory_space<vmem>> -> memref<32x128xf32, #tpu.memory_space<vmem>>
      tpu.vector_store_idx %scatter3A_925[%add3A_792, %broadcast_in_dim3A_903], %gather3A_915 : memref<32x128xf32, #tpu.memory_space<vmem>>[vector<16xi32>, vector<16xi32>], vector<16xf32>,
      %mul3A_926 = arith.constant 16 : i32
      %mul3A_927 = arith.muli %scan3A_354, %mul3A_926 : i32
      %add3A_928 = arith.constant 0 : i32
      %add3A_929 = arith.addi %mul3A_927, %add3A_928 : i32
      %add3A_930 = arith.constant 4 : i32
      %add3A_931 = arith.addi %add3A_929, %add3A_930 : i32
      %and3A_932 = arith.constant 127 : i32
      %and3A_933 = arith.andi %reduce_sum3A_409, %and3A_932 : i32
      %broadcast_in_dim3A_934 = vector.broadcast %and3A_933 : i32 to vector<16xi32>
      %and3A_935 = arith.constant 127 : i32
      %and3A_936 = arith.andi %add3A_931, %and3A_935 : i32
      %broadcast_in_dim3A_937 = vector.broadcast %and3A_936 : i32 to vector<16xi32>
      %gather3A_938 = arith.constant 4 : i32
      %gather3A_939 = arith.constant 0 : i32
      %gather3A_940 = arith.constant 0 : i32
      %gather3A_941 = tpu.memref_slice %arg6[%gather3A_938, %gather3A_939, %gather3A_940] : memref<16x32x128xf32, #tpu.memory_space<vmem>> -> memref<1x32x128xf32, #tpu.memory_space<vmem>>
      %gather3A_942 = tpu.memref_squeeze %gather3A_941 : memref<1x32x128xf32, #tpu.memory_space<vmem>> -> memref<32x128xf32, #tpu.memory_space<vmem>>
      %gather3A_943 = tpu.vector_load_idx %gather3A_942[%iota3A_789, %broadcast_in_dim3A_934] : memref<32x128xf32, #tpu.memory_space<vmem>>[vector<16xi32>, vector<16xi32>], vector<16xf32>,
      %gather3A_944 = arith.constant 4 : i32
      %gather3A_945 = arith.constant 0 : i32
      %gather3A_946 = arith.constant 0 : i32
      %gather3A_947 = tpu.memref_slice %arg6[%gather3A_944, %gather3A_945, %gather3A_946] : memref<16x32x128xf32, #tpu.memory_space<vmem>> -> memref<1x32x128xf32, #tpu.memory_space<vmem>>
      %gather3A_948 = tpu.memref_squeeze %gather3A_947 : memref<1x32x128xf32, #tpu.memory_space<vmem>> -> memref<32x128xf32, #tpu.memory_space<vmem>>
      %gather3A_949 = tpu.vector_load_idx %gather3A_948[%add3A_792, %broadcast_in_dim3A_934] : memref<32x128xf32, #tpu.memory_space<vmem>>[vector<16xi32>, vector<16xi32>], vector<16xf32>,
      %shift_right_arithmetic3A_950 = arith.constant 7 : i32
      %shift_right_arithmetic3A_951 = arith.shrsi %add3A_931, %shift_right_arithmetic3A_950 : i32
      %scatter3A_952 = arith.constant 0 : i32
      %scatter3A_953 = arith.constant 0 : i32
      %scatter3A_954 = tpu.memref_slice %arg7[%shift_right_arithmetic3A_951, %scatter3A_952, %scatter3A_953] : memref<4x32x128xf32, #tpu.memory_space<vmem>> -> memref<1x32x128xf32, #tpu.memory_space<vmem>>
      %scatter3A_955 = tpu.memref_squeeze %scatter3A_954 : memref<1x32x128xf32, #tpu.memory_space<vmem>> -> memref<32x128xf32, #tpu.memory_space<vmem>>
      tpu.vector_store_idx %scatter3A_955[%iota3A_789, %broadcast_in_dim3A_937], %gather3A_943 : memref<32x128xf32, #tpu.memory_space<vmem>>[vector<16xi32>, vector<16xi32>], vector<16xf32>,
      %scatter3A_956 = arith.constant 0 : i32
      %scatter3A_957 = arith.constant 0 : i32
      %scatter3A_958 = tpu.memref_slice %arg7[%shift_right_arithmetic3A_951, %scatter3A_956, %scatter3A_957] : memref<4x32x128xf32, #tpu.memory_space<vmem>> -> memref<1x32x128xf32, #tpu.memory_space<vmem>>
      %scatter3A_959 = tpu.memref_squeeze %scatter3A_958 : memref<1x32x128xf32, #tpu.memory_space<vmem>> -> memref<32x128xf32, #tpu.memory_space<vmem>>
      tpu.vector_store_idx %scatter3A_959[%add3A_792, %broadcast_in_dim3A_937], %gather3A_949 : memref<32x128xf32, #tpu.memory_space<vmem>>[vector<16xi32>, vector<16xi32>], vector<16xf32>,
      %mul3A_960 = arith.constant 16 : i32
      %mul3A_961 = arith.muli %scan3A_354, %mul3A_960 : i32
      %add3A_962 = arith.constant 0 : i32
      %add3A_963 = arith.addi %mul3A_961, %add3A_962 : i32
      %add3A_964 = arith.constant 5 : i32
      %add3A_965 = arith.addi %add3A_963, %add3A_964 : i32
      %and3A_966 = arith.constant 127 : i32
      %and3A_967 = arith.andi %reduce_sum3A_419, %and3A_966 : i32
      %broadcast_in_dim3A_968 = vector.broadcast %and3A_967 : i32 to vector<16xi32>
      %and3A_969 = arith.constant 127 : i32
      %and3A_970 = arith.andi %add3A_965, %and3A_969 : i32
      %broadcast_in_dim3A_971 = vector.broadcast %and3A_970 : i32 to vector<16xi32>
      %gather3A_972 = arith.constant 5 : i32
      %gather3A_973 = arith.constant 0 : i32
      %gather3A_974 = arith.constant 0 : i32
      %gather3A_975 = tpu.memref_slice %arg6[%gather3A_972, %gather3A_973, %gather3A_974] : memref<16x32x128xf32, #tpu.memory_space<vmem>> -> memref<1x32x128xf32, #tpu.memory_space<vmem>>
      %gather3A_976 = tpu.memref_squeeze %gather3A_975 : memref<1x32x128xf32, #tpu.memory_space<vmem>> -> memref<32x128xf32, #tpu.memory_space<vmem>>
      %gather3A_977 = tpu.vector_load_idx %gather3A_976[%iota3A_789, %broadcast_in_dim3A_968] : memref<32x128xf32, #tpu.memory_space<vmem>>[vector<16xi32>, vector<16xi32>], vector<16xf32>,
      %gather3A_978 = arith.constant 5 : i32
      %gather3A_979 = arith.constant 0 : i32
      %gather3A_980 = arith.constant 0 : i32
      %gather3A_981 = tpu.memref_slice %arg6[%gather3A_978, %gather3A_979, %gather3A_980] : memref<16x32x128xf32, #tpu.memory_space<vmem>> -> memref<1x32x128xf32, #tpu.memory_space<vmem>>
      %gather3A_982 = tpu.memref_squeeze %gather3A_981 : memref<1x32x128xf32, #tpu.memory_space<vmem>> -> memref<32x128xf32, #tpu.memory_space<vmem>>
      %gather3A_983 = tpu.vector_load_idx %gather3A_982[%add3A_792, %broadcast_in_dim3A_968] : memref<32x128xf32, #tpu.memory_space<vmem>>[vector<16xi32>, vector<16xi32>], vector<16xf32>,
      %shift_right_arithmetic3A_984 = arith.constant 7 : i32
      %shift_right_arithmetic3A_985 = arith.shrsi %add3A_965, %shift_right_arithmetic3A_984 : i32
      %scatter3A_986 = arith.constant 0 : i32
      %scatter3A_987 = arith.constant 0 : i32
      %scatter3A_988 = tpu.memref_slice %arg7[%shift_right_arithmetic3A_985, %scatter3A_986, %scatter3A_987] : memref<4x32x128xf32, #tpu.memory_space<vmem>> -> memref<1x32x128xf32, #tpu.memory_space<vmem>>
      %scatter3A_989 = tpu.memref_squeeze %scatter3A_988 : memref<1x32x128xf32, #tpu.memory_space<vmem>> -> memref<32x128xf32, #tpu.memory_space<vmem>>
      tpu.vector_store_idx %scatter3A_989[%iota3A_789, %broadcast_in_dim3A_971], %gather3A_977 : memref<32x128xf32, #tpu.memory_space<vmem>>[vector<16xi32>, vector<16xi32>], vector<16xf32>,
      %scatter3A_990 = arith.constant 0 : i32
      %scatter3A_991 = arith.constant 0 : i32
      %scatter3A_992 = tpu.memref_slice %arg7[%shift_right_arithmetic3A_985, %scatter3A_990, %scatter3A_991] : memref<4x32x128xf32, #tpu.memory_space<vmem>> -> memref<1x32x128xf32, #tpu.memory_space<vmem>>
      %scatter3A_993 = tpu.memref_squeeze %scatter3A_992 : memref<1x32x128xf32, #tpu.memory_space<vmem>> -> memref<32x128xf32, #tpu.memory_space<vmem>>
      tpu.vector_store_idx %scatter3A_993[%add3A_792, %broadcast_in_dim3A_971], %gather3A_983 : memref<32x128xf32, #tpu.memory_space<vmem>>[vector<16xi32>, vector<16xi32>], vector<16xf32>,
      %mul3A_994 = arith.constant 16 : i32
      %mul3A_995 = arith.muli %scan3A_354, %mul3A_994 : i32
      %add3A_996 = arith.constant 0 : i32
      %add3A_997 = arith.addi %mul3A_995, %add3A_996 : i32
      %add3A_998 = arith.constant 6 : i32
      %add3A_999 = arith.addi %add3A_997, %add3A_998 : i32
      %and3A_1000 = arith.constant 127 : i32
      %and3A_1001 = arith.andi %reduce_sum3A_429, %and3A_1000 : i32
      %broadcast_in_dim3A_1002 = vector.broadcast %and3A_1001 : i32 to vector<16xi32>
      %and3A_1003 = arith.constant 127 : i32
      %and3A_1004 = arith.andi %add3A_999, %and3A_1003 : i32
      %broadcast_in_dim3A_1005 = vector.broadcast %and3A_1004 : i32 to vector<16xi32>
      %gather3A_1006 = arith.constant 6 : i32
      %gather3A_1007 = arith.constant 0 : i32
      %gather3A_1008 = arith.constant 0 : i32
      %gather3A_1009 = tpu.memref_slice %arg6[%gather3A_1006, %gather3A_1007, %gather3A_1008] : memref<16x32x128xf32, #tpu.memory_space<vmem>> -> memref<1x32x128xf32, #tpu.memory_space<vmem>>
      %gather3A_1010 = tpu.memref_squeeze %gather3A_1009 : memref<1x32x128xf32, #tpu.memory_space<vmem>> -> memref<32x128xf32, #tpu.memory_space<vmem>>
      %gather3A_1011 = tpu.vector_load_idx %gather3A_1010[%iota3A_789, %broadcast_in_dim3A_1002] : memref<32x128xf32, #tpu.memory_space<vmem>>[vector<16xi32>, vector<16xi32>], vector<16xf32>,
      %gather3A_1012 = arith.constant 6 : i32
      %gather3A_1013 = arith.constant 0 : i32
      %gather3A_1014 = arith.constant 0 : i32
      %gather3A_1015 = tpu.memref_slice %arg6[%gather3A_1012, %gather3A_1013, %gather3A_1014] : memref<16x32x128xf32, #tpu.memory_space<vmem>> -> memref<1x32x128xf32, #tpu.memory_space<vmem>>
      %gather3A_1016 = tpu.memref_squeeze %gather3A_1015 : memref<1x32x128xf32, #tpu.memory_space<vmem>> -> memref<32x128xf32, #tpu.memory_space<vmem>>
      %gather3A_1017 = tpu.vector_load_idx %gather3A_1016[%add3A_792, %broadcast_in_dim3A_1002] : memref<32x128xf32, #tpu.memory_space<vmem>>[vector<16xi32>, vector<16xi32>], vector<16xf32>,
      %shift_right_arithmetic3A_1018 = arith.constant 7 : i32
      %shift_right_arithmetic3A_1019 = arith.shrsi %add3A_999, %shift_right_arithmetic3A_1018 : i32
      %scatter3A_1020 = arith.constant 0 : i32
      %scatter3A_1021 = arith.constant 0 : i32
      %scatter3A_1022 = tpu.memref_slice %arg7[%shift_right_arithmetic3A_1019, %scatter3A_1020, %scatter3A_1021] : memref<4x32x128xf32, #tpu.memory_space<vmem>> -> memref<1x32x128xf32, #tpu.memory_space<vmem>>
      %scatter3A_1023 = tpu.memref_squeeze %scatter3A_1022 : memref<1x32x128xf32, #tpu.memory_space<vmem>> -> memref<32x128xf32, #tpu.memory_space<vmem>>
      tpu.vector_store_idx %scatter3A_1023[%iota3A_789, %broadcast_in_dim3A_1005], %gather3A_1011 : memref<32x128xf32, #tpu.memory_space<vmem>>[vector<16xi32>, vector<16xi32>], vector<16xf32>,
      %scatter3A_1024 = arith.constant 0 : i32
      %scatter3A_1025 = arith.constant 0 : i32
      %scatter3A_1026 = tpu.memref_slice %arg7[%shift_right_arithmetic3A_1019, %scatter3A_1024, %scatter3A_1025] : memref<4x32x128xf32, #tpu.memory_space<vmem>> -> memref<1x32x128xf32, #tpu.memory_space<vmem>>
      %scatter3A_1027 = tpu.memref_squeeze %scatter3A_1026 : memref<1x32x128xf32, #tpu.memory_space<vmem>> -> memref<32x128xf32, #tpu.memory_space<vmem>>
      tpu.vector_store_idx %scatter3A_1027[%add3A_792, %broadcast_in_dim3A_1005], %gather3A_1017 : memref<32x128xf32, #tpu.memory_space<vmem>>[vector<16xi32>, vector<16xi32>], vector<16xf32>,
      %mul3A_1028 = arith.constant 16 : i32
      %mul3A_1029 = arith.muli %scan3A_354, %mul3A_1028 : i32
      %add3A_1030 = arith.constant 0 : i32
      %add3A_1031 = arith.addi %mul3A_1029, %add3A_1030 : i32
      %add3A_1032 = arith.constant 7 : i32
      %add3A_1033 = arith.addi %add3A_1031, %add3A_1032 : i32
      %and3A_1034 = arith.constant 127 : i32
      %and3A_1035 = arith.andi %reduce_sum3A_439, %and3A_1034 : i32
      %broadcast_in_dim3A_1036 = vector.broadcast %and3A_1035 : i32 to vector<16xi32>
      %and3A_1037 = arith.constant 127 : i32
      %and3A_1038 = arith.andi %add3A_1033, %and3A_1037 : i32
      %broadcast_in_dim3A_1039 = vector.broadcast %and3A_1038 : i32 to vector<16xi32>
      %gather3A_1040 = arith.constant 7 : i32
      %gather3A_1041 = arith.constant 0 : i32
      %gather3A_1042 = arith.constant 0 : i32
      %gather3A_1043 = tpu.memref_slice %arg6[%gather3A_1040, %gather3A_1041, %gather3A_1042] : memref<16x32x128xf32, #tpu.memory_space<vmem>> -> memref<1x32x128xf32, #tpu.memory_space<vmem>>
      %gather3A_1044 = tpu.memref_squeeze %gather3A_1043 : memref<1x32x128xf32, #tpu.memory_space<vmem>> -> memref<32x128xf32, #tpu.memory_space<vmem>>
      %gather3A_1045 = tpu.vector_load_idx %gather3A_1044[%iota3A_789, %broadcast_in_dim3A_1036] : memref<32x128xf32, #tpu.memory_space<vmem>>[vector<16xi32>, vector<16xi32>], vector<16xf32>,
      %gather3A_1046 = arith.constant 7 : i32
      %gather3A_1047 = arith.constant 0 : i32
      %gather3A_1048 = arith.constant 0 : i32
      %gather3A_1049 = tpu.memref_slice %arg6[%gather3A_1046, %gather3A_1047, %gather3A_1048] : memref<16x32x128xf32, #tpu.memory_space<vmem>> -> memref<1x32x128xf32, #tpu.memory_space<vmem>>
      %gather3A_1050 = tpu.memref_squeeze %gather3A_1049 : memref<1x32x128xf32, #tpu.memory_space<vmem>> -> memref<32x128xf32, #tpu.memory_space<vmem>>
      %gather3A_1051 = tpu.vector_load_idx %gather3A_1050[%add3A_792, %broadcast_in_dim3A_1036] : memref<32x128xf32, #tpu.memory_space<vmem>>[vector<16xi32>, vector<16xi32>], vector<16xf32>,
      %shift_right_arithmetic3A_1052 = arith.constant 7 : i32
      %shift_right_arithmetic3A_1053 = arith.shrsi %add3A_1033, %shift_right_arithmetic3A_1052 : i32
      %scatter3A_1054 = arith.constant 0 : i32
      %scatter3A_1055 = arith.constant 0 : i32
      %scatter3A_1056 = tpu.memref_slice %arg7[%shift_right_arithmetic3A_1053, %scatter3A_1054, %scatter3A_1055] : memref<4x32x128xf32, #tpu.memory_space<vmem>> -> memref<1x32x128xf32, #tpu.memory_space<vmem>>
      %scatter3A_1057 = tpu.memref_squeeze %scatter3A_1056 : memref<1x32x128xf32, #tpu.memory_space<vmem>> -> memref<32x128xf32, #tpu.memory_space<vmem>>
      tpu.vector_store_idx %scatter3A_1057[%iota3A_789, %broadcast_in_dim3A_1039], %gather3A_1045 : memref<32x128xf32, #tpu.memory_space<vmem>>[vector<16xi32>, vector<16xi32>], vector<16xf32>,
      %scatter3A_1058 = arith.constant 0 : i32
      %scatter3A_1059 = arith.constant 0 : i32
      %scatter3A_1060 = tpu.memref_slice %arg7[%shift_right_arithmetic3A_1053, %scatter3A_1058, %scatter3A_1059] : memref<4x32x128xf32, #tpu.memory_space<vmem>> -> memref<1x32x128xf32, #tpu.memory_space<vmem>>
      %scatter3A_1061 = tpu.memref_squeeze %scatter3A_1060 : memref<1x32x128xf32, #tpu.memory_space<vmem>> -> memref<32x128xf32, #tpu.memory_space<vmem>>
      tpu.vector_store_idx %scatter3A_1061[%add3A_792, %broadcast_in_dim3A_1039], %gather3A_1051 : memref<32x128xf32, #tpu.memory_space<vmem>>[vector<16xi32>, vector<16xi32>], vector<16xf32>,
      %add3A_1062 = arith.constant 1 : i32
      %add3A_1063 = arith.addi %scan3A_354, %add3A_1062 : i32
      %min3A = arith.constant 31 : i32
      %min3A_1064 = arith.minsi %add3A_1063, %min3A : i32
      %iota3A_1065 = tpu.iota {dimensions = array<i32: 0>} : vector<16xi32>
      %mul3A_1066 = arith.constant 16 : i32
      %mul3A_1067 = arith.muli %min3A_1064, %mul3A_1066 : i32
      %get3A_1068 = arith.index_cast %mul3A_1067 : i32 to index
      %get3A_1069 = tpu.vector_load %arg5[%get3A_1068] {strides = array<i32>} : memref<512xi32, #tpu.memory_space<vmem>>, vector<16xi32>,
      %eq3A_1070 = arith.constant 0 : i32
      %eq3A_1071 = vector.broadcast %eq3A_1070 : i32 to vector<16xi32>
      %eq3A_1072 = arith.cmpi eq, %iota3A_1065, %eq3A_1071 : vector<16xi32>
      %jit3A_1073 = arith.constant 0 : i32
      %broadcast_in_dim3A_1074 = vector.broadcast %jit3A_1073 : i32 to vector<16xi32>
      %select_n3A_1075 = arith.select %eq3A_1072, %get3A_1069, %broadcast_in_dim3A_1074 : vector<16xi1>, vector<16xi32>
      %reduce_sum3A_1076 = arith.constant true
      %reduce_sum3A_1077 = vector.broadcast %reduce_sum3A_1076 : i1 to vector<16xi1>
      %reduce_sum3A_1078 = tpu.scan <sum>, %select_n3A_1075 masked %reduce_sum3A_1077 : vector<16xi32>, vector<16xi1> -> vector<16xi32>
      %reduce_sum3A_1079 = vector.extract %reduce_sum3A_1078[15] : i32 from vector<16xi32>
      %eq3A_1080 = arith.constant 1 : i32
      %eq3A_1081 = vector.broadcast %eq3A_1080 : i32 to vector<16xi32>
      %eq3A_1082 = arith.cmpi eq, %iota3A_1065, %eq3A_1081 : vector<16xi32>
      %jit3A_1083 = arith.constant 0 : i32
      %broadcast_in_dim3A_1084 = vector.broadcast %jit3A_1083 : i32 to vector<16xi32>
      %select_n3A_1085 = arith.select %eq3A_1082, %get3A_1069, %broadcast_in_dim3A_1084 : vector<16xi1>, vector<16xi32>
      %reduce_sum3A_1086 = arith.constant true
      %reduce_sum3A_1087 = vector.broadcast %reduce_sum3A_1086 : i1 to vector<16xi1>
      %reduce_sum3A_1088 = tpu.scan <sum>, %select_n3A_1085 masked %reduce_sum3A_1087 : vector<16xi32>, vector<16xi1> -> vector<16xi32>
      %reduce_sum3A_1089 = vector.extract %reduce_sum3A_1088[15] : i32 from vector<16xi32>
      %eq3A_1090 = arith.constant 2 : i32
      %eq3A_1091 = vector.broadcast %eq3A_1090 : i32 to vector<16xi32>
      %eq3A_1092 = arith.cmpi eq, %iota3A_1065, %eq3A_1091 : vector<16xi32>
      %jit3A_1093 = arith.constant 0 : i32
      %broadcast_in_dim3A_1094 = vector.broadcast %jit3A_1093 : i32 to vector<16xi32>
      %select_n3A_1095 = arith.select %eq3A_1092, %get3A_1069, %broadcast_in_dim3A_1094 : vector<16xi1>, vector<16xi32>
      %reduce_sum3A_1096 = arith.constant true
      %reduce_sum3A_1097 = vector.broadcast %reduce_sum3A_1096 : i1 to vector<16xi1>
      %reduce_sum3A_1098 = tpu.scan <sum>, %select_n3A_1095 masked %reduce_sum3A_1097 : vector<16xi32>, vector<16xi1> -> vector<16xi32>
      %reduce_sum3A_1099 = vector.extract %reduce_sum3A_1098[15] : i32 from vector<16xi32>
      %eq3A_1100 = arith.constant 3 : i32
      %eq3A_1101 = vector.broadcast %eq3A_1100 : i32 to vector<16xi32>
      %eq3A_1102 = arith.cmpi eq, %iota3A_1065, %eq3A_1101 : vector<16xi32>
      %jit3A_1103 = arith.constant 0 : i32
      %broadcast_in_dim3A_1104 = vector.broadcast %jit3A_1103 : i32 to vector<16xi32>
      %select_n3A_1105 = arith.select %eq3A_1102, %get3A_1069, %broadcast_in_dim3A_1104 : vector<16xi1>, vector<16xi32>
      %reduce_sum3A_1106 = arith.constant true
      %reduce_sum3A_1107 = vector.broadcast %reduce_sum3A_1106 : i1 to vector<16xi1>
      %reduce_sum3A_1108 = tpu.scan <sum>, %select_n3A_1105 masked %reduce_sum3A_1107 : vector<16xi32>, vector<16xi1> -> vector<16xi32>
      %reduce_sum3A_1109 = vector.extract %reduce_sum3A_1108[15] : i32 from vector<16xi32>
      %eq3A_1110 = arith.constant 4 : i32
      %eq3A_1111 = vector.broadcast %eq3A_1110 : i32 to vector<16xi32>
      %eq3A_1112 = arith.cmpi eq, %iota3A_1065, %eq3A_1111 : vector<16xi32>
      %jit3A_1113 = arith.constant 0 : i32
      %broadcast_in_dim3A_1114 = vector.broadcast %jit3A_1113 : i32 to vector<16xi32>
      %select_n3A_1115 = arith.select %eq3A_1112, %get3A_1069, %broadcast_in_dim3A_1114 : vector<16xi1>, vector<16xi32>
      %reduce_sum3A_1116 = arith.constant true
      %reduce_sum3A_1117 = vector.broadcast %reduce_sum3A_1116 : i1 to vector<16xi1>
      %reduce_sum3A_1118 = tpu.scan <sum>, %select_n3A_1115 masked %reduce_sum3A_1117 : vector<16xi32>, vector<16xi1> -> vector<16xi32>
      %reduce_sum3A_1119 = vector.extract %reduce_sum3A_1118[15] : i32 from vector<16xi32>
      %eq3A_1120 = arith.constant 5 : i32
      %eq3A_1121 = vector.broadcast %eq3A_1120 : i32 to vector<16xi32>
      %eq3A_1122 = arith.cmpi eq, %iota3A_1065, %eq3A_1121 : vector<16xi32>
      %jit3A_1123 = arith.constant 0 : i32
      %broadcast_in_dim3A_1124 = vector.broadcast %jit3A_1123 : i32 to vector<16xi32>
      %select_n3A_1125 = arith.select %eq3A_1122, %get3A_1069, %broadcast_in_dim3A_1124 : vector<16xi1>, vector<16xi32>
      %reduce_sum3A_1126 = arith.constant true
      %reduce_sum3A_1127 = vector.broadcast %reduce_sum3A_1126 : i1 to vector<16xi1>
      %reduce_sum3A_1128 = tpu.scan <sum>, %select_n3A_1125 masked %reduce_sum3A_1127 : vector<16xi32>, vector<16xi1> -> vector<16xi32>
      %reduce_sum3A_1129 = vector.extract %reduce_sum3A_1128[15] : i32 from vector<16xi32>
      %eq3A_1130 = arith.constant 6 : i32
      %eq3A_1131 = vector.broadcast %eq3A_1130 : i32 to vector<16xi32>
      %eq3A_1132 = arith.cmpi eq, %iota3A_1065, %eq3A_1131 : vector<16xi32>
      %jit3A_1133 = arith.constant 0 : i32
      %broadcast_in_dim3A_1134 = vector.broadcast %jit3A_1133 : i32 to vector<16xi32>
      %select_n3A_1135 = arith.select %eq3A_1132, %get3A_1069, %broadcast_in_dim3A_1134 : vector<16xi1>, vector<16xi32>
      %reduce_sum3A_1136 = arith.constant true
      %reduce_sum3A_1137 = vector.broadcast %reduce_sum3A_1136 : i1 to vector<16xi1>
      %reduce_sum3A_1138 = tpu.scan <sum>, %select_n3A_1135 masked %reduce_sum3A_1137 : vector<16xi32>, vector<16xi1> -> vector<16xi32>
      %reduce_sum3A_1139 = vector.extract %reduce_sum3A_1138[15] : i32 from vector<16xi32>
      %eq3A_1140 = arith.constant 7 : i32
      %eq3A_1141 = vector.broadcast %eq3A_1140 : i32 to vector<16xi32>
      %eq3A_1142 = arith.cmpi eq, %iota3A_1065, %eq3A_1141 : vector<16xi32>
      %jit3A_1143 = arith.constant 0 : i32
      %broadcast_in_dim3A_1144 = vector.broadcast %jit3A_1143 : i32 to vector<16xi32>
      %select_n3A_1145 = arith.select %eq3A_1142, %get3A_1069, %broadcast_in_dim3A_1144 : vector<16xi1>, vector<16xi32>
      %reduce_sum3A_1146 = arith.constant true
      %reduce_sum3A_1147 = vector.broadcast %reduce_sum3A_1146 : i1 to vector<16xi1>
      %reduce_sum3A_1148 = tpu.scan <sum>, %select_n3A_1145 masked %reduce_sum3A_1147 : vector<16xi32>, vector<16xi1> -> vector<16xi32>
      %reduce_sum3A_1149 = vector.extract %reduce_sum3A_1148[15] : i32 from vector<16xi32>
      %shift_right_arithmetic3A_1150 = arith.constant 7 : i32
      %shift_right_arithmetic3A_1151 = arith.shrsi %reduce_sum3A_1079, %shift_right_arithmetic3A_1150 : i32
      %shift_left3A_1152 = arith.constant 7 : i32
      %shift_left3A_1153 = arith.shli %shift_right_arithmetic3A_1151, %shift_left3A_1152 : i32
      %multiple_of3A_1154 = tpu.assume_multiple %shift_left3A_1153, 128 : i32
      %dma_start3A_1155 = arith.constant 0 : i32
      %dma_start3A_1156 = arith.constant 0 : i32
      %dma_start3A_1157 = arith.constant 0 : i32
      %dma_start3A_1158 = tpu.memref_slice %arg6[%dma_start3A_1155, %dma_start3A_1156, %dma_start3A_1157] : memref<16x32x128xf32, #tpu.memory_space<vmem>> -> memref<1x32x128xf32, #tpu.memory_space<vmem>>
      %dma_start3A_1159 = tpu.memref_squeeze %dma_start3A_1158 : memref<1x32x128xf32, #tpu.memory_space<vmem>> -> memref<32x128xf32, #tpu.memory_space<vmem>>
      %dma_start3A_1160 = arith.constant 0 : i32
      %dma_start3A_1161 = tpu.memref_slice %arg3[%dma_start3A_1160, %multiple_of3A_1154] : memref<32x1000001xf32, #tpu.memory_space<hbm>> -> memref<32x128xf32, #tpu.memory_space<hbm>>
      %dma_start3A_1162 = arith.constant 0 : i32
      %dma_start3A_1163 = arith.constant 0 : i32
      %dma_start3A_1164 = tpu.memref_slice %arg6[%dma_start3A_1155, %dma_start3A_1162, %dma_start3A_1163] : memref<16x32x128xf32, #tpu.memory_space<vmem>> -> memref<1x32x128xf32, #tpu.memory_space<vmem>>
      %dma_start3A_1165 = tpu.memref_squeeze %dma_start3A_1164 : memref<1x32x128xf32, #tpu.memory_space<vmem>> -> memref<32x128xf32, #tpu.memory_space<vmem>>
      %dma_start3A_1166 = arith.constant 0 : i32
      %dma_start3A_1167 = tpu.memref_slice %arg3[%dma_start3A_1166, %multiple_of3A_1154] : memref<32x1000001xf32, #tpu.memory_space<hbm>> -> memref<32x128xf32, #tpu.memory_space<hbm>>
      tpu.enqueue_dma source(%dma_start3A_1167 : memref<32x128xf32, #tpu.memory_space<hbm>>) target(%dma_start3A_1165 : memref<32x128xf32, #tpu.memory_space<vmem>>) target_semaphore(%arg8 : memref<!tpu.dma_semaphore, #tpu.memory_space<semaphore_mem>>)
      %shift_right_arithmetic3A_1168 = arith.constant 7 : i32
      %shift_right_arithmetic3A_1169 = arith.shrsi %reduce_sum3A_1089, %shift_right_arithmetic3A_1168 : i32
      %shift_left3A_1170 = arith.constant 7 : i32
      %shift_left3A_1171 = arith.shli %shift_right_arithmetic3A_1169, %shift_left3A_1170 : i32
      %multiple_of3A_1172 = tpu.assume_multiple %shift_left3A_1171, 128 : i32
      %dma_start3A_1173 = arith.constant 1 : i32
      %dma_start3A_1174 = arith.constant 0 : i32
      %dma_start3A_1175 = arith.constant 0 : i32
      %dma_start3A_1176 = tpu.memref_slice %arg6[%dma_start3A_1173, %dma_start3A_1174, %dma_start3A_1175] : memref<16x32x128xf32, #tpu.memory_space<vmem>> -> memref<1x32x128xf32, #tpu.memory_space<vmem>>
      %dma_start3A_1177 = tpu.memref_squeeze %dma_start3A_1176 : memref<1x32x128xf32, #tpu.memory_space<vmem>> -> memref<32x128xf32, #tpu.memory_space<vmem>>
      %dma_start3A_1178 = arith.constant 0 : i32
      %dma_start3A_1179 = tpu.memref_slice %arg3[%dma_start3A_1178, %multiple_of3A_1172] : memref<32x1000001xf32, #tpu.memory_space<hbm>> -> memref<32x128xf32, #tpu.memory_space<hbm>>
      %dma_start3A_1180 = arith.constant 0 : i32
      %dma_start3A_1181 = arith.constant 0 : i32
      %dma_start3A_1182 = tpu.memref_slice %arg6[%dma_start3A_1173, %dma_start3A_1180, %dma_start3A_1181] : memref<16x32x128xf32, #tpu.memory_space<vmem>> -> memref<1x32x128xf32, #tpu.memory_space<vmem>>
      %dma_start3A_1183 = tpu.memref_squeeze %dma_start3A_1182 : memref<1x32x128xf32, #tpu.memory_space<vmem>> -> memref<32x128xf32, #tpu.memory_space<vmem>>
      %dma_start3A_1184 = arith.constant 0 : i32
      %dma_start3A_1185 = tpu.memref_slice %arg3[%dma_start3A_1184, %multiple_of3A_1172] : memref<32x1000001xf32, #tpu.memory_space<hbm>> -> memref<32x128xf32, #tpu.memory_space<hbm>>
      tpu.enqueue_dma source(%dma_start3A_1185 : memref<32x128xf32, #tpu.memory_space<hbm>>) target(%dma_start3A_1183 : memref<32x128xf32, #tpu.memory_space<vmem>>) target_semaphore(%arg8 : memref<!tpu.dma_semaphore, #tpu.memory_space<semaphore_mem>>)
      %shift_right_arithmetic3A_1186 = arith.constant 7 : i32
      %shift_right_arithmetic3A_1187 = arith.shrsi %reduce_sum3A_1099, %shift_right_arithmetic3A_1186 : i32
      %shift_left3A_1188 = arith.constant 7 : i32
      %shift_left3A_1189 = arith.shli %shift_right_arithmetic3A_1187, %shift_left3A_1188 : i32
      %multiple_of3A_1190 = tpu.assume_multiple %shift_left3A_1189, 128 : i32
      %dma_start3A_1191 = arith.constant 2 : i32
      %dma_start3A_1192 = arith.constant 0 : i32
      %dma_start3A_1193 = arith.constant 0 : i32
      %dma_start3A_1194 = tpu.memref_slice %arg6[%dma_start3A_1191, %dma_start3A_1192, %dma_start3A_1193] : memref<16x32x128xf32, #tpu.memory_space<vmem>> -> memref<1x32x128xf32, #tpu.memory_space<vmem>>
      %dma_start3A_1195 = tpu.memref_squeeze %dma_start3A_1194 : memref<1x32x128xf32, #tpu.memory_space<vmem>> -> memref<32x128xf32, #tpu.memory_space<vmem>>
      %dma_start3A_1196 = arith.constant 0 : i32
      %dma_start3A_1197 = tpu.memref_slice %arg3[%dma_start3A_1196, %multiple_of3A_1190] : memref<32x1000001xf32, #tpu.memory_space<hbm>> -> memref<32x128xf32, #tpu.memory_space<hbm>>
      %dma_start3A_1198 = arith.constant 0 : i32
      %dma_start3A_1199 = arith.constant 0 : i32
      %dma_start3A_1200 = tpu.memref_slice %arg6[%dma_start3A_1191, %dma_start3A_1198, %dma_start3A_1199] : memref<16x32x128xf32, #tpu.memory_space<vmem>> -> memref<1x32x128xf32, #tpu.memory_space<vmem>>
      %dma_start3A_1201 = tpu.memref_squeeze %dma_start3A_1200 : memref<1x32x128xf32, #tpu.memory_space<vmem>> -> memref<32x128xf32, #tpu.memory_space<vmem>>
      %dma_start3A_1202 = arith.constant 0 : i32
      %dma_start3A_1203 = tpu.memref_slice %arg3[%dma_start3A_1202, %multiple_of3A_1190] : memref<32x1000001xf32, #tpu.memory_space<hbm>> -> memref<32x128xf32, #tpu.memory_space<hbm>>
      tpu.enqueue_dma source(%dma_start3A_1203 : memref<32x128xf32, #tpu.memory_space<hbm>>) target(%dma_start3A_1201 : memref<32x128xf32, #tpu.memory_space<vmem>>) target_semaphore(%arg8 : memref<!tpu.dma_semaphore, #tpu.memory_space<semaphore_mem>>)
      %shift_right_arithmetic3A_1204 = arith.constant 7 : i32
      %shift_right_arithmetic3A_1205 = arith.shrsi %reduce_sum3A_1109, %shift_right_arithmetic3A_1204 : i32
      %shift_left3A_1206 = arith.constant 7 : i32
      %shift_left3A_1207 = arith.shli %shift_right_arithmetic3A_1205, %shift_left3A_1206 : i32
      %multiple_of3A_1208 = tpu.assume_multiple %shift_left3A_1207, 128 : i32
      %dma_start3A_1209 = arith.constant 3 : i32
      %dma_start3A_1210 = arith.constant 0 : i32
      %dma_start3A_1211 = arith.constant 0 : i32
      %dma_start3A_1212 = tpu.memref_slice %arg6[%dma_start3A_1209, %dma_start3A_1210, %dma_start3A_1211] : memref<16x32x128xf32, #tpu.memory_space<vmem>> -> memref<1x32x128xf32, #tpu.memory_space<vmem>>
      %dma_start3A_1213 = tpu.memref_squeeze %dma_start3A_1212 : memref<1x32x128xf32, #tpu.memory_space<vmem>> -> memref<32x128xf32, #tpu.memory_space<vmem>>
      %dma_start3A_1214 = arith.constant 0 : i32
      %dma_start3A_1215 = tpu.memref_slice %arg3[%dma_start3A_1214, %multiple_of3A_1208] : memref<32x1000001xf32, #tpu.memory_space<hbm>> -> memref<32x128xf32, #tpu.memory_space<hbm>>
      %dma_start3A_1216 = arith.constant 0 : i32
      %dma_start3A_1217 = arith.constant 0 : i32
      %dma_start3A_1218 = tpu.memref_slice %arg6[%dma_start3A_1209, %dma_start3A_1216, %dma_start3A_1217] : memref<16x32x128xf32, #tpu.memory_space<vmem>> -> memref<1x32x128xf32, #tpu.memory_space<vmem>>
      %dma_start3A_1219 = tpu.memref_squeeze %dma_start3A_1218 : memref<1x32x128xf32, #tpu.memory_space<vmem>> -> memref<32x128xf32, #tpu.memory_space<vmem>>
      %dma_start3A_1220 = arith.constant 0 : i32
      %dma_start3A_1221 = tpu.memref_slice %arg3[%dma_start3A_1220, %multiple_of3A_1208] : memref<32x1000001xf32, #tpu.memory_space<hbm>> -> memref<32x128xf32, #tpu.memory_space<hbm>>
      tpu.enqueue_dma source(%dma_start3A_1221 : memref<32x128xf32, #tpu.memory_space<hbm>>) target(%dma_start3A_1219 : memref<32x128xf32, #tpu.memory_space<vmem>>) target_semaphore(%arg8 : memref<!tpu.dma_semaphore, #tpu.memory_space<semaphore_mem>>)
      %shift_right_arithmetic3A_1222 = arith.constant 7 : i32
      %shift_right_arithmetic3A_1223 = arith.shrsi %reduce_sum3A_1119, %shift_right_arithmetic3A_1222 : i32
      %shift_left3A_1224 = arith.constant 7 : i32
      %shift_left3A_1225 = arith.shli %shift_right_arithmetic3A_1223, %shift_left3A_1224 : i32
      %multiple_of3A_1226 = tpu.assume_multiple %shift_left3A_1225, 128 : i32
      %dma_start3A_1227 = arith.constant 4 : i32
      %dma_start3A_1228 = arith.constant 0 : i32
      %dma_start3A_1229 = arith.constant 0 : i32
      %dma_start3A_1230 = tpu.memref_slice %arg6[%dma_start3A_1227, %dma_start3A_1228, %dma_start3A_1229] : memref<16x32x128xf32, #tpu.memory_space<vmem>> -> memref<1x32x128xf32, #tpu.memory_space<vmem>>
      %dma_start3A_1231 = tpu.memref_squeeze %dma_start3A_1230 : memref<1x32x128xf32, #tpu.memory_space<vmem>> -> memref<32x128xf32, #tpu.memory_space<vmem>>
      %dma_start3A_1232 = arith.constant 0 : i32
      %dma_start3A_1233 = tpu.memref_slice %arg3[%dma_start3A_1232, %multiple_of3A_1226] : memref<32x1000001xf32, #tpu.memory_space<hbm>> -> memref<32x128xf32, #tpu.memory_space<hbm>>
      %dma_start3A_1234 = arith.constant 0 : i32
      %dma_start3A_1235 = arith.constant 0 : i32
      %dma_start3A_1236 = tpu.memref_slice %arg6[%dma_start3A_1227, %dma_start3A_1234, %dma_start3A_1235] : memref<16x32x128xf32, #tpu.memory_space<vmem>> -> memref<1x32x128xf32, #tpu.memory_space<vmem>>
      %dma_start3A_1237 = tpu.memref_squeeze %dma_start3A_1236 : memref<1x32x128xf32, #tpu.memory_space<vmem>> -> memref<32x128xf32, #tpu.memory_space<vmem>>
      %dma_start3A_1238 = arith.constant 0 : i32
      %dma_start3A_1239 = tpu.memref_slice %arg3[%dma_start3A_1238, %multiple_of3A_1226] : memref<32x1000001xf32, #tpu.memory_space<hbm>> -> memref<32x128xf32, #tpu.memory_space<hbm>>
      tpu.enqueue_dma source(%dma_start3A_1239 : memref<32x128xf32, #tpu.memory_space<hbm>>) target(%dma_start3A_1237 : memref<32x128xf32, #tpu.memory_space<vmem>>) target_semaphore(%arg8 : memref<!tpu.dma_semaphore, #tpu.memory_space<semaphore_mem>>)
      %shift_right_arithmetic3A_1240 = arith.constant 7 : i32
      %shift_right_arithmetic3A_1241 = arith.shrsi %reduce_sum3A_1129, %shift_right_arithmetic3A_1240 : i32
      %shift_left3A_1242 = arith.constant 7 : i32
      %shift_left3A_1243 = arith.shli %shift_right_arithmetic3A_1241, %shift_left3A_1242 : i32
      %multiple_of3A_1244 = tpu.assume_multiple %shift_left3A_1243, 128 : i32
      %dma_start3A_1245 = arith.constant 5 : i32
      %dma_start3A_1246 = arith.constant 0 : i32
      %dma_start3A_1247 = arith.constant 0 : i32
      %dma_start3A_1248 = tpu.memref_slice %arg6[%dma_start3A_1245, %dma_start3A_1246, %dma_start3A_1247] : memref<16x32x128xf32, #tpu.memory_space<vmem>> -> memref<1x32x128xf32, #tpu.memory_space<vmem>>
      %dma_start3A_1249 = tpu.memref_squeeze %dma_start3A_1248 : memref<1x32x128xf32, #tpu.memory_space<vmem>> -> memref<32x128xf32, #tpu.memory_space<vmem>>
      %dma_start3A_1250 = arith.constant 0 : i32
      %dma_start3A_1251 = tpu.memref_slice %arg3[%dma_start3A_1250, %multiple_of3A_1244] : memref<32x1000001xf32, #tpu.memory_space<hbm>> -> memref<32x128xf32, #tpu.memory_space<hbm>>
      %dma_start3A_1252 = arith.constant 0 : i32
      %dma_start3A_1253 = arith.constant 0 : i32
      %dma_start3A_1254 = tpu.memref_slice %arg6[%dma_start3A_1245, %dma_start3A_1252, %dma_start3A_1253] : memref<16x32x128xf32, #tpu.memory_space<vmem>> -> memref<1x32x128xf32, #tpu.memory_space<vmem>>
      %dma_start3A_1255 = tpu.memref_squeeze %dma_start3A_1254 : memref<1x32x128xf32, #tpu.memory_space<vmem>> -> memref<32x128xf32, #tpu.memory_space<vmem>>
      %dma_start3A_1256 = arith.constant 0 : i32
      %dma_start3A_1257 = tpu.memref_slice %arg3[%dma_start3A_1256, %multiple_of3A_1244] : memref<32x1000001xf32, #tpu.memory_space<hbm>> -> memref<32x128xf32, #tpu.memory_space<hbm>>
      tpu.enqueue_dma source(%dma_start3A_1257 : memref<32x128xf32, #tpu.memory_space<hbm>>) target(%dma_start3A_1255 : memref<32x128xf32, #tpu.memory_space<vmem>>) target_semaphore(%arg8 : memref<!tpu.dma_semaphore, #tpu.memory_space<semaphore_mem>>)
      %shift_right_arithmetic3A_1258 = arith.constant 7 : i32
      %shift_right_arithmetic3A_1259 = arith.shrsi %reduce_sum3A_1139, %shift_right_arithmetic3A_1258 : i32
      %shift_left3A_1260 = arith.constant 7 : i32
      %shift_left3A_1261 = arith.shli %shift_right_arithmetic3A_1259, %shift_left3A_1260 : i32
      %multiple_of3A_1262 = tpu.assume_multiple %shift_left3A_1261, 128 : i32
      %dma_start3A_1263 = arith.constant 6 : i32
      %dma_start3A_1264 = arith.constant 0 : i32
      %dma_start3A_1265 = arith.constant 0 : i32
      %dma_start3A_1266 = tpu.memref_slice %arg6[%dma_start3A_1263, %dma_start3A_1264, %dma_start3A_1265] : memref<16x32x128xf32, #tpu.memory_space<vmem>> -> memref<1x32x128xf32, #tpu.memory_space<vmem>>
      %dma_start3A_1267 = tpu.memref_squeeze %dma_start3A_1266 : memref<1x32x128xf32, #tpu.memory_space<vmem>> -> memref<32x128xf32, #tpu.memory_space<vmem>>
      %dma_start3A_1268 = arith.constant 0 : i32
      %dma_start3A_1269 = tpu.memref_slice %arg3[%dma_start3A_1268, %multiple_of3A_1262] : memref<32x1000001xf32, #tpu.memory_space<hbm>> -> memref<32x128xf32, #tpu.memory_space<hbm>>
      %dma_start3A_1270 = arith.constant 0 : i32
      %dma_start3A_1271 = arith.constant 0 : i32
      %dma_start3A_1272 = tpu.memref_slice %arg6[%dma_start3A_1263, %dma_start3A_1270, %dma_start3A_1271] : memref<16x32x128xf32, #tpu.memory_space<vmem>> -> memref<1x32x128xf32, #tpu.memory_space<vmem>>
      %dma_start3A_1273 = tpu.memref_squeeze %dma_start3A_1272 : memref<1x32x128xf32, #tpu.memory_space<vmem>> -> memref<32x128xf32, #tpu.memory_space<vmem>>
      %dma_start3A_1274 = arith.constant 0 : i32
      %dma_start3A_1275 = tpu.memref_slice %arg3[%dma_start3A_1274, %multiple_of3A_1262] : memref<32x1000001xf32, #tpu.memory_space<hbm>> -> memref<32x128xf32, #tpu.memory_space<hbm>>
      tpu.enqueue_dma source(%dma_start3A_1275 : memref<32x128xf32, #tpu.memory_space<hbm>>) target(%dma_start3A_1273 : memref<32x128xf32, #tpu.memory_space<vmem>>) target_semaphore(%arg8 : memref<!tpu.dma_semaphore, #tpu.memory_space<semaphore_mem>>)
      %shift_right_arithmetic3A_1276 = arith.constant 7 : i32
      %shift_right_arithmetic3A_1277 = arith.shrsi %reduce_sum3A_1149, %shift_right_arithmetic3A_1276 : i32
      %shift_left3A_1278 = arith.constant 7 : i32
      %shift_left3A_1279 = arith.shli %shift_right_arithmetic3A_1277, %shift_left3A_1278 : i32
      %multiple_of3A_1280 = tpu.assume_multiple %shift_left3A_1279, 128 : i32
      %dma_start3A_1281 = arith.constant 7 : i32
      %dma_start3A_1282 = arith.constant 0 : i32
      %dma_start3A_1283 = arith.constant 0 : i32
      %dma_start3A_1284 = tpu.memref_slice %arg6[%dma_start3A_1281, %dma_start3A_1282, %dma_start3A_1283] : memref<16x32x128xf32, #tpu.memory_space<vmem>> -> memref<1x32x128xf32, #tpu.memory_space<vmem>>
      %dma_start3A_1285 = tpu.memref_squeeze %dma_start3A_1284 : memref<1x32x128xf32, #tpu.memory_space<vmem>> -> memref<32x128xf32, #tpu.memory_space<vmem>>
      %dma_start3A_1286 = arith.constant 0 : i32
      %dma_start3A_1287 = tpu.memref_slice %arg3[%dma_start3A_1286, %multiple_of3A_1280] : memref<32x1000001xf32, #tpu.memory_space<hbm>> -> memref<32x128xf32, #tpu.memory_space<hbm>>
      %dma_start3A_1288 = arith.constant 0 : i32
      %dma_start3A_1289 = arith.constant 0 : i32
      %dma_start3A_1290 = tpu.memref_slice %arg6[%dma_start3A_1281, %dma_start3A_1288, %dma_start3A_1289] : memref<16x32x128xf32, #tpu.memory_space<vmem>> -> memref<1x32x128xf32, #tpu.memory_space<vmem>>
      %dma_start3A_1291 = tpu.memref_squeeze %dma_start3A_1290 : memref<1x32x128xf32, #tpu.memory_space<vmem>> -> memref<32x128xf32, #tpu.memory_space<vmem>>
      %dma_start3A_1292 = arith.constant 0 : i32
      %dma_start3A_1293 = tpu.memref_slice %arg3[%dma_start3A_1292, %multiple_of3A_1280] : memref<32x1000001xf32, #tpu.memory_space<hbm>> -> memref<32x128xf32, #tpu.memory_space<hbm>>
      tpu.enqueue_dma source(%dma_start3A_1293 : memref<32x128xf32, #tpu.memory_space<hbm>>) target(%dma_start3A_1291 : memref<32x128xf32, #tpu.memory_space<vmem>>) target_semaphore(%arg8 : memref<!tpu.dma_semaphore, #tpu.memory_space<semaphore_mem>>)
      %dma_wait3A_1294 = arith.constant 8 : i32
      %dma_wait3A_1295 = arith.constant 0 : i32
      %dma_wait3A_1296 = arith.constant 0 : i32
      %dma_wait3A_1297 = tpu.memref_slice %arg6[%dma_wait3A_1294, %dma_wait3A_1295, %dma_wait3A_1296] : memref<16x32x128xf32, #tpu.memory_space<vmem>> -> memref<1x32x128xf32, #tpu.memory_space<vmem>>
      %dma_wait3A_1298 = tpu.memref_squeeze %dma_wait3A_1297 : memref<1x32x128xf32, #tpu.memory_space<vmem>> -> memref<32x128xf32, #tpu.memory_space<vmem>>
      %dma_wait3A_1299 = arith.constant 0 : i32
      %dma_wait3A_1300 = arith.constant 0 : i32
      %dma_wait3A_1301 = tpu.memref_slice %arg3[%dma_wait3A_1299, %dma_wait3A_1300] : memref<32x1000001xf32, #tpu.memory_space<hbm>> -> memref<32x128xf32, #tpu.memory_space<hbm>>
      %dma_wait3A_1302 = arith.constant 0 : i32
      %dma_wait3A_1303 = arith.constant 0 : i32
      %dma_wait3A_1304 = tpu.memref_slice %arg6[%dma_wait3A_1294, %dma_wait3A_1302, %dma_wait3A_1303] : memref<16x32x128xf32, #tpu.memory_space<vmem>> -> memref<1x32x128xf32, #tpu.memory_space<vmem>>
      %dma_wait3A_1305 = tpu.memref_squeeze %dma_wait3A_1304 : memref<1x32x128xf32, #tpu.memory_space<vmem>> -> memref<32x128xf32, #tpu.memory_space<vmem>>
      %dma_wait3A_1306 = arith.constant 0 : i32
      %dma_wait3A_1307 = arith.constant 0 : i32
      %dma_wait3A_1308 = tpu.memref_slice %arg3[%dma_wait3A_1306, %dma_wait3A_1307] : memref<32x1000001xf32, #tpu.memory_space<hbm>> -> memref<32x128xf32, #tpu.memory_space<hbm>>
      tpu.wait_dma2 semaphore(%arg9 : memref<!tpu.dma_semaphore, #tpu.memory_space<semaphore_mem>>) src(%dma_wait3A_1308 : memref<32x128xf32, #tpu.memory_space<hbm>>) dst(%dma_wait3A_1305 : memref<32x128xf32, #tpu.memory_space<vmem>>)
      %dma_wait3A_1309 = arith.constant 9 : i32
      %dma_wait3A_1310 = arith.constant 0 : i32
      %dma_wait3A_1311 = arith.constant 0 : i32
      %dma_wait3A_1312 = tpu.memref_slice %arg6[%dma_wait3A_1309, %dma_wait3A_1310, %dma_wait3A_1311] : memref<16x32x128xf32, #tpu.memory_space<vmem>> -> memref<1x32x128xf32, #tpu.memory_space<vmem>>
      %dma_wait3A_1313 = tpu.memref_squeeze %dma_wait3A_1312 : memref<1x32x128xf32, #tpu.memory_space<vmem>> -> memref<32x128xf32, #tpu.memory_space<vmem>>
      %dma_wait3A_1314 = arith.constant 0 : i32
      %dma_wait3A_1315 = arith.constant 0 : i32
      %dma_wait3A_1316 = tpu.memref_slice %arg3[%dma_wait3A_1314, %dma_wait3A_1315] : memref<32x1000001xf32, #tpu.memory_space<hbm>> -> memref<32x128xf32, #tpu.memory_space<hbm>>
      %dma_wait3A_1317 = arith.constant 0 : i32
      %dma_wait3A_1318 = arith.constant 0 : i32
      %dma_wait3A_1319 = tpu.memref_slice %arg6[%dma_wait3A_1309, %dma_wait3A_1317, %dma_wait3A_1318] : memref<16x32x128xf32, #tpu.memory_space<vmem>> -> memref<1x32x128xf32, #tpu.memory_space<vmem>>
      %dma_wait3A_1320 = tpu.memref_squeeze %dma_wait3A_1319 : memref<1x32x128xf32, #tpu.memory_space<vmem>> -> memref<32x128xf32, #tpu.memory_space<vmem>>
      %dma_wait3A_1321 = arith.constant 0 : i32
      %dma_wait3A_1322 = arith.constant 0 : i32
      %dma_wait3A_1323 = tpu.memref_slice %arg3[%dma_wait3A_1321, %dma_wait3A_1322] : memref<32x1000001xf32, #tpu.memory_space<hbm>> -> memref<32x128xf32, #tpu.memory_space<hbm>>
      tpu.wait_dma2 semaphore(%arg9 : memref<!tpu.dma_semaphore, #tpu.memory_space<semaphore_mem>>) src(%dma_wait3A_1323 : memref<32x128xf32, #tpu.memory_space<hbm>>) dst(%dma_wait3A_1320 : memref<32x128xf32, #tpu.memory_space<vmem>>)
      %dma_wait3A_1324 = arith.constant 10 : i32
      %dma_wait3A_1325 = arith.constant 0 : i32
      %dma_wait3A_1326 = arith.constant 0 : i32
      %dma_wait3A_1327 = tpu.memref_slice %arg6[%dma_wait3A_1324, %dma_wait3A_1325, %dma_wait3A_1326] : memref<16x32x128xf32, #tpu.memory_space<vmem>> -> memref<1x32x128xf32, #tpu.memory_space<vmem>>
      %dma_wait3A_1328 = tpu.memref_squeeze %dma_wait3A_1327 : memref<1x32x128xf32, #tpu.memory_space<vmem>> -> memref<32x128xf32, #tpu.memory_space<vmem>>
      %dma_wait3A_1329 = arith.constant 0 : i32
      %dma_wait3A_1330 = arith.constant 0 : i32
      %dma_wait3A_1331 = tpu.memref_slice %arg3[%dma_wait3A_1329, %dma_wait3A_1330] : memref<32x1000001xf32, #tpu.memory_space<hbm>> -> memref<32x128xf32, #tpu.memory_space<hbm>>
      %dma_wait3A_1332 = arith.constant 0 : i32
      %dma_wait3A_1333 = arith.constant 0 : i32
      %dma_wait3A_1334 = tpu.memref_slice %arg6[%dma_wait3A_1324, %dma_wait3A_1332, %dma_wait3A_1333] : memref<16x32x128xf32, #tpu.memory_space<vmem>> -> memref<1x32x128xf32, #tpu.memory_space<vmem>>
      %dma_wait3A_1335 = tpu.memref_squeeze %dma_wait3A_1334 : memref<1x32x128xf32, #tpu.memory_space<vmem>> -> memref<32x128xf32, #tpu.memory_space<vmem>>
      %dma_wait3A_1336 = arith.constant 0 : i32
      %dma_wait3A_1337 = arith.constant 0 : i32
      %dma_wait3A_1338 = tpu.memref_slice %arg3[%dma_wait3A_1336, %dma_wait3A_1337] : memref<32x1000001xf32, #tpu.memory_space<hbm>> -> memref<32x128xf32, #tpu.memory_space<hbm>>
      tpu.wait_dma2 semaphore(%arg9 : memref<!tpu.dma_semaphore, #tpu.memory_space<semaphore_mem>>) src(%dma_wait3A_1338 : memref<32x128xf32, #tpu.memory_space<hbm>>) dst(%dma_wait3A_1335 : memref<32x128xf32, #tpu.memory_space<vmem>>)
      %dma_wait3A_1339 = arith.constant 11 : i32
      %dma_wait3A_1340 = arith.constant 0 : i32
      %dma_wait3A_1341 = arith.constant 0 : i32
      %dma_wait3A_1342 = tpu.memref_slice %arg6[%dma_wait3A_1339, %dma_wait3A_1340, %dma_wait3A_1341] : memref<16x32x128xf32, #tpu.memory_space<vmem>> -> memref<1x32x128xf32, #tpu.memory_space<vmem>>
      %dma_wait3A_1343 = tpu.memref_squeeze %dma_wait3A_1342 : memref<1x32x128xf32, #tpu.memory_space<vmem>> -> memref<32x128xf32, #tpu.memory_space<vmem>>
      %dma_wait3A_1344 = arith.constant 0 : i32
      %dma_wait3A_1345 = arith.constant 0 : i32
      %dma_wait3A_1346 = tpu.memref_slice %arg3[%dma_wait3A_1344, %dma_wait3A_1345] : memref<32x1000001xf32, #tpu.memory_space<hbm>> -> memref<32x128xf32, #tpu.memory_space<hbm>>
      %dma_wait3A_1347 = arith.constant 0 : i32
      %dma_wait3A_1348 = arith.constant 0 : i32
      %dma_wait3A_1349 = tpu.memref_slice %arg6[%dma_wait3A_1339, %dma_wait3A_1347, %dma_wait3A_1348] : memref<16x32x128xf32, #tpu.memory_space<vmem>> -> memref<1x32x128xf32, #tpu.memory_space<vmem>>
      %dma_wait3A_1350 = tpu.memref_squeeze %dma_wait3A_1349 : memref<1x32x128xf32, #tpu.memory_space<vmem>> -> memref<32x128xf32, #tpu.memory_space<vmem>>
      %dma_wait3A_1351 = arith.constant 0 : i32
      %dma_wait3A_1352 = arith.constant 0 : i32
      %dma_wait3A_1353 = tpu.memref_slice %arg3[%dma_wait3A_1351, %dma_wait3A_1352] : memref<32x1000001xf32, #tpu.memory_space<hbm>> -> memref<32x128xf32, #tpu.memory_space<hbm>>
      tpu.wait_dma2 semaphore(%arg9 : memref<!tpu.dma_semaphore, #tpu.memory_space<semaphore_mem>>) src(%dma_wait3A_1353 : memref<32x128xf32, #tpu.memory_space<hbm>>) dst(%dma_wait3A_1350 : memref<32x128xf32, #tpu.memory_space<vmem>>)
      %dma_wait3A_1354 = arith.constant 12 : i32
      %dma_wait3A_1355 = arith.constant 0 : i32
      %dma_wait3A_1356 = arith.constant 0 : i32
      %dma_wait3A_1357 = tpu.memref_slice %arg6[%dma_wait3A_1354, %dma_wait3A_1355, %dma_wait3A_1356] : memref<16x32x128xf32, #tpu.memory_space<vmem>> -> memref<1x32x128xf32, #tpu.memory_space<vmem>>
      %dma_wait3A_1358 = tpu.memref_squeeze %dma_wait3A_1357 : memref<1x32x128xf32, #tpu.memory_space<vmem>> -> memref<32x128xf32, #tpu.memory_space<vmem>>
      %dma_wait3A_1359 = arith.constant 0 : i32
      %dma_wait3A_1360 = arith.constant 0 : i32
      %dma_wait3A_1361 = tpu.memref_slice %arg3[%dma_wait3A_1359, %dma_wait3A_1360] : memref<32x1000001xf32, #tpu.memory_space<hbm>> -> memref<32x128xf32, #tpu.memory_space<hbm>>
      %dma_wait3A_1362 = arith.constant 0 : i32
      %dma_wait3A_1363 = arith.constant 0 : i32
      %dma_wait3A_1364 = tpu.memref_slice %arg6[%dma_wait3A_1354, %dma_wait3A_1362, %dma_wait3A_1363] : memref<16x32x128xf32, #tpu.memory_space<vmem>> -> memref<1x32x128xf32, #tpu.memory_space<vmem>>
      %dma_wait3A_1365 = tpu.memref_squeeze %dma_wait3A_1364 : memref<1x32x128xf32, #tpu.memory_space<vmem>> -> memref<32x128xf32, #tpu.memory_space<vmem>>
      %dma_wait3A_1366 = arith.constant 0 : i32
      %dma_wait3A_1367 = arith.constant 0 : i32
      %dma_wait3A_1368 = tpu.memref_slice %arg3[%dma_wait3A_1366, %dma_wait3A_1367] : memref<32x1000001xf32, #tpu.memory_space<hbm>> -> memref<32x128xf32, #tpu.memory_space<hbm>>
      tpu.wait_dma2 semaphore(%arg9 : memref<!tpu.dma_semaphore, #tpu.memory_space<semaphore_mem>>) src(%dma_wait3A_1368 : memref<32x128xf32, #tpu.memory_space<hbm>>) dst(%dma_wait3A_1365 : memref<32x128xf32, #tpu.memory_space<vmem>>)
      %dma_wait3A_1369 = arith.constant 13 : i32
      %dma_wait3A_1370 = arith.constant 0 : i32
      %dma_wait3A_1371 = arith.constant 0 : i32
      %dma_wait3A_1372 = tpu.memref_slice %arg6[%dma_wait3A_1369, %dma_wait3A_1370, %dma_wait3A_1371] : memref<16x32x128xf32, #tpu.memory_space<vmem>> -> memref<1x32x128xf32, #tpu.memory_space<vmem>>
      %dma_wait3A_1373 = tpu.memref_squeeze %dma_wait3A_1372 : memref<1x32x128xf32, #tpu.memory_space<vmem>> -> memref<32x128xf32, #tpu.memory_space<vmem>>
      %dma_wait3A_1374 = arith.constant 0 : i32
      %dma_wait3A_1375 = arith.constant 0 : i32
      %dma_wait3A_1376 = tpu.memref_slice %arg3[%dma_wait3A_1374, %dma_wait3A_1375] : memref<32x1000001xf32, #tpu.memory_space<hbm>> -> memref<32x128xf32, #tpu.memory_space<hbm>>
      %dma_wait3A_1377 = arith.constant 0 : i32
      %dma_wait3A_1378 = arith.constant 0 : i32
      %dma_wait3A_1379 = tpu.memref_slice %arg6[%dma_wait3A_1369, %dma_wait3A_1377, %dma_wait3A_1378] : memref<16x32x128xf32, #tpu.memory_space<vmem>> -> memref<1x32x128xf32, #tpu.memory_space<vmem>>
      %dma_wait3A_1380 = tpu.memref_squeeze %dma_wait3A_1379 : memref<1x32x128xf32, #tpu.memory_space<vmem>> -> memref<32x128xf32, #tpu.memory_space<vmem>>
      %dma_wait3A_1381 = arith.constant 0 : i32
      %dma_wait3A_1382 = arith.constant 0 : i32
      %dma_wait3A_1383 = tpu.memref_slice %arg3[%dma_wait3A_1381, %dma_wait3A_1382] : memref<32x1000001xf32, #tpu.memory_space<hbm>> -> memref<32x128xf32, #tpu.memory_space<hbm>>
      tpu.wait_dma2 semaphore(%arg9 : memref<!tpu.dma_semaphore, #tpu.memory_space<semaphore_mem>>) src(%dma_wait3A_1383 : memref<32x128xf32, #tpu.memory_space<hbm>>) dst(%dma_wait3A_1380 : memref<32x128xf32, #tpu.memory_space<vmem>>)
      %dma_wait3A_1384 = arith.constant 14 : i32
      %dma_wait3A_1385 = arith.constant 0 : i32
      %dma_wait3A_1386 = arith.constant 0 : i32
      %dma_wait3A_1387 = tpu.memref_slice %arg6[%dma_wait3A_1384, %dma_wait3A_1385, %dma_wait3A_1386] : memref<16x32x128xf32, #tpu.memory_space<vmem>> -> memref<1x32x128xf32, #tpu.memory_space<vmem>>
      %dma_wait3A_1388 = tpu.memref_squeeze %dma_wait3A_1387 : memref<1x32x128xf32, #tpu.memory_space<vmem>> -> memref<32x128xf32, #tpu.memory_space<vmem>>
      %dma_wait3A_1389 = arith.constant 0 : i32
      %dma_wait3A_1390 = arith.constant 0 : i32
      %dma_wait3A_1391 = tpu.memref_slice %arg3[%dma_wait3A_1389, %dma_wait3A_1390] : memref<32x1000001xf32, #tpu.memory_space<hbm>> -> memref<32x128xf32, #tpu.memory_space<hbm>>
      %dma_wait3A_1392 = arith.constant 0 : i32
      %dma_wait3A_1393 = arith.constant 0 : i32
      %dma_wait3A_1394 = tpu.memref_slice %arg6[%dma_wait3A_1384, %dma_wait3A_1392, %dma_wait3A_1393] : memref<16x32x128xf32, #tpu.memory_space<vmem>> -> memref<1x32x128xf32, #tpu.memory_space<vmem>>
      %dma_wait3A_1395 = tpu.memref_squeeze %dma_wait3A_1394 : memref<1x32x128xf32, #tpu.memory_space<vmem>> -> memref<32x128xf32, #tpu.memory_space<vmem>>
      %dma_wait3A_1396 = arith.constant 0 : i32
      %dma_wait3A_1397 = arith.constant 0 : i32
      %dma_wait3A_1398 = tpu.memref_slice %arg3[%dma_wait3A_1396, %dma_wait3A_1397] : memref<32x1000001xf32, #tpu.memory_space<hbm>> -> memref<32x128xf32, #tpu.memory_space<hbm>>
      tpu.wait_dma2 semaphore(%arg9 : memref<!tpu.dma_semaphore, #tpu.memory_space<semaphore_mem>>) src(%dma_wait3A_1398 : memref<32x128xf32, #tpu.memory_space<hbm>>) dst(%dma_wait3A_1395 : memref<32x128xf32, #tpu.memory_space<vmem>>)
      %dma_wait3A_1399 = arith.constant 15 : i32
      %dma_wait3A_1400 = arith.constant 0 : i32
      %dma_wait3A_1401 = arith.constant 0 : i32
      %dma_wait3A_1402 = tpu.memref_slice %arg6[%dma_wait3A_1399, %dma_wait3A_1400, %dma_wait3A_1401] : memref<16x32x128xf32, #tpu.memory_space<vmem>> -> memref<1x32x128xf32, #tpu.memory_space<vmem>>
      %dma_wait3A_1403 = tpu.memref_squeeze %dma_wait3A_1402 : memref<1x32x128xf32, #tpu.memory_space<vmem>> -> memref<32x128xf32, #tpu.memory_space<vmem>>
      %dma_wait3A_1404 = arith.constant 0 : i32
      %dma_wait3A_1405 = arith.constant 0 : i32
      %dma_wait3A_1406 = tpu.memref_slice %arg3[%dma_wait3A_1404, %dma_wait3A_1405] : memref<32x1000001xf32, #tpu.memory_space<hbm>> -> memref<32x128xf32, #tpu.memory_space<hbm>>
      %dma_wait3A_1407 = arith.constant 0 : i32
      %dma_wait3A_1408 = arith.constant 0 : i32
      %dma_wait3A_1409 = tpu.memref_slice %arg6[%dma_wait3A_1399, %dma_wait3A_1407, %dma_wait3A_1408] : memref<16x32x128xf32, #tpu.memory_space<vmem>> -> memref<1x32x128xf32, #tpu.memory_space<vmem>>
      %dma_wait3A_1410 = tpu.memref_squeeze %dma_wait3A_1409 : memref<1x32x128xf32, #tpu.memory_space<vmem>> -> memref<32x128xf32, #tpu.memory_space<vmem>>
      %dma_wait3A_1411 = arith.constant 0 : i32
      %dma_wait3A_1412 = arith.constant 0 : i32
      %dma_wait3A_1413 = tpu.memref_slice %arg3[%dma_wait3A_1411, %dma_wait3A_1412] : memref<32x1000001xf32, #tpu.memory_space<hbm>> -> memref<32x128xf32, #tpu.memory_space<hbm>>
      tpu.wait_dma2 semaphore(%arg9 : memref<!tpu.dma_semaphore, #tpu.memory_space<semaphore_mem>>) src(%dma_wait3A_1413 : memref<32x128xf32, #tpu.memory_space<hbm>>) dst(%dma_wait3A_1410 : memref<32x128xf32, #tpu.memory_space<vmem>>)
      %iota3A_1414 = tpu.iota {dimensions = array<i32: 0>} : vector<16xi32>
      %add3A_1415 = arith.constant 16 : i32
      %add3A_1416 = vector.broadcast %add3A_1415 : i32 to vector<16xi32>
      %add3A_1417 = arith.addi %iota3A_1414, %add3A_1416 : vector<16xi32>
      %mul3A_1418 = arith.constant 16 : i32
      %mul3A_1419 = arith.muli %scan3A_354, %mul3A_1418 : i32
      %add3A_1420 = arith.constant 8 : i32
      %add3A_1421 = arith.addi %mul3A_1419, %add3A_1420 : i32
      %add3A_1422 = arith.constant 0 : i32
      %add3A_1423 = arith.addi %add3A_1421, %add3A_1422 : i32
      %and3A_1424 = arith.constant 127 : i32
      %and3A_1425 = arith.andi %reduce_sum3A_454, %and3A_1424 : i32
      %broadcast_in_dim3A_1426 = vector.broadcast %and3A_1425 : i32 to vector<16xi32>
      %and3A_1427 = arith.constant 127 : i32
      %and3A_1428 = arith.andi %add3A_1423, %and3A_1427 : i32
      %broadcast_in_dim3A_1429 = vector.broadcast %and3A_1428 : i32 to vector<16xi32>
      %gather3A_1430 = arith.constant 8 : i32
      %gather3A_1431 = arith.constant 0 : i32
      %gather3A_1432 = arith.constant 0 : i32
      %gather3A_1433 = tpu.memref_slice %arg6[%gather3A_1430, %gather3A_1431, %gather3A_1432] : memref<16x32x128xf32, #tpu.memory_space<vmem>> -> memref<1x32x128xf32, #tpu.memory_space<vmem>>
      %gather3A_1434 = tpu.memref_squeeze %gather3A_1433 : memref<1x32x128xf32, #tpu.memory_space<vmem>> -> memref<32x128xf32, #tpu.memory_space<vmem>>
      %gather3A_1435 = tpu.vector_load_idx %gather3A_1434[%iota3A_1414, %broadcast_in_dim3A_1426] : memref<32x128xf32, #tpu.memory_space<vmem>>[vector<16xi32>, vector<16xi32>], vector<16xf32>,
      %gather3A_1436 = arith.constant 8 : i32
      %gather3A_1437 = arith.constant 0 : i32
      %gather3A_1438 = arith.constant 0 : i32
      %gather3A_1439 = tpu.memref_slice %arg6[%gather3A_1436, %gather3A_1437, %gather3A_1438] : memref<16x32x128xf32, #tpu.memory_space<vmem>> -> memref<1x32x128xf32, #tpu.memory_space<vmem>>
      %gather3A_1440 = tpu.memref_squeeze %gather3A_1439 : memref<1x32x128xf32, #tpu.memory_space<vmem>> -> memref<32x128xf32, #tpu.memory_space<vmem>>
      %gather3A_1441 = tpu.vector_load_idx %gather3A_1440[%add3A_1417, %broadcast_in_dim3A_1426] : memref<32x128xf32, #tpu.memory_space<vmem>>[vector<16xi32>, vector<16xi32>], vector<16xf32>,
      %shift_right_arithmetic3A_1442 = arith.constant 7 : i32
      %shift_right_arithmetic3A_1443 = arith.shrsi %add3A_1423, %shift_right_arithmetic3A_1442 : i32
      %scatter3A_1444 = arith.constant 0 : i32
      %scatter3A_1445 = arith.constant 0 : i32
      %scatter3A_1446 = tpu.memref_slice %arg7[%shift_right_arithmetic3A_1443, %scatter3A_1444, %scatter3A_1445] : memref<4x32x128xf32, #tpu.memory_space<vmem>> -> memref<1x32x128xf32, #tpu.memory_space<vmem>>
      %scatter3A_1447 = tpu.memref_squeeze %scatter3A_1446 : memref<1x32x128xf32, #tpu.memory_space<vmem>> -> memref<32x128xf32, #tpu.memory_space<vmem>>
      tpu.vector_store_idx %scatter3A_1447[%iota3A_1414, %broadcast_in_dim3A_1429], %gather3A_1435 : memref<32x128xf32, #tpu.memory_space<vmem>>[vector<16xi32>, vector<16xi32>], vector<16xf32>,
      %scatter3A_1448 = arith.constant 0 : i32
      %scatter3A_1449 = arith.constant 0 : i32
      %scatter3A_1450 = tpu.memref_slice %arg7[%shift_right_arithmetic3A_1443, %scatter3A_1448, %scatter3A_1449] : memref<4x32x128xf32, #tpu.memory_space<vmem>> -> memref<1x32x128xf32, #tpu.memory_space<vmem>>
      %scatter3A_1451 = tpu.memref_squeeze %scatter3A_1450 : memref<1x32x128xf32, #tpu.memory_space<vmem>> -> memref<32x128xf32, #tpu.memory_space<vmem>>
      tpu.vector_store_idx %scatter3A_1451[%add3A_1417, %broadcast_in_dim3A_1429], %gather3A_1441 : memref<32x128xf32, #tpu.memory_space<vmem>>[vector<16xi32>, vector<16xi32>], vector<16xf32>,
      %mul3A_1452 = arith.constant 16 : i32
      %mul3A_1453 = arith.muli %scan3A_354, %mul3A_1452 : i32
      %add3A_1454 = arith.constant 8 : i32
      %add3A_1455 = arith.addi %mul3A_1453, %add3A_1454 : i32
      %add3A_1456 = arith.constant 1 : i32
      %add3A_1457 = arith.addi %add3A_1455, %add3A_1456 : i32
      %and3A_1458 = arith.constant 127 : i32
      %and3A_1459 = arith.andi %reduce_sum3A_464, %and3A_1458 : i32
      %broadcast_in_dim3A_1460 = vector.broadcast %and3A_1459 : i32 to vector<16xi32>
      %and3A_1461 = arith.constant 127 : i32
      %and3A_1462 = arith.andi %add3A_1457, %and3A_1461 : i32
      %broadcast_in_dim3A_1463 = vector.broadcast %and3A_1462 : i32 to vector<16xi32>
      %gather3A_1464 = arith.constant 9 : i32
      %gather3A_1465 = arith.constant 0 : i32
      %gather3A_1466 = arith.constant 0 : i32
      %gather3A_1467 = tpu.memref_slice %arg6[%gather3A_1464, %gather3A_1465, %gather3A_1466] : memref<16x32x128xf32, #tpu.memory_space<vmem>> -> memref<1x32x128xf32, #tpu.memory_space<vmem>>
      %gather3A_1468 = tpu.memref_squeeze %gather3A_1467 : memref<1x32x128xf32, #tpu.memory_space<vmem>> -> memref<32x128xf32, #tpu.memory_space<vmem>>
      %gather3A_1469 = tpu.vector_load_idx %gather3A_1468[%iota3A_1414, %broadcast_in_dim3A_1460] : memref<32x128xf32, #tpu.memory_space<vmem>>[vector<16xi32>, vector<16xi32>], vector<16xf32>,
      %gather3A_1470 = arith.constant 9 : i32
      %gather3A_1471 = arith.constant 0 : i32
      %gather3A_1472 = arith.constant 0 : i32
      %gather3A_1473 = tpu.memref_slice %arg6[%gather3A_1470, %gather3A_1471, %gather3A_1472] : memref<16x32x128xf32, #tpu.memory_space<vmem>> -> memref<1x32x128xf32, #tpu.memory_space<vmem>>
      %gather3A_1474 = tpu.memref_squeeze %gather3A_1473 : memref<1x32x128xf32, #tpu.memory_space<vmem>> -> memref<32x128xf32, #tpu.memory_space<vmem>>
      %gather3A_1475 = tpu.vector_load_idx %gather3A_1474[%add3A_1417, %broadcast_in_dim3A_1460] : memref<32x128xf32, #tpu.memory_space<vmem>>[vector<16xi32>, vector<16xi32>], vector<16xf32>,
      %shift_right_arithmetic3A_1476 = arith.constant 7 : i32
      %shift_right_arithmetic3A_1477 = arith.shrsi %add3A_1457, %shift_right_arithmetic3A_1476 : i32
      %scatter3A_1478 = arith.constant 0 : i32
      %scatter3A_1479 = arith.constant 0 : i32
      %scatter3A_1480 = tpu.memref_slice %arg7[%shift_right_arithmetic3A_1477, %scatter3A_1478, %scatter3A_1479] : memref<4x32x128xf32, #tpu.memory_space<vmem>> -> memref<1x32x128xf32, #tpu.memory_space<vmem>>
      %scatter3A_1481 = tpu.memref_squeeze %scatter3A_1480 : memref<1x32x128xf32, #tpu.memory_space<vmem>> -> memref<32x128xf32, #tpu.memory_space<vmem>>
      tpu.vector_store_idx %scatter3A_1481[%iota3A_1414, %broadcast_in_dim3A_1463], %gather3A_1469 : memref<32x128xf32, #tpu.memory_space<vmem>>[vector<16xi32>, vector<16xi32>], vector<16xf32>,
      %scatter3A_1482 = arith.constant 0 : i32
      %scatter3A_1483 = arith.constant 0 : i32
      %scatter3A_1484 = tpu.memref_slice %arg7[%shift_right_arithmetic3A_1477, %scatter3A_1482, %scatter3A_1483] : memref<4x32x128xf32, #tpu.memory_space<vmem>> -> memref<1x32x128xf32, #tpu.memory_space<vmem>>
      %scatter3A_1485 = tpu.memref_squeeze %scatter3A_1484 : memref<1x32x128xf32, #tpu.memory_space<vmem>> -> memref<32x128xf32, #tpu.memory_space<vmem>>
      tpu.vector_store_idx %scatter3A_1485[%add3A_1417, %broadcast_in_dim3A_1463], %gather3A_1475 : memref<32x128xf32, #tpu.memory_space<vmem>>[vector<16xi32>, vector<16xi32>], vector<16xf32>,
      %mul3A_1486 = arith.constant 16 : i32
      %mul3A_1487 = arith.muli %scan3A_354, %mul3A_1486 : i32
      %add3A_1488 = arith.constant 8 : i32
      %add3A_1489 = arith.addi %mul3A_1487, %add3A_1488 : i32
      %add3A_1490 = arith.constant 2 : i32
      %add3A_1491 = arith.addi %add3A_1489, %add3A_1490 : i32
      %and3A_1492 = arith.constant 127 : i32
      %and3A_1493 = arith.andi %reduce_sum3A_474, %and3A_1492 : i32
      %broadcast_in_dim3A_1494 = vector.broadcast %and3A_1493 : i32 to vector<16xi32>
      %and3A_1495 = arith.constant 127 : i32
      %and3A_1496 = arith.andi %add3A_1491, %and3A_1495 : i32
      %broadcast_in_dim3A_1497 = vector.broadcast %and3A_1496 : i32 to vector<16xi32>
      %gather3A_1498 = arith.constant 10 : i32
      %gather3A_1499 = arith.constant 0 : i32
      %gather3A_1500 = arith.constant 0 : i32
      %gather3A_1501 = tpu.memref_slice %arg6[%gather3A_1498, %gather3A_1499, %gather3A_1500] : memref<16x32x128xf32, #tpu.memory_space<vmem>> -> memref<1x32x128xf32, #tpu.memory_space<vmem>>
      %gather3A_1502 = tpu.memref_squeeze %gather3A_1501 : memref<1x32x128xf32, #tpu.memory_space<vmem>> -> memref<32x128xf32, #tpu.memory_space<vmem>>
      %gather3A_1503 = tpu.vector_load_idx %gather3A_1502[%iota3A_1414, %broadcast_in_dim3A_1494] : memref<32x128xf32, #tpu.memory_space<vmem>>[vector<16xi32>, vector<16xi32>], vector<16xf32>,
      %gather3A_1504 = arith.constant 10 : i32
      %gather3A_1505 = arith.constant 0 : i32
      %gather3A_1506 = arith.constant 0 : i32
      %gather3A_1507 = tpu.memref_slice %arg6[%gather3A_1504, %gather3A_1505, %gather3A_1506] : memref<16x32x128xf32, #tpu.memory_space<vmem>> -> memref<1x32x128xf32, #tpu.memory_space<vmem>>
      %gather3A_1508 = tpu.memref_squeeze %gather3A_1507 : memref<1x32x128xf32, #tpu.memory_space<vmem>> -> memref<32x128xf32, #tpu.memory_space<vmem>>
      %gather3A_1509 = tpu.vector_load_idx %gather3A_1508[%add3A_1417, %broadcast_in_dim3A_1494] : memref<32x128xf32, #tpu.memory_space<vmem>>[vector<16xi32>, vector<16xi32>], vector<16xf32>,
      %shift_right_arithmetic3A_1510 = arith.constant 7 : i32
      %shift_right_arithmetic3A_1511 = arith.shrsi %add3A_1491, %shift_right_arithmetic3A_1510 : i32
      %scatter3A_1512 = arith.constant 0 : i32
      %scatter3A_1513 = arith.constant 0 : i32
      %scatter3A_1514 = tpu.memref_slice %arg7[%shift_right_arithmetic3A_1511, %scatter3A_1512, %scatter3A_1513] : memref<4x32x128xf32, #tpu.memory_space<vmem>> -> memref<1x32x128xf32, #tpu.memory_space<vmem>>
      %scatter3A_1515 = tpu.memref_squeeze %scatter3A_1514 : memref<1x32x128xf32, #tpu.memory_space<vmem>> -> memref<32x128xf32, #tpu.memory_space<vmem>>
      tpu.vector_store_idx %scatter3A_1515[%iota3A_1414, %broadcast_in_dim3A_1497], %gather3A_1503 : memref<32x128xf32, #tpu.memory_space<vmem>>[vector<16xi32>, vector<16xi32>], vector<16xf32>,
      %scatter3A_1516 = arith.constant 0 : i32
      %scatter3A_1517 = arith.constant 0 : i32
      %scatter3A_1518 = tpu.memref_slice %arg7[%shift_right_arithmetic3A_1511, %scatter3A_1516, %scatter3A_1517] : memref<4x32x128xf32, #tpu.memory_space<vmem>> -> memref<1x32x128xf32, #tpu.memory_space<vmem>>
      %scatter3A_1519 = tpu.memref_squeeze %scatter3A_1518 : memref<1x32x128xf32, #tpu.memory_space<vmem>> -> memref<32x128xf32, #tpu.memory_space<vmem>>
      tpu.vector_store_idx %scatter3A_1519[%add3A_1417, %broadcast_in_dim3A_1497], %gather3A_1509 : memref<32x128xf32, #tpu.memory_space<vmem>>[vector<16xi32>, vector<16xi32>], vector<16xf32>,
      %mul3A_1520 = arith.constant 16 : i32
      %mul3A_1521 = arith.muli %scan3A_354, %mul3A_1520 : i32
      %add3A_1522 = arith.constant 8 : i32
      %add3A_1523 = arith.addi %mul3A_1521, %add3A_1522 : i32
      %add3A_1524 = arith.constant 3 : i32
      %add3A_1525 = arith.addi %add3A_1523, %add3A_1524 : i32
      %and3A_1526 = arith.constant 127 : i32
      %and3A_1527 = arith.andi %reduce_sum3A_484, %and3A_1526 : i32
      %broadcast_in_dim3A_1528 = vector.broadcast %and3A_1527 : i32 to vector<16xi32>
      %and3A_1529 = arith.constant 127 : i32
      %and3A_1530 = arith.andi %add3A_1525, %and3A_1529 : i32
      %broadcast_in_dim3A_1531 = vector.broadcast %and3A_1530 : i32 to vector<16xi32>
      %gather3A_1532 = arith.constant 11 : i32
      %gather3A_1533 = arith.constant 0 : i32
      %gather3A_1534 = arith.constant 0 : i32
      %gather3A_1535 = tpu.memref_slice %arg6[%gather3A_1532, %gather3A_1533, %gather3A_1534] : memref<16x32x128xf32, #tpu.memory_space<vmem>> -> memref<1x32x128xf32, #tpu.memory_space<vmem>>
      %gather3A_1536 = tpu.memref_squeeze %gather3A_1535 : memref<1x32x128xf32, #tpu.memory_space<vmem>> -> memref<32x128xf32, #tpu.memory_space<vmem>>
      %gather3A_1537 = tpu.vector_load_idx %gather3A_1536[%iota3A_1414, %broadcast_in_dim3A_1528] : memref<32x128xf32, #tpu.memory_space<vmem>>[vector<16xi32>, vector<16xi32>], vector<16xf32>,
      %gather3A_1538 = arith.constant 11 : i32
      %gather3A_1539 = arith.constant 0 : i32
      %gather3A_1540 = arith.constant 0 : i32
      %gather3A_1541 = tpu.memref_slice %arg6[%gather3A_1538, %gather3A_1539, %gather3A_1540] : memref<16x32x128xf32, #tpu.memory_space<vmem>> -> memref<1x32x128xf32, #tpu.memory_space<vmem>>
      %gather3A_1542 = tpu.memref_squeeze %gather3A_1541 : memref<1x32x128xf32, #tpu.memory_space<vmem>> -> memref<32x128xf32, #tpu.memory_space<vmem>>
      %gather3A_1543 = tpu.vector_load_idx %gather3A_1542[%add3A_1417, %broadcast_in_dim3A_1528] : memref<32x128xf32, #tpu.memory_space<vmem>>[vector<16xi32>, vector<16xi32>], vector<16xf32>,
      %shift_right_arithmetic3A_1544 = arith.constant 7 : i32
      %shift_right_arithmetic3A_1545 = arith.shrsi %add3A_1525, %shift_right_arithmetic3A_1544 : i32
      %scatter3A_1546 = arith.constant 0 : i32
      %scatter3A_1547 = arith.constant 0 : i32
      %scatter3A_1548 = tpu.memref_slice %arg7[%shift_right_arithmetic3A_1545, %scatter3A_1546, %scatter3A_1547] : memref<4x32x128xf32, #tpu.memory_space<vmem>> -> memref<1x32x128xf32, #tpu.memory_space<vmem>>
      %scatter3A_1549 = tpu.memref_squeeze %scatter3A_1548 : memref<1x32x128xf32, #tpu.memory_space<vmem>> -> memref<32x128xf32, #tpu.memory_space<vmem>>
      tpu.vector_store_idx %scatter3A_1549[%iota3A_1414, %broadcast_in_dim3A_1531], %gather3A_1537 : memref<32x128xf32, #tpu.memory_space<vmem>>[vector<16xi32>, vector<16xi32>], vector<16xf32>,
      %scatter3A_1550 = arith.constant 0 : i32
      %scatter3A_1551 = arith.constant 0 : i32
      %scatter3A_1552 = tpu.memref_slice %arg7[%shift_right_arithmetic3A_1545, %scatter3A_1550, %scatter3A_1551] : memref<4x32x128xf32, #tpu.memory_space<vmem>> -> memref<1x32x128xf32, #tpu.memory_space<vmem>>
      %scatter3A_1553 = tpu.memref_squeeze %scatter3A_1552 : memref<1x32x128xf32, #tpu.memory_space<vmem>> -> memref<32x128xf32, #tpu.memory_space<vmem>>
      tpu.vector_store_idx %scatter3A_1553[%add3A_1417, %broadcast_in_dim3A_1531], %gather3A_1543 : memref<32x128xf32, #tpu.memory_space<vmem>>[vector<16xi32>, vector<16xi32>], vector<16xf32>,
      %mul3A_1554 = arith.constant 16 : i32
      %mul3A_1555 = arith.muli %scan3A_354, %mul3A_1554 : i32
      %add3A_1556 = arith.constant 8 : i32
      %add3A_1557 = arith.addi %mul3A_1555, %add3A_1556 : i32
      %add3A_1558 = arith.constant 4 : i32
      %add3A_1559 = arith.addi %add3A_1557, %add3A_1558 : i32
      %and3A_1560 = arith.constant 127 : i32
      %and3A_1561 = arith.andi %reduce_sum3A_494, %and3A_1560 : i32
      %broadcast_in_dim3A_1562 = vector.broadcast %and3A_1561 : i32 to vector<16xi32>
      %and3A_1563 = arith.constant 127 : i32
      %and3A_1564 = arith.andi %add3A_1559, %and3A_1563 : i32
      %broadcast_in_dim3A_1565 = vector.broadcast %and3A_1564 : i32 to vector<16xi32>
      %gather3A_1566 = arith.constant 12 : i32
      %gather3A_1567 = arith.constant 0 : i32
      %gather3A_1568 = arith.constant 0 : i32
      %gather3A_1569 = tpu.memref_slice %arg6[%gather3A_1566, %gather3A_1567, %gather3A_1568] : memref<16x32x128xf32, #tpu.memory_space<vmem>> -> memref<1x32x128xf32, #tpu.memory_space<vmem>>
      %gather3A_1570 = tpu.memref_squeeze %gather3A_1569 : memref<1x32x128xf32, #tpu.memory_space<vmem>> -> memref<32x128xf32, #tpu.memory_space<vmem>>
      %gather3A_1571 = tpu.vector_load_idx %gather3A_1570[%iota3A_1414, %broadcast_in_dim3A_1562] : memref<32x128xf32, #tpu.memory_space<vmem>>[vector<16xi32>, vector<16xi32>], vector<16xf32>,
      %gather3A_1572 = arith.constant 12 : i32
      %gather3A_1573 = arith.constant 0 : i32
      %gather3A_1574 = arith.constant 0 : i32
      %gather3A_1575 = tpu.memref_slice %arg6[%gather3A_1572, %gather3A_1573, %gather3A_1574] : memref<16x32x128xf32, #tpu.memory_space<vmem>> -> memref<1x32x128xf32, #tpu.memory_space<vmem>>
      %gather3A_1576 = tpu.memref_squeeze %gather3A_1575 : memref<1x32x128xf32, #tpu.memory_space<vmem>> -> memref<32x128xf32, #tpu.memory_space<vmem>>
      %gather3A_1577 = tpu.vector_load_idx %gather3A_1576[%add3A_1417, %broadcast_in_dim3A_1562] : memref<32x128xf32, #tpu.memory_space<vmem>>[vector<16xi32>, vector<16xi32>], vector<16xf32>,
      %shift_right_arithmetic3A_1578 = arith.constant 7 : i32
      %shift_right_arithmetic3A_1579 = arith.shrsi %add3A_1559, %shift_right_arithmetic3A_1578 : i32
      %scatter3A_1580 = arith.constant 0 : i32
      %scatter3A_1581 = arith.constant 0 : i32
      %scatter3A_1582 = tpu.memref_slice %arg7[%shift_right_arithmetic3A_1579, %scatter3A_1580, %scatter3A_1581] : memref<4x32x128xf32, #tpu.memory_space<vmem>> -> memref<1x32x128xf32, #tpu.memory_space<vmem>>
      %scatter3A_1583 = tpu.memref_squeeze %scatter3A_1582 : memref<1x32x128xf32, #tpu.memory_space<vmem>> -> memref<32x128xf32, #tpu.memory_space<vmem>>
      tpu.vector_store_idx %scatter3A_1583[%iota3A_1414, %broadcast_in_dim3A_1565], %gather3A_1571 : memref<32x128xf32, #tpu.memory_space<vmem>>[vector<16xi32>, vector<16xi32>], vector<16xf32>,
      %scatter3A_1584 = arith.constant 0 : i32
      %scatter3A_1585 = arith.constant 0 : i32
      %scatter3A_1586 = tpu.memref_slice %arg7[%shift_right_arithmetic3A_1579, %scatter3A_1584, %scatter3A_1585] : memref<4x32x128xf32, #tpu.memory_space<vmem>> -> memref<1x32x128xf32, #tpu.memory_space<vmem>>
      %scatter3A_1587 = tpu.memref_squeeze %scatter3A_1586 : memref<1x32x128xf32, #tpu.memory_space<vmem>> -> memref<32x128xf32, #tpu.memory_space<vmem>>
      tpu.vector_store_idx %scatter3A_1587[%add3A_1417, %broadcast_in_dim3A_1565], %gather3A_1577 : memref<32x128xf32, #tpu.memory_space<vmem>>[vector<16xi32>, vector<16xi32>], vector<16xf32>,
      %mul3A_1588 = arith.constant 16 : i32
      %mul3A_1589 = arith.muli %scan3A_354, %mul3A_1588 : i32
      %add3A_1590 = arith.constant 8 : i32
      %add3A_1591 = arith.addi %mul3A_1589, %add3A_1590 : i32
      %add3A_1592 = arith.constant 5 : i32
      %add3A_1593 = arith.addi %add3A_1591, %add3A_1592 : i32
      %and3A_1594 = arith.constant 127 : i32
      %and3A_1595 = arith.andi %reduce_sum3A_504, %and3A_1594 : i32
      %broadcast_in_dim3A_1596 = vector.broadcast %and3A_1595 : i32 to vector<16xi32>
      %and3A_1597 = arith.constant 127 : i32
      %and3A_1598 = arith.andi %add3A_1593, %and3A_1597 : i32
      %broadcast_in_dim3A_1599 = vector.broadcast %and3A_1598 : i32 to vector<16xi32>
      %gather3A_1600 = arith.constant 13 : i32
      %gather3A_1601 = arith.constant 0 : i32
      %gather3A_1602 = arith.constant 0 : i32
      %gather3A_1603 = tpu.memref_slice %arg6[%gather3A_1600, %gather3A_1601, %gather3A_1602] : memref<16x32x128xf32, #tpu.memory_space<vmem>> -> memref<1x32x128xf32, #tpu.memory_space<vmem>>
      %gather3A_1604 = tpu.memref_squeeze %gather3A_1603 : memref<1x32x128xf32, #tpu.memory_space<vmem>> -> memref<32x128xf32, #tpu.memory_space<vmem>>
      %gather3A_1605 = tpu.vector_load_idx %gather3A_1604[%iota3A_1414, %broadcast_in_dim3A_1596] : memref<32x128xf32, #tpu.memory_space<vmem>>[vector<16xi32>, vector<16xi32>], vector<16xf32>,
      %gather3A_1606 = arith.constant 13 : i32
      %gather3A_1607 = arith.constant 0 : i32
      %gather3A_1608 = arith.constant 0 : i32
      %gather3A_1609 = tpu.memref_slice %arg6[%gather3A_1606, %gather3A_1607, %gather3A_1608] : memref<16x32x128xf32, #tpu.memory_space<vmem>> -> memref<1x32x128xf32, #tpu.memory_space<vmem>>
      %gather3A_1610 = tpu.memref_squeeze %gather3A_1609 : memref<1x32x128xf32, #tpu.memory_space<vmem>> -> memref<32x128xf32, #tpu.memory_space<vmem>>
      %gather3A_1611 = tpu.vector_load_idx %gather3A_1610[%add3A_1417, %broadcast_in_dim3A_1596] : memref<32x128xf32, #tpu.memory_space<vmem>>[vector<16xi32>, vector<16xi32>], vector<16xf32>,
      %shift_right_arithmetic3A_1612 = arith.constant 7 : i32
      %shift_right_arithmetic3A_1613 = arith.shrsi %add3A_1593, %shift_right_arithmetic3A_1612 : i32
      %scatter3A_1614 = arith.constant 0 : i32
      %scatter3A_1615 = arith.constant 0 : i32
      %scatter3A_1616 = tpu.memref_slice %arg7[%shift_right_arithmetic3A_1613, %scatter3A_1614, %scatter3A_1615] : memref<4x32x128xf32, #tpu.memory_space<vmem>> -> memref<1x32x128xf32, #tpu.memory_space<vmem>>
      %scatter3A_1617 = tpu.memref_squeeze %scatter3A_1616 : memref<1x32x128xf32, #tpu.memory_space<vmem>> -> memref<32x128xf32, #tpu.memory_space<vmem>>
      tpu.vector_store_idx %scatter3A_1617[%iota3A_1414, %broadcast_in_dim3A_1599], %gather3A_1605 : memref<32x128xf32, #tpu.memory_space<vmem>>[vector<16xi32>, vector<16xi32>], vector<16xf32>,
      %scatter3A_1618 = arith.constant 0 : i32
      %scatter3A_1619 = arith.constant 0 : i32
      %scatter3A_1620 = tpu.memref_slice %arg7[%shift_right_arithmetic3A_1613, %scatter3A_1618, %scatter3A_1619] : memref<4x32x128xf32, #tpu.memory_space<vmem>> -> memref<1x32x128xf32, #tpu.memory_space<vmem>>
      %scatter3A_1621 = tpu.memref_squeeze %scatter3A_1620 : memref<1x32x128xf32, #tpu.memory_space<vmem>> -> memref<32x128xf32, #tpu.memory_space<vmem>>
      tpu.vector_store_idx %scatter3A_1621[%add3A_1417, %broadcast_in_dim3A_1599], %gather3A_1611 : memref<32x128xf32, #tpu.memory_space<vmem>>[vector<16xi32>, vector<16xi32>], vector<16xf32>,
      %mul3A_1622 = arith.constant 16 : i32
      %mul3A_1623 = arith.muli %scan3A_354, %mul3A_1622 : i32
      %add3A_1624 = arith.constant 8 : i32
      %add3A_1625 = arith.addi %mul3A_1623, %add3A_1624 : i32
      %add3A_1626 = arith.constant 6 : i32
      %add3A_1627 = arith.addi %add3A_1625, %add3A_1626 : i32
      %and3A_1628 = arith.constant 127 : i32
      %and3A_1629 = arith.andi %reduce_sum3A_514, %and3A_1628 : i32
      %broadcast_in_dim3A_1630 = vector.broadcast %and3A_1629 : i32 to vector<16xi32>
      %and3A_1631 = arith.constant 127 : i32
      %and3A_1632 = arith.andi %add3A_1627, %and3A_1631 : i32
      %broadcast_in_dim3A_1633 = vector.broadcast %and3A_1632 : i32 to vector<16xi32>
      %gather3A_1634 = arith.constant 14 : i32
      %gather3A_1635 = arith.constant 0 : i32
      %gather3A_1636 = arith.constant 0 : i32
      %gather3A_1637 = tpu.memref_slice %arg6[%gather3A_1634, %gather3A_1635, %gather3A_1636] : memref<16x32x128xf32, #tpu.memory_space<vmem>> -> memref<1x32x128xf32, #tpu.memory_space<vmem>>
      %gather3A_1638 = tpu.memref_squeeze %gather3A_1637 : memref<1x32x128xf32, #tpu.memory_space<vmem>> -> memref<32x128xf32, #tpu.memory_space<vmem>>
      %gather3A_1639 = tpu.vector_load_idx %gather3A_1638[%iota3A_1414, %broadcast_in_dim3A_1630] : memref<32x128xf32, #tpu.memory_space<vmem>>[vector<16xi32>, vector<16xi32>], vector<16xf32>,
      %gather3A_1640 = arith.constant 14 : i32
      %gather3A_1641 = arith.constant 0 : i32
      %gather3A_1642 = arith.constant 0 : i32
      %gather3A_1643 = tpu.memref_slice %arg6[%gather3A_1640, %gather3A_1641, %gather3A_1642] : memref<16x32x128xf32, #tpu.memory_space<vmem>> -> memref<1x32x128xf32, #tpu.memory_space<vmem>>
      %gather3A_1644 = tpu.memref_squeeze %gather3A_1643 : memref<1x32x128xf32, #tpu.memory_space<vmem>> -> memref<32x128xf32, #tpu.memory_space<vmem>>
      %gather3A_1645 = tpu.vector_load_idx %gather3A_1644[%add3A_1417, %broadcast_in_dim3A_1630] : memref<32x128xf32, #tpu.memory_space<vmem>>[vector<16xi32>, vector<16xi32>], vector<16xf32>,
      %shift_right_arithmetic3A_1646 = arith.constant 7 : i32
      %shift_right_arithmetic3A_1647 = arith.shrsi %add3A_1627, %shift_right_arithmetic3A_1646 : i32
      %scatter3A_1648 = arith.constant 0 : i32
      %scatter3A_1649 = arith.constant 0 : i32
      %scatter3A_1650 = tpu.memref_slice %arg7[%shift_right_arithmetic3A_1647, %scatter3A_1648, %scatter3A_1649] : memref<4x32x128xf32, #tpu.memory_space<vmem>> -> memref<1x32x128xf32, #tpu.memory_space<vmem>>
      %scatter3A_1651 = tpu.memref_squeeze %scatter3A_1650 : memref<1x32x128xf32, #tpu.memory_space<vmem>> -> memref<32x128xf32, #tpu.memory_space<vmem>>
      tpu.vector_store_idx %scatter3A_1651[%iota3A_1414, %broadcast_in_dim3A_1633], %gather3A_1639 : memref<32x128xf32, #tpu.memory_space<vmem>>[vector<16xi32>, vector<16xi32>], vector<16xf32>,
      %scatter3A_1652 = arith.constant 0 : i32
      %scatter3A_1653 = arith.constant 0 : i32
      %scatter3A_1654 = tpu.memref_slice %arg7[%shift_right_arithmetic3A_1647, %scatter3A_1652, %scatter3A_1653] : memref<4x32x128xf32, #tpu.memory_space<vmem>> -> memref<1x32x128xf32, #tpu.memory_space<vmem>>
      %scatter3A_1655 = tpu.memref_squeeze %scatter3A_1654 : memref<1x32x128xf32, #tpu.memory_space<vmem>> -> memref<32x128xf32, #tpu.memory_space<vmem>>
      tpu.vector_store_idx %scatter3A_1655[%add3A_1417, %broadcast_in_dim3A_1633], %gather3A_1645 : memref<32x128xf32, #tpu.memory_space<vmem>>[vector<16xi32>, vector<16xi32>], vector<16xf32>,
      %mul3A_1656 = arith.constant 16 : i32
      %mul3A_1657 = arith.muli %scan3A_354, %mul3A_1656 : i32
      %add3A_1658 = arith.constant 8 : i32
      %add3A_1659 = arith.addi %mul3A_1657, %add3A_1658 : i32
      %add3A_1660 = arith.constant 7 : i32
      %add3A_1661 = arith.addi %add3A_1659, %add3A_1660 : i32
      %and3A_1662 = arith.constant 127 : i32
      %and3A_1663 = arith.andi %reduce_sum3A_524, %and3A_1662 : i32
      %broadcast_in_dim3A_1664 = vector.broadcast %and3A_1663 : i32 to vector<16xi32>
      %and3A_1665 = arith.constant 127 : i32
      %and3A_1666 = arith.andi %add3A_1661, %and3A_1665 : i32
      %broadcast_in_dim3A_1667 = vector.broadcast %and3A_1666 : i32 to vector<16xi32>
      %gather3A_1668 = arith.constant 15 : i32
      %gather3A_1669 = arith.constant 0 : i32
      %gather3A_1670 = arith.constant 0 : i32
      %gather3A_1671 = tpu.memref_slice %arg6[%gather3A_1668, %gather3A_1669, %gather3A_1670] : memref<16x32x128xf32, #tpu.memory_space<vmem>> -> memref<1x32x128xf32, #tpu.memory_space<vmem>>
      %gather3A_1672 = tpu.memref_squeeze %gather3A_1671 : memref<1x32x128xf32, #tpu.memory_space<vmem>> -> memref<32x128xf32, #tpu.memory_space<vmem>>
      %gather3A_1673 = tpu.vector_load_idx %gather3A_1672[%iota3A_1414, %broadcast_in_dim3A_1664] : memref<32x128xf32, #tpu.memory_space<vmem>>[vector<16xi32>, vector<16xi32>], vector<16xf32>,
      %gather3A_1674 = arith.constant 15 : i32
      %gather3A_1675 = arith.constant 0 : i32
      %gather3A_1676 = arith.constant 0 : i32
      %gather3A_1677 = tpu.memref_slice %arg6[%gather3A_1674, %gather3A_1675, %gather3A_1676] : memref<16x32x128xf32, #tpu.memory_space<vmem>> -> memref<1x32x128xf32, #tpu.memory_space<vmem>>
      %gather3A_1678 = tpu.memref_squeeze %gather3A_1677 : memref<1x32x128xf32, #tpu.memory_space<vmem>> -> memref<32x128xf32, #tpu.memory_space<vmem>>
      %gather3A_1679 = tpu.vector_load_idx %gather3A_1678[%add3A_1417, %broadcast_in_dim3A_1664] : memref<32x128xf32, #tpu.memory_space<vmem>>[vector<16xi32>, vector<16xi32>], vector<16xf32>,
      %shift_right_arithmetic3A_1680 = arith.constant 7 : i32
      %shift_right_arithmetic3A_1681 = arith.shrsi %add3A_1661, %shift_right_arithmetic3A_1680 : i32
      %scatter3A_1682 = arith.constant 0 : i32
      %scatter3A_1683 = arith.constant 0 : i32
      %scatter3A_1684 = tpu.memref_slice %arg7[%shift_right_arithmetic3A_1681, %scatter3A_1682, %scatter3A_1683] : memref<4x32x128xf32, #tpu.memory_space<vmem>> -> memref<1x32x128xf32, #tpu.memory_space<vmem>>
      %scatter3A_1685 = tpu.memref_squeeze %scatter3A_1684 : memref<1x32x128xf32, #tpu.memory_space<vmem>> -> memref<32x128xf32, #tpu.memory_space<vmem>>
      tpu.vector_store_idx %scatter3A_1685[%iota3A_1414, %broadcast_in_dim3A_1667], %gather3A_1673 : memref<32x128xf32, #tpu.memory_space<vmem>>[vector<16xi32>, vector<16xi32>], vector<16xf32>,
      %scatter3A_1686 = arith.constant 0 : i32
      %scatter3A_1687 = arith.constant 0 : i32
      %scatter3A_1688 = tpu.memref_slice %arg7[%shift_right_arithmetic3A_1681, %scatter3A_1686, %scatter3A_1687] : memref<4x32x128xf32, #tpu.memory_space<vmem>> -> memref<1x32x128xf32, #tpu.memory_space<vmem>>
      %scatter3A_1689 = tpu.memref_squeeze %scatter3A_1688 : memref<1x32x128xf32, #tpu.memory_space<vmem>> -> memref<32x128xf32, #tpu.memory_space<vmem>>
      tpu.vector_store_idx %scatter3A_1689[%add3A_1417, %broadcast_in_dim3A_1667], %gather3A_1679 : memref<32x128xf32, #tpu.memory_space<vmem>>[vector<16xi32>, vector<16xi32>], vector<16xf32>,
    }
    %scan3A_223 = arith.constant 32 : i32
    %dma_wait3A = arith.constant 0 : i32
    %dma_wait3A_224 = arith.constant 0 : i32
    %dma_wait3A_225 = arith.constant 0 : i32
    %dma_wait3A_226 = tpu.memref_slice %arg6[%dma_wait3A, %dma_wait3A_224, %dma_wait3A_225] : memref<16x32x128xf32, #tpu.memory_space<vmem>> -> memref<1x32x128xf32, #tpu.memory_space<vmem>>
    %dma_wait3A_227 = tpu.memref_squeeze %dma_wait3A_226 : memref<1x32x128xf32, #tpu.memory_space<vmem>> -> memref<32x128xf32, #tpu.memory_space<vmem>>
    %dma_wait3A_228 = arith.constant 0 : i32
    %dma_wait3A_229 = arith.constant 0 : i32
    %dma_wait3A_230 = tpu.memref_slice %arg3[%dma_wait3A_228, %dma_wait3A_229] : memref<32x1000001xf32, #tpu.memory_space<hbm>> -> memref<32x128xf32, #tpu.memory_space<hbm>>
    %dma_wait3A_231 = arith.constant 0 : i32
    %dma_wait3A_232 = arith.constant 0 : i32
    %dma_wait3A_233 = tpu.memref_slice %arg6[%dma_wait3A, %dma_wait3A_231, %dma_wait3A_232] : memref<16x32x128xf32, #tpu.memory_space<vmem>> -> memref<1x32x128xf32, #tpu.memory_space<vmem>>
    %dma_wait3A_234 = tpu.memref_squeeze %dma_wait3A_233 : memref<1x32x128xf32, #tpu.memory_space<vmem>> -> memref<32x128xf32, #tpu.memory_space<vmem>>
    %dma_wait3A_235 = arith.constant 0 : i32
    %dma_wait3A_236 = arith.constant 0 : i32
    %dma_wait3A_237 = tpu.memref_slice %arg3[%dma_wait3A_235, %dma_wait3A_236] : memref<32x1000001xf32, #tpu.memory_space<hbm>> -> memref<32x128xf32, #tpu.memory_space<hbm>>
    tpu.wait_dma2 semaphore(%arg8 : memref<!tpu.dma_semaphore, #tpu.memory_space<semaphore_mem>>) src(%dma_wait3A_237 : memref<32x128xf32, #tpu.memory_space<hbm>>) dst(%dma_wait3A_234 : memref<32x128xf32, #tpu.memory_space<vmem>>)
    %dma_wait3A_238 = arith.constant 1 : i32
    %dma_wait3A_239 = arith.constant 0 : i32
    %dma_wait3A_240 = arith.constant 0 : i32
    %dma_wait3A_241 = tpu.memref_slice %arg6[%dma_wait3A_238, %dma_wait3A_239, %dma_wait3A_240] : memref<16x32x128xf32, #tpu.memory_space<vmem>> -> memref<1x32x128xf32, #tpu.memory_space<vmem>>
    %dma_wait3A_242 = tpu.memref_squeeze %dma_wait3A_241 : memref<1x32x128xf32, #tpu.memory_space<vmem>> -> memref<32x128xf32, #tpu.memory_space<vmem>>
    %dma_wait3A_243 = arith.constant 0 : i32
    %dma_wait3A_244 = arith.constant 0 : i32
    %dma_wait3A_245 = tpu.memref_slice %arg3[%dma_wait3A_243, %dma_wait3A_244] : memref<32x1000001xf32, #tpu.memory_space<hbm>> -> memref<32x128xf32, #tpu.memory_space<hbm>>
    %dma_wait3A_246 = arith.constant 0 : i32
    %dma_wait3A_247 = arith.constant 0 : i32
    %dma_wait3A_248 = tpu.memref_slice %arg6[%dma_wait3A_238, %dma_wait3A_246, %dma_wait3A_247] : memref<16x32x128xf32, #tpu.memory_space<vmem>> -> memref<1x32x128xf32, #tpu.memory_space<vmem>>
    %dma_wait3A_249 = tpu.memref_squeeze %dma_wait3A_248 : memref<1x32x128xf32, #tpu.memory_space<vmem>> -> memref<32x128xf32, #tpu.memory_space<vmem>>
    %dma_wait3A_250 = arith.constant 0 : i32
    %dma_wait3A_251 = arith.constant 0 : i32
    %dma_wait3A_252 = tpu.memref_slice %arg3[%dma_wait3A_250, %dma_wait3A_251] : memref<32x1000001xf32, #tpu.memory_space<hbm>> -> memref<32x128xf32, #tpu.memory_space<hbm>>
    tpu.wait_dma2 semaphore(%arg8 : memref<!tpu.dma_semaphore, #tpu.memory_space<semaphore_mem>>) src(%dma_wait3A_252 : memref<32x128xf32, #tpu.memory_space<hbm>>) dst(%dma_wait3A_249 : memref<32x128xf32, #tpu.memory_space<vmem>>)
    %dma_wait3A_253 = arith.constant 2 : i32
    %dma_wait3A_254 = arith.constant 0 : i32
    %dma_wait3A_255 = arith.constant 0 : i32
    %dma_wait3A_256 = tpu.memref_slice %arg6[%dma_wait3A_253, %dma_wait3A_254, %dma_wait3A_255] : memref<16x32x128xf32, #tpu.memory_space<vmem>> -> memref<1x32x128xf32, #tpu.memory_space<vmem>>
    %dma_wait3A_257 = tpu.memref_squeeze %dma_wait3A_256 : memref<1x32x128xf32, #tpu.memory_space<vmem>> -> memref<32x128xf32, #tpu.memory_space<vmem>>
    %dma_wait3A_258 = arith.constant 0 : i32
    %dma_wait3A_259 = arith.constant 0 : i32
    %dma_wait3A_260 = tpu.memref_slice %arg3[%dma_wait3A_258, %dma_wait3A_259] : memref<32x1000001xf32, #tpu.memory_space<hbm>> -> memref<32x128xf32, #tpu.memory_space<hbm>>
    %dma_wait3A_261 = arith.constant 0 : i32
    %dma_wait3A_262 = arith.constant 0 : i32
    %dma_wait3A_263 = tpu.memref_slice %arg6[%dma_wait3A_253, %dma_wait3A_261, %dma_wait3A_262] : memref<16x32x128xf32, #tpu.memory_space<vmem>> -> memref<1x32x128xf32, #tpu.memory_space<vmem>>
    %dma_wait3A_264 = tpu.memref_squeeze %dma_wait3A_263 : memref<1x32x128xf32, #tpu.memory_space<vmem>> -> memref<32x128xf32, #tpu.memory_space<vmem>>
    %dma_wait3A_265 = arith.constant 0 : i32
    %dma_wait3A_266 = arith.constant 0 : i32
    %dma_wait3A_267 = tpu.memref_slice %arg3[%dma_wait3A_265, %dma_wait3A_266] : memref<32x1000001xf32, #tpu.memory_space<hbm>> -> memref<32x128xf32, #tpu.memory_space<hbm>>
    tpu.wait_dma2 semaphore(%arg8 : memref<!tpu.dma_semaphore, #tpu.memory_space<semaphore_mem>>) src(%dma_wait3A_267 : memref<32x128xf32, #tpu.memory_space<hbm>>) dst(%dma_wait3A_264 : memref<32x128xf32, #tpu.memory_space<vmem>>)
    %dma_wait3A_268 = arith.constant 3 : i32
    %dma_wait3A_269 = arith.constant 0 : i32
    %dma_wait3A_270 = arith.constant 0 : i32
    %dma_wait3A_271 = tpu.memref_slice %arg6[%dma_wait3A_268, %dma_wait3A_269, %dma_wait3A_270] : memref<16x32x128xf32, #tpu.memory_space<vmem>> -> memref<1x32x128xf32, #tpu.memory_space<vmem>>
    %dma_wait3A_272 = tpu.memref_squeeze %dma_wait3A_271 : memref<1x32x128xf32, #tpu.memory_space<vmem>> -> memref<32x128xf32, #tpu.memory_space<vmem>>
    %dma_wait3A_273 = arith.constant 0 : i32
    %dma_wait3A_274 = arith.constant 0 : i32
    %dma_wait3A_275 = tpu.memref_slice %arg3[%dma_wait3A_273, %dma_wait3A_274] : memref<32x1000001xf32, #tpu.memory_space<hbm>> -> memref<32x128xf32, #tpu.memory_space<hbm>>
    %dma_wait3A_276 = arith.constant 0 : i32
    %dma_wait3A_277 = arith.constant 0 : i32
    %dma_wait3A_278 = tpu.memref_slice %arg6[%dma_wait3A_268, %dma_wait3A_276, %dma_wait3A_277] : memref<16x32x128xf32, #tpu.memory_space<vmem>> -> memref<1x32x128xf32, #tpu.memory_space<vmem>>
    %dma_wait3A_279 = tpu.memref_squeeze %dma_wait3A_278 : memref<1x32x128xf32, #tpu.memory_space<vmem>> -> memref<32x128xf32, #tpu.memory_space<vmem>>
    %dma_wait3A_280 = arith.constant 0 : i32
    %dma_wait3A_281 = arith.constant 0 : i32
    %dma_wait3A_282 = tpu.memref_slice %arg3[%dma_wait3A_280, %dma_wait3A_281] : memref<32x1000001xf32, #tpu.memory_space<hbm>> -> memref<32x128xf32, #tpu.memory_space<hbm>>
    tpu.wait_dma2 semaphore(%arg8 : memref<!tpu.dma_semaphore, #tpu.memory_space<semaphore_mem>>) src(%dma_wait3A_282 : memref<32x128xf32, #tpu.memory_space<hbm>>) dst(%dma_wait3A_279 : memref<32x128xf32, #tpu.memory_space<vmem>>)
    %dma_wait3A_283 = arith.constant 4 : i32
    %dma_wait3A_284 = arith.constant 0 : i32
    %dma_wait3A_285 = arith.constant 0 : i32
    %dma_wait3A_286 = tpu.memref_slice %arg6[%dma_wait3A_283, %dma_wait3A_284, %dma_wait3A_285] : memref<16x32x128xf32, #tpu.memory_space<vmem>> -> memref<1x32x128xf32, #tpu.memory_space<vmem>>
    %dma_wait3A_287 = tpu.memref_squeeze %dma_wait3A_286 : memref<1x32x128xf32, #tpu.memory_space<vmem>> -> memref<32x128xf32, #tpu.memory_space<vmem>>
    %dma_wait3A_288 = arith.constant 0 : i32
    %dma_wait3A_289 = arith.constant 0 : i32
    %dma_wait3A_290 = tpu.memref_slice %arg3[%dma_wait3A_288, %dma_wait3A_289] : memref<32x1000001xf32, #tpu.memory_space<hbm>> -> memref<32x128xf32, #tpu.memory_space<hbm>>
    %dma_wait3A_291 = arith.constant 0 : i32
    %dma_wait3A_292 = arith.constant 0 : i32
    %dma_wait3A_293 = tpu.memref_slice %arg6[%dma_wait3A_283, %dma_wait3A_291, %dma_wait3A_292] : memref<16x32x128xf32, #tpu.memory_space<vmem>> -> memref<1x32x128xf32, #tpu.memory_space<vmem>>
    %dma_wait3A_294 = tpu.memref_squeeze %dma_wait3A_293 : memref<1x32x128xf32, #tpu.memory_space<vmem>> -> memref<32x128xf32, #tpu.memory_space<vmem>>
    %dma_wait3A_295 = arith.constant 0 : i32
    %dma_wait3A_296 = arith.constant 0 : i32
    %dma_wait3A_297 = tpu.memref_slice %arg3[%dma_wait3A_295, %dma_wait3A_296] : memref<32x1000001xf32, #tpu.memory_space<hbm>> -> memref<32x128xf32, #tpu.memory_space<hbm>>
    tpu.wait_dma2 semaphore(%arg8 : memref<!tpu.dma_semaphore, #tpu.memory_space<semaphore_mem>>) src(%dma_wait3A_297 : memref<32x128xf32, #tpu.memory_space<hbm>>) dst(%dma_wait3A_294 : memref<32x128xf32, #tpu.memory_space<vmem>>)
    %dma_wait3A_298 = arith.constant 5 : i32
    %dma_wait3A_299 = arith.constant 0 : i32
    %dma_wait3A_300 = arith.constant 0 : i32
    %dma_wait3A_301 = tpu.memref_slice %arg6[%dma_wait3A_298, %dma_wait3A_299, %dma_wait3A_300] : memref<16x32x128xf32, #tpu.memory_space<vmem>> -> memref<1x32x128xf32, #tpu.memory_space<vmem>>
    %dma_wait3A_302 = tpu.memref_squeeze %dma_wait3A_301 : memref<1x32x128xf32, #tpu.memory_space<vmem>> -> memref<32x128xf32, #tpu.memory_space<vmem>>
    %dma_wait3A_303 = arith.constant 0 : i32
    %dma_wait3A_304 = arith.constant 0 : i32
    %dma_wait3A_305 = tpu.memref_slice %arg3[%dma_wait3A_303, %dma_wait3A_304] : memref<32x1000001xf32, #tpu.memory_space<hbm>> -> memref<32x128xf32, #tpu.memory_space<hbm>>
    %dma_wait3A_306 = arith.constant 0 : i32
    %dma_wait3A_307 = arith.constant 0 : i32
    %dma_wait3A_308 = tpu.memref_slice %arg6[%dma_wait3A_298, %dma_wait3A_306, %dma_wait3A_307] : memref<16x32x128xf32, #tpu.memory_space<vmem>> -> memref<1x32x128xf32, #tpu.memory_space<vmem>>
    %dma_wait3A_309 = tpu.memref_squeeze %dma_wait3A_308 : memref<1x32x128xf32, #tpu.memory_space<vmem>> -> memref<32x128xf32, #tpu.memory_space<vmem>>
    %dma_wait3A_310 = arith.constant 0 : i32
    %dma_wait3A_311 = arith.constant 0 : i32
    %dma_wait3A_312 = tpu.memref_slice %arg3[%dma_wait3A_310, %dma_wait3A_311] : memref<32x1000001xf32, #tpu.memory_space<hbm>> -> memref<32x128xf32, #tpu.memory_space<hbm>>
    tpu.wait_dma2 semaphore(%arg8 : memref<!tpu.dma_semaphore, #tpu.memory_space<semaphore_mem>>) src(%dma_wait3A_312 : memref<32x128xf32, #tpu.memory_space<hbm>>) dst(%dma_wait3A_309 : memref<32x128xf32, #tpu.memory_space<vmem>>)
    %dma_wait3A_313 = arith.constant 6 : i32
    %dma_wait3A_314 = arith.constant 0 : i32
    %dma_wait3A_315 = arith.constant 0 : i32
    %dma_wait3A_316 = tpu.memref_slice %arg6[%dma_wait3A_313, %dma_wait3A_314, %dma_wait3A_315] : memref<16x32x128xf32, #tpu.memory_space<vmem>> -> memref<1x32x128xf32, #tpu.memory_space<vmem>>
    %dma_wait3A_317 = tpu.memref_squeeze %dma_wait3A_316 : memref<1x32x128xf32, #tpu.memory_space<vmem>> -> memref<32x128xf32, #tpu.memory_space<vmem>>
    %dma_wait3A_318 = arith.constant 0 : i32
    %dma_wait3A_319 = arith.constant 0 : i32
    %dma_wait3A_320 = tpu.memref_slice %arg3[%dma_wait3A_318, %dma_wait3A_319] : memref<32x1000001xf32, #tpu.memory_space<hbm>> -> memref<32x128xf32, #tpu.memory_space<hbm>>
    %dma_wait3A_321 = arith.constant 0 : i32
    %dma_wait3A_322 = arith.constant 0 : i32
    %dma_wait3A_323 = tpu.memref_slice %arg6[%dma_wait3A_313, %dma_wait3A_321, %dma_wait3A_322] : memref<16x32x128xf32, #tpu.memory_space<vmem>> -> memref<1x32x128xf32, #tpu.memory_space<vmem>>
    %dma_wait3A_324 = tpu.memref_squeeze %dma_wait3A_323 : memref<1x32x128xf32, #tpu.memory_space<vmem>> -> memref<32x128xf32, #tpu.memory_space<vmem>>
    %dma_wait3A_325 = arith.constant 0 : i32
    %dma_wait3A_326 = arith.constant 0 : i32
    %dma_wait3A_327 = tpu.memref_slice %arg3[%dma_wait3A_325, %dma_wait3A_326] : memref<32x1000001xf32, #tpu.memory_space<hbm>> -> memref<32x128xf32, #tpu.memory_space<hbm>>
    tpu.wait_dma2 semaphore(%arg8 : memref<!tpu.dma_semaphore, #tpu.memory_space<semaphore_mem>>) src(%dma_wait3A_327 : memref<32x128xf32, #tpu.memory_space<hbm>>) dst(%dma_wait3A_324 : memref<32x128xf32, #tpu.memory_space<vmem>>)
    %dma_wait3A_328 = arith.constant 7 : i32
    %dma_wait3A_329 = arith.constant 0 : i32
    %dma_wait3A_330 = arith.constant 0 : i32
    %dma_wait3A_331 = tpu.memref_slice %arg6[%dma_wait3A_328, %dma_wait3A_329, %dma_wait3A_330] : memref<16x32x128xf32, #tpu.memory_space<vmem>> -> memref<1x32x128xf32, #tpu.memory_space<vmem>>
    %dma_wait3A_332 = tpu.memref_squeeze %dma_wait3A_331 : memref<1x32x128xf32, #tpu.memory_space<vmem>> -> memref<32x128xf32, #tpu.memory_space<vmem>>
    %dma_wait3A_333 = arith.constant 0 : i32
    %dma_wait3A_334 = arith.constant 0 : i32
    %dma_wait3A_335 = tpu.memref_slice %arg3[%dma_wait3A_333, %dma_wait3A_334] : memref<32x1000001xf32, #tpu.memory_space<hbm>> -> memref<32x128xf32, #tpu.memory_space<hbm>>
    %dma_wait3A_336 = arith.constant 0 : i32
    %dma_wait3A_337 = arith.constant 0 : i32
    %dma_wait3A_338 = tpu.memref_slice %arg6[%dma_wait3A_328, %dma_wait3A_336, %dma_wait3A_337] : memref<16x32x128xf32, #tpu.memory_space<vmem>> -> memref<1x32x128xf32, #tpu.memory_space<vmem>>
    %dma_wait3A_339 = tpu.memref_squeeze %dma_wait3A_338 : memref<1x32x128xf32, #tpu.memory_space<vmem>> -> memref<32x128xf32, #tpu.memory_space<vmem>>
    %dma_wait3A_340 = arith.constant 0 : i32
    %dma_wait3A_341 = arith.constant 0 : i32
    %dma_wait3A_342 = tpu.memref_slice %arg3[%dma_wait3A_340, %dma_wait3A_341] : memref<32x1000001xf32, #tpu.memory_space<hbm>> -> memref<32x128xf32, #tpu.memory_space<hbm>>
    tpu.wait_dma2 semaphore(%arg8 : memref<!tpu.dma_semaphore, #tpu.memory_space<semaphore_mem>>) src(%dma_wait3A_342 : memref<32x128xf32, #tpu.memory_space<hbm>>) dst(%dma_wait3A_339 : memref<32x128xf32, #tpu.memory_space<vmem>>)
    %add3A_343 = arith.constant 0 : i32
    %add3A_344 = arith.addi %mul3A_2, %add3A_343 : i32
    %run_scoped3A = arith.constant 0 : i32
    "tpu.region"() ({
      %run_scoped3A_354 = tpu.sem_alloc : memref<!tpu.dma_semaphore, #tpu.memory_space<semaphore_mem>>
      %dma_start3A_355 = arith.constant 0 : i32
      %dma_start3A_356 = arith.constant 0 : i32
      %dma_start3A_357 = tpu.memref_slice %arg7[%run_scoped3A, %dma_start3A_355, %dma_start3A_356] : memref<4x32x128xf32, #tpu.memory_space<vmem>> -> memref<1x32x128xf32, #tpu.memory_space<vmem>>
      %dma_start3A_358 = tpu.memref_squeeze %dma_start3A_357 : memref<1x32x128xf32, #tpu.memory_space<vmem>> -> memref<32x128xf32, #tpu.memory_space<vmem>>
      %dma_start3A_359 = arith.constant 0 : i32
      %dma_start3A_360 = tpu.memref_slice %arg4[%dma_start3A_359, %add3A_344] : memref<32x16384xf32, #tpu.memory_space<hbm>> -> memref<32x128xf32, #tpu.memory_space<hbm>>
      %dma_start3A_361 = arith.constant 0 : i32
      %dma_start3A_362 = tpu.memref_slice %arg4[%dma_start3A_361, %add3A_344] : memref<32x16384xf32, #tpu.memory_space<hbm>> -> memref<32x128xf32, #tpu.memory_space<hbm>>
      %dma_start3A_363 = arith.constant 0 : i32
      %dma_start3A_364 = arith.constant 0 : i32
      %dma_start3A_365 = tpu.memref_slice %arg7[%run_scoped3A, %dma_start3A_363, %dma_start3A_364] : memref<4x32x128xf32, #tpu.memory_space<vmem>> -> memref<1x32x128xf32, #tpu.memory_space<vmem>>
      %dma_start3A_366 = tpu.memref_squeeze %dma_start3A_365 : memref<1x32x128xf32, #tpu.memory_space<vmem>> -> memref<32x128xf32, #tpu.memory_space<vmem>>
      tpu.enqueue_dma source(%dma_start3A_366 : memref<32x128xf32, #tpu.memory_space<vmem>>) target(%dma_start3A_362 : memref<32x128xf32, #tpu.memory_space<hbm>>) target_semaphore(%run_scoped3A_354 : memref<!tpu.dma_semaphore, #tpu.memory_space<semaphore_mem>>)
      %dma_wait3A_367 = arith.constant 0 : i32
      %dma_wait3A_368 = arith.constant 0 : i32
      %dma_wait3A_369 = tpu.memref_slice %arg7[%run_scoped3A, %dma_wait3A_367, %dma_wait3A_368] : memref<4x32x128xf32, #tpu.memory_space<vmem>> -> memref<1x32x128xf32, #tpu.memory_space<vmem>>
      %dma_wait3A_370 = tpu.memref_squeeze %dma_wait3A_369 : memref<1x32x128xf32, #tpu.memory_space<vmem>> -> memref<32x128xf32, #tpu.memory_space<vmem>>
      %dma_wait3A_371 = arith.constant 0 : i32
      %dma_wait3A_372 = tpu.memref_slice %arg4[%dma_wait3A_371, %add3A_344] : memref<32x16384xf32, #tpu.memory_space<hbm>> -> memref<32x128xf32, #tpu.memory_space<hbm>>
      %dma_wait3A_373 = arith.constant 0 : i32
      %dma_wait3A_374 = tpu.memref_slice %arg4[%dma_wait3A_373, %add3A_344] : memref<32x16384xf32, #tpu.memory_space<hbm>> -> memref<32x128xf32, #tpu.memory_space<hbm>>
      %dma_wait3A_375 = arith.constant 0 : i32
      %dma_wait3A_376 = arith.constant 0 : i32
      %dma_wait3A_377 = tpu.memref_slice %arg7[%run_scoped3A, %dma_wait3A_375, %dma_wait3A_376] : memref<4x32x128xf32, #tpu.memory_space<vmem>> -> memref<1x32x128xf32, #tpu.memory_space<vmem>>
      %dma_wait3A_378 = tpu.memref_squeeze %dma_wait3A_377 : memref<1x32x128xf32, #tpu.memory_space<vmem>> -> memref<32x128xf32, #tpu.memory_space<vmem>>
      tpu.wait_dma2 semaphore(%run_scoped3A_354 : memref<!tpu.dma_semaphore, #tpu.memory_space<semaphore_mem>>) src(%dma_wait3A_378 : memref<32x128xf32, #tpu.memory_space<vmem>>) dst(%dma_wait3A_374 : memref<32x128xf32, #tpu.memory_space<hbm>>)
      tpu.yield
    }) : () -> ()
    %add3A_345 = arith.constant 128 : i32
    %add3A_346 = arith.addi %mul3A_2, %add3A_345 : i32
    %run_scoped3A_347 = arith.constant 1 : i32
    "tpu.region"() ({
      %run_scoped3A_354 = tpu.sem_alloc : memref<!tpu.dma_semaphore, #tpu.memory_space<semaphore_mem>>
      %dma_start3A_355 = arith.constant 0 : i32
      %dma_start3A_356 = arith.constant 0 : i32
      %dma_start3A_357 = tpu.memref_slice %arg7[%run_scoped3A_347, %dma_start3A_355, %dma_start3A_356] : memref<4x32x128xf32, #tpu.memory_space<vmem>> -> memref<1x32x128xf32, #tpu.memory_space<vmem>>
      %dma_start3A_358 = tpu.memref_squeeze %dma_start3A_357 : memref<1x32x128xf32, #tpu.memory_space<vmem>> -> memref<32x128xf32, #tpu.memory_space<vmem>>
      %dma_start3A_359 = arith.constant 0 : i32
      %dma_start3A_360 = tpu.memref_slice %arg4[%dma_start3A_359, %add3A_346] : memref<32x16384xf32, #tpu.memory_space<hbm>> -> memref<32x128xf32, #tpu.memory_space<hbm>>
      %dma_start3A_361 = arith.constant 0 : i32
      %dma_start3A_362 = tpu.memref_slice %arg4[%dma_start3A_361, %add3A_346] : memref<32x16384xf32, #tpu.memory_space<hbm>> -> memref<32x128xf32, #tpu.memory_space<hbm>>
      %dma_start3A_363 = arith.constant 0 : i32
      %dma_start3A_364 = arith.constant 0 : i32
      %dma_start3A_365 = tpu.memref_slice %arg7[%run_scoped3A_347, %dma_start3A_363, %dma_start3A_364] : memref<4x32x128xf32, #tpu.memory_space<vmem>> -> memref<1x32x128xf32, #tpu.memory_space<vmem>>
      %dma_start3A_366 = tpu.memref_squeeze %dma_start3A_365 : memref<1x32x128xf32, #tpu.memory_space<vmem>> -> memref<32x128xf32, #tpu.memory_space<vmem>>
      tpu.enqueue_dma source(%dma_start3A_366 : memref<32x128xf32, #tpu.memory_space<vmem>>) target(%dma_start3A_362 : memref<32x128xf32, #tpu.memory_space<hbm>>) target_semaphore(%run_scoped3A_354 : memref<!tpu.dma_semaphore, #tpu.memory_space<semaphore_mem>>)
      %dma_wait3A_367 = arith.constant 0 : i32
      %dma_wait3A_368 = arith.constant 0 : i32
      %dma_wait3A_369 = tpu.memref_slice %arg7[%run_scoped3A_347, %dma_wait3A_367, %dma_wait3A_368] : memref<4x32x128xf32, #tpu.memory_space<vmem>> -> memref<1x32x128xf32, #tpu.memory_space<vmem>>
      %dma_wait3A_370 = tpu.memref_squeeze %dma_wait3A_369 : memref<1x32x128xf32, #tpu.memory_space<vmem>> -> memref<32x128xf32, #tpu.memory_space<vmem>>
      %dma_wait3A_371 = arith.constant 0 : i32
      %dma_wait3A_372 = tpu.memref_slice %arg4[%dma_wait3A_371, %add3A_346] : memref<32x16384xf32, #tpu.memory_space<hbm>> -> memref<32x128xf32, #tpu.memory_space<hbm>>
      %dma_wait3A_373 = arith.constant 0 : i32
      %dma_wait3A_374 = tpu.memref_slice %arg4[%dma_wait3A_373, %add3A_346] : memref<32x16384xf32, #tpu.memory_space<hbm>> -> memref<32x128xf32, #tpu.memory_space<hbm>>
      %dma_wait3A_375 = arith.constant 0 : i32
      %dma_wait3A_376 = arith.constant 0 : i32
      %dma_wait3A_377 = tpu.memref_slice %arg7[%run_scoped3A_347, %dma_wait3A_375, %dma_wait3A_376] : memref<4x32x128xf32, #tpu.memory_space<vmem>> -> memref<1x32x128xf32, #tpu.memory_space<vmem>>
      %dma_wait3A_378 = tpu.memref_squeeze %dma_wait3A_377 : memref<1x32x128xf32, #tpu.memory_space<vmem>> -> memref<32x128xf32, #tpu.memory_space<vmem>>
      tpu.wait_dma2 semaphore(%run_scoped3A_354 : memref<!tpu.dma_semaphore, #tpu.memory_space<semaphore_mem>>) src(%dma_wait3A_378 : memref<32x128xf32, #tpu.memory_space<vmem>>) dst(%dma_wait3A_374 : memref<32x128xf32, #tpu.memory_space<hbm>>)
      tpu.yield
    }) : () -> ()
    %add3A_348 = arith.constant 256 : i32
    %add3A_349 = arith.addi %mul3A_2, %add3A_348 : i32
    %run_scoped3A_350 = arith.constant 2 : i32
    "tpu.region"() ({
      %run_scoped3A_354 = tpu.sem_alloc : memref<!tpu.dma_semaphore, #tpu.memory_space<semaphore_mem>>
      %dma_start3A_355 = arith.constant 0 : i32
      %dma_start3A_356 = arith.constant 0 : i32
      %dma_start3A_357 = tpu.memref_slice %arg7[%run_scoped3A_350, %dma_start3A_355, %dma_start3A_356] : memref<4x32x128xf32, #tpu.memory_space<vmem>> -> memref<1x32x128xf32, #tpu.memory_space<vmem>>
      %dma_start3A_358 = tpu.memref_squeeze %dma_start3A_357 : memref<1x32x128xf32, #tpu.memory_space<vmem>> -> memref<32x128xf32, #tpu.memory_space<vmem>>
      %dma_start3A_359 = arith.constant 0 : i32
      %dma_start3A_360 = tpu.memref_slice %arg4[%dma_start3A_359, %add3A_349] : memref<32x16384xf32, #tpu.memory_space<hbm>> -> memref<32x128xf32, #tpu.memory_space<hbm>>
      %dma_start3A_361 = arith.constant 0 : i32
      %dma_start3A_362 = tpu.memref_slice %arg4[%dma_start3A_361, %add3A_349] : memref<32x16384xf32, #tpu.memory_space<hbm>> -> memref<32x128xf32, #tpu.memory_space<hbm>>
      %dma_start3A_363 = arith.constant 0 : i32
      %dma_start3A_364 = arith.constant 0 : i32
      %dma_start3A_365 = tpu.memref_slice %arg7[%run_scoped3A_350, %dma_start3A_363, %dma_start3A_364] : memref<4x32x128xf32, #tpu.memory_space<vmem>> -> memref<1x32x128xf32, #tpu.memory_space<vmem>>
      %dma_start3A_366 = tpu.memref_squeeze %dma_start3A_365 : memref<1x32x128xf32, #tpu.memory_space<vmem>> -> memref<32x128xf32, #tpu.memory_space<vmem>>
      tpu.enqueue_dma source(%dma_start3A_366 : memref<32x128xf32, #tpu.memory_space<vmem>>) target(%dma_start3A_362 : memref<32x128xf32, #tpu.memory_space<hbm>>) target_semaphore(%run_scoped3A_354 : memref<!tpu.dma_semaphore, #tpu.memory_space<semaphore_mem>>)
      %dma_wait3A_367 = arith.constant 0 : i32
      %dma_wait3A_368 = arith.constant 0 : i32
      %dma_wait3A_369 = tpu.memref_slice %arg7[%run_scoped3A_350, %dma_wait3A_367, %dma_wait3A_368] : memref<4x32x128xf32, #tpu.memory_space<vmem>> -> memref<1x32x128xf32, #tpu.memory_space<vmem>>
      %dma_wait3A_370 = tpu.memref_squeeze %dma_wait3A_369 : memref<1x32x128xf32, #tpu.memory_space<vmem>> -> memref<32x128xf32, #tpu.memory_space<vmem>>
      %dma_wait3A_371 = arith.constant 0 : i32
      %dma_wait3A_372 = tpu.memref_slice %arg4[%dma_wait3A_371, %add3A_349] : memref<32x16384xf32, #tpu.memory_space<hbm>> -> memref<32x128xf32, #tpu.memory_space<hbm>>
      %dma_wait3A_373 = arith.constant 0 : i32
      %dma_wait3A_374 = tpu.memref_slice %arg4[%dma_wait3A_373, %add3A_349] : memref<32x16384xf32, #tpu.memory_space<hbm>> -> memref<32x128xf32, #tpu.memory_space<hbm>>
      %dma_wait3A_375 = arith.constant 0 : i32
      %dma_wait3A_376 = arith.constant 0 : i32
      %dma_wait3A_377 = tpu.memref_slice %arg7[%run_scoped3A_350, %dma_wait3A_375, %dma_wait3A_376] : memref<4x32x128xf32, #tpu.memory_space<vmem>> -> memref<1x32x128xf32, #tpu.memory_space<vmem>>
      %dma_wait3A_378 = tpu.memref_squeeze %dma_wait3A_377 : memref<1x32x128xf32, #tpu.memory_space<vmem>> -> memref<32x128xf32, #tpu.memory_space<vmem>>
      tpu.wait_dma2 semaphore(%run_scoped3A_354 : memref<!tpu.dma_semaphore, #tpu.memory_space<semaphore_mem>>) src(%dma_wait3A_378 : memref<32x128xf32, #tpu.memory_space<vmem>>) dst(%dma_wait3A_374 : memref<32x128xf32, #tpu.memory_space<hbm>>)
      tpu.yield
    }) : () -> ()
    %add3A_351 = arith.constant 384 : i32
    %add3A_352 = arith.addi %mul3A_2, %add3A_351 : i32
    %run_scoped3A_353 = arith.constant 3 : i32
    "tpu.region"() ({
      %run_scoped3A_354 = tpu.sem_alloc : memref<!tpu.dma_semaphore, #tpu.memory_space<semaphore_mem>>
      %dma_start3A_355 = arith.constant 0 : i32
      %dma_start3A_356 = arith.constant 0 : i32
      %dma_start3A_357 = tpu.memref_slice %arg7[%run_scoped3A_353, %dma_start3A_355, %dma_start3A_356] : memref<4x32x128xf32, #tpu.memory_space<vmem>> -> memref<1x32x128xf32, #tpu.memory_space<vmem>>
      %dma_start3A_358 = tpu.memref_squeeze %dma_start3A_357 : memref<1x32x128xf32, #tpu.memory_space<vmem>> -> memref<32x128xf32, #tpu.memory_space<vmem>>
      %dma_start3A_359 = arith.constant 0 : i32
      %dma_start3A_360 = tpu.memref_slice %arg4[%dma_start3A_359, %add3A_352] : memref<32x16384xf32, #tpu.memory_space<hbm>> -> memref<32x128xf32, #tpu.memory_space<hbm>>
      %dma_start3A_361 = arith.constant 0 : i32
      %dma_start3A_362 = tpu.memref_slice %arg4[%dma_start3A_361, %add3A_352] : memref<32x16384xf32, #tpu.memory_space<hbm>> -> memref<32x128xf32, #tpu.memory_space<hbm>>
      %dma_start3A_363 = arith.constant 0 : i32
      %dma_start3A_364 = arith.constant 0 : i32
      %dma_start3A_365 = tpu.memref_slice %arg7[%run_scoped3A_353, %dma_start3A_363, %dma_start3A_364] : memref<4x32x128xf32, #tpu.memory_space<vmem>> -> memref<1x32x128xf32, #tpu.memory_space<vmem>>
      %dma_start3A_366 = tpu.memref_squeeze %dma_start3A_365 : memref<1x32x128xf32, #tpu.memory_space<vmem>> -> memref<32x128xf32, #tpu.memory_space<vmem>>
      tpu.enqueue_dma source(%dma_start3A_366 : memref<32x128xf32, #tpu.memory_space<vmem>>) target(%dma_start3A_362 : memref<32x128xf32, #tpu.memory_space<hbm>>) target_semaphore(%run_scoped3A_354 : memref<!tpu.dma_semaphore, #tpu.memory_space<semaphore_mem>>)
      %dma_wait3A_367 = arith.constant 0 : i32
      %dma_wait3A_368 = arith.constant 0 : i32
      %dma_wait3A_369 = tpu.memref_slice %arg7[%run_scoped3A_353, %dma_wait3A_367, %dma_wait3A_368] : memref<4x32x128xf32, #tpu.memory_space<vmem>> -> memref<1x32x128xf32, #tpu.memory_space<vmem>>
      %dma_wait3A_370 = tpu.memref_squeeze %dma_wait3A_369 : memref<1x32x128xf32, #tpu.memory_space<vmem>> -> memref<32x128xf32, #tpu.memory_space<vmem>>
      %dma_wait3A_371 = arith.constant 0 : i32
      %dma_wait3A_372 = tpu.memref_slice %arg4[%dma_wait3A_371, %add3A_352] : memref<32x16384xf32, #tpu.memory_space<hbm>> -> memref<32x128xf32, #tpu.memory_space<hbm>>
      %dma_wait3A_373 = arith.constant 0 : i32
      %dma_wait3A_374 = tpu.memref_slice %arg4[%dma_wait3A_373, %add3A_352] : memref<32x16384xf32, #tpu.memory_space<hbm>> -> memref<32x128xf32, #tpu.memory_space<hbm>>
      %dma_wait3A_375 = arith.constant 0 : i32
      %dma_wait3A_376 = arith.constant 0 : i32
      %dma_wait3A_377 = tpu.memref_slice %arg7[%run_scoped3A_353, %dma_wait3A_375, %dma_wait3A_376] : memref<4x32x128xf32, #tpu.memory_space<vmem>> -> memref<1x32x128xf32, #tpu.memory_space<vmem>>
      %dma_wait3A_378 = tpu.memref_squeeze %dma_wait3A_377 : memref<1x32x128xf32, #tpu.memory_space<vmem>> -> memref<32x128xf32, #tpu.memory_space<vmem>>
      tpu.wait_dma2 semaphore(%run_scoped3A_354 : memref<!tpu.dma_semaphore, #tpu.memory_space<semaphore_mem>>) src(%dma_wait3A_378 : memref<32x128xf32, #tpu.memory_space<vmem>>) dst(%dma_wait3A_374 : memref<32x128xf32, #tpu.memory_space<hbm>>)
      tpu.yield
    }) : () -> ()
    return
  }
}

module attributes {stable_mosaic.version = 14 : i64} {
  func.func @_mlp_body(%arg0: i32, %arg1: memref<2048x32xf32, #tpu.memory_space<vmem>>, %arg2: memref<32x2048xf32, #tpu.memory_space<vmem>>, %arg3: memref<32x256xf32, #tpu.memory_space<vmem>>, %arg4: memref<32x256xf32, #tpu.memory_space<vmem>>, %arg5: memref<256x1xf32, #tpu.memory_space<vmem>>, %arg6: memref<256x64xf32, #tpu.memory_space<vmem>>, %arg7: memref<64x1xf32, #tpu.memory_space<vmem>>, %arg8: memref<64x1xf32, #tpu.memory_space<vmem>>, %arg9: memref<1x1xf32, #tpu.memory_space<vmem>>, %arg10: memref<2048xf32, #tpu.memory_space<vmem>>) attributes {dimension_semantics = [#tpu.dimension_semantics<arbitrary>], iteration_bounds = array<i64: 8>, scalar_prefetch = 0 : i64, scratch_operands = 0 : i64, tpu.core_type = #tpu.core_type<tc>, window_params = [{transform_indices = @transform_0, window_bounds = array<i64: 2048, 32>}, {transform_indices = @transform_1, window_bounds = array<i64: 32, 2048>}, {pipeline_mode = #tpu.pipeline_mode<synchronous>, transform_indices = @transform_2, window_bounds = array<i64: 32, 256>}, {pipeline_mode = #tpu.pipeline_mode<synchronous>, transform_indices = @transform_3, window_bounds = array<i64: 32, 256>}, {pipeline_mode = #tpu.pipeline_mode<synchronous>, transform_indices = @transform_4, window_bounds = array<i64: 256, 1>}, {pipeline_mode = #tpu.pipeline_mode<synchronous>, transform_indices = @transform_5, window_bounds = array<i64: 256, 64>}, {pipeline_mode = #tpu.pipeline_mode<synchronous>, transform_indices = @transform_6, window_bounds = array<i64: 64, 1>}, {pipeline_mode = #tpu.pipeline_mode<synchronous>, transform_indices = @transform_7, window_bounds = array<i64: 64, 1>}, {pipeline_mode = #tpu.pipeline_mode<synchronous>, transform_indices = @transform_8, window_bounds = array<i64: 1, 1>}, {transform_indices = @transform_9, window_bounds = array<i64: 2048>}]} {
    %get3A = arith.constant 0 : index
    %get3A_0 = arith.constant 0 : index
    %get3A_1 = vector.load %arg3[%get3A, %get3A_0] : memref<32x256xf32, #tpu.memory_space<vmem>>, vector<32x256xf32>
    %get3A_2 = arith.constant 0 : index
    %get3A_3 = arith.constant 0 : index
    %get3A_4 = vector.load %arg1[%get3A_2, %get3A_3] : memref<2048x32xf32, #tpu.memory_space<vmem>>, vector<2048x32xf32>
    %dot_general3A = arith.constant dense<0.000000e+00> : vector<256x2048xf32>
    %dot_general3A_5 = tpu.matmul %get3A_1, %get3A_4, %dot_general3A {dimension_numbers = #tpu.dot_dimension_numbers<[0], [1], [1], [0], [0, 1, 1, 0], [], []>, transpose_lhs_hint = false} : vector<32x256xf32>, vector<2048x32xf32>, vector<256x2048xf32> -> vector<256x2048xf32>
    %get3A_6 = arith.constant 0 : index
    %get3A_7 = arith.constant 0 : index
    %get3A_8 = vector.load %arg4[%get3A_6, %get3A_7] : memref<32x256xf32, #tpu.memory_space<vmem>>, vector<32x256xf32>
    %get3A_9 = arith.constant 0 : index
    %get3A_10 = arith.constant 0 : index
    %get3A_11 = vector.load %arg2[%get3A_9, %get3A_10] : memref<32x2048xf32, #tpu.memory_space<vmem>>, vector<32x2048xf32>
    %dot_general3A_12 = arith.constant dense<0.000000e+00> : vector<256x2048xf32>
    %dot_general3A_13 = tpu.matmul %get3A_8, %get3A_11, %dot_general3A_12 {dimension_numbers = #tpu.dot_dimension_numbers<[0], [0], [1], [1], [0, 1, 1, 1], [], []>, transpose_lhs_hint = false} : vector<32x256xf32>, vector<32x2048xf32>, vector<256x2048xf32> -> vector<256x2048xf32>
    %add3A = arith.addf %dot_general3A_5, %dot_general3A_13 : vector<256x2048xf32>
    %get3A_14 = arith.constant 0 : index
    %get3A_15 = arith.constant 0 : index
    %get3A_16 = vector.load %arg5[%get3A_14, %get3A_15] : memref<256x1xf32, #tpu.memory_space<vmem>>, vector<256x1xf32>
    %add3A_17 = vector.broadcast %get3A_16 : vector<256x1xf32> to vector<256x2048xf32>
    %add3A_18 = arith.addf %add3A, %add3A_17 : vector<256x2048xf32>
    %max3A = arith.constant 0.000000e+00 : f32
    %max3A_19 = vector.broadcast %max3A : f32 to vector<256x2048xf32>
    %max3A_20 = arith.maximumf %add3A_18, %max3A_19 : vector<256x2048xf32>
    %get3A_21 = arith.constant 0 : index
    %get3A_22 = arith.constant 0 : index
    %get3A_23 = vector.load %arg6[%get3A_21, %get3A_22] : memref<256x64xf32, #tpu.memory_space<vmem>>, vector<256x64xf32>
    %dot_general3A_24 = arith.constant dense<0.000000e+00> : vector<64x2048xf32>
    %dot_general3A_25 = tpu.matmul %get3A_23, %max3A_20, %dot_general3A_24 {dimension_numbers = #tpu.dot_dimension_numbers<[0], [0], [1], [1], [0, 1, 1, 1], [], []>, transpose_lhs_hint = false} : vector<256x64xf32>, vector<256x2048xf32>, vector<64x2048xf32> -> vector<64x2048xf32>
    %get3A_26 = arith.constant 0 : index
    %get3A_27 = arith.constant 0 : index
    %get3A_28 = vector.load %arg7[%get3A_26, %get3A_27] : memref<64x1xf32, #tpu.memory_space<vmem>>, vector<64x1xf32>
    %add3A_29 = vector.broadcast %get3A_28 : vector<64x1xf32> to vector<64x2048xf32>
    %add3A_30 = arith.addf %dot_general3A_25, %add3A_29 : vector<64x2048xf32>
    %max3A_31 = arith.constant 0.000000e+00 : f32
    %max3A_32 = vector.broadcast %max3A_31 : f32 to vector<64x2048xf32>
    %max3A_33 = arith.maximumf %add3A_30, %max3A_32 : vector<64x2048xf32>
    %get3A_34 = arith.constant 0 : index
    %get3A_35 = arith.constant 0 : index
    %get3A_36 = vector.load %arg8[%get3A_34, %get3A_35] : memref<64x1xf32, #tpu.memory_space<vmem>>, vector<64x1xf32>
    %dot_general3A_37 = arith.constant dense<0.000000e+00> : vector<1x2048xf32>
    %dot_general3A_38 = tpu.matmul %get3A_36, %max3A_33, %dot_general3A_37 {dimension_numbers = #tpu.dot_dimension_numbers<[0], [0], [1], [1], [0, 1, 1, 1], [], []>, transpose_lhs_hint = false} : vector<64x1xf32>, vector<64x2048xf32>, vector<1x2048xf32> -> vector<1x2048xf32>
    %get3A_39 = arith.constant 0 : index
    %get3A_40 = arith.constant 0 : index
    %get3A_41 = vector.load %arg9[%get3A_39, %get3A_40] : memref<1x1xf32, #tpu.memory_space<vmem>>, vector<1x1xf32>
    %add3A_42 = vector.broadcast %get3A_41 : vector<1x1xf32> to vector<1x2048xf32>
    %add3A_43 = arith.addf %dot_general3A_38, %add3A_42 : vector<1x2048xf32>
    %reshape3A = vector.shape_cast %add3A_43 : vector<1x2048xf32> to vector<2048xf32>
    %swap3A = arith.constant 0 : index
    %swap3A_44 = vector.load %arg10[%swap3A] : memref<2048xf32, #tpu.memory_space<vmem>>, vector<2048xf32>
    tpu.vector_store %arg10[%swap3A], %reshape3A {strides = array<i32>} : memref<2048xf32, #tpu.memory_space<vmem>>, vector<2048xf32>,
    return
  }
  func.func @transform_0(%arg0: i32) -> (i32, i32) {
    %c0_i32 = arith.constant 0 : i32
    %c0_i32_0 = arith.constant 0 : i32
    return %arg0, %c0_i32 : i32, i32
  }
  func.func @transform_1(%arg0: i32) -> (i32, i32) {
    %c0_i32 = arith.constant 0 : i32
    %c0_i32_0 = arith.constant 0 : i32
    return %c0_i32, %arg0 : i32, i32
  }
  func.func @transform_2(%arg0: i32) -> (i32, i32) {
    %c0_i32 = arith.constant 0 : i32
    %c0_i32_0 = arith.constant 0 : i32
    %c0_i32_1 = arith.constant 0 : i32
    return %c0_i32, %c0_i32_0 : i32, i32
  }
  func.func @transform_3(%arg0: i32) -> (i32, i32) {
    %c0_i32 = arith.constant 0 : i32
    %c0_i32_0 = arith.constant 0 : i32
    %c0_i32_1 = arith.constant 0 : i32
    return %c0_i32, %c0_i32_0 : i32, i32
  }
  func.func @transform_4(%arg0: i32) -> (i32, i32) {
    %c0_i32 = arith.constant 0 : i32
    %c0_i32_0 = arith.constant 0 : i32
    %c0_i32_1 = arith.constant 0 : i32
    return %c0_i32, %c0_i32_0 : i32, i32
  }
  func.func @transform_5(%arg0: i32) -> (i32, i32) {
    %c0_i32 = arith.constant 0 : i32
    %c0_i32_0 = arith.constant 0 : i32
    %c0_i32_1 = arith.constant 0 : i32
    return %c0_i32, %c0_i32_0 : i32, i32
  }
  func.func @transform_6(%arg0: i32) -> (i32, i32) {
    %c0_i32 = arith.constant 0 : i32
    %c0_i32_0 = arith.constant 0 : i32
    %c0_i32_1 = arith.constant 0 : i32
    return %c0_i32, %c0_i32_0 : i32, i32
  }
  func.func @transform_7(%arg0: i32) -> (i32, i32) {
    %c0_i32 = arith.constant 0 : i32
    %c0_i32_0 = arith.constant 0 : i32
    %c0_i32_1 = arith.constant 0 : i32
    return %c0_i32, %c0_i32_0 : i32, i32
  }
  func.func @transform_8(%arg0: i32) -> (i32, i32) {
    %c0_i32 = arith.constant 0 : i32
    %c0_i32_0 = arith.constant 0 : i32
    %c0_i32_1 = arith.constant 0 : i32
    return %c0_i32, %c0_i32_0 : i32, i32
  }
  func.func @transform_9(%arg0: i32) -> i32 {
    %c0_i32 = arith.constant 0 : i32
    return %arg0 : i32
  }
}

</mosaic_0001>

<sc_bundles>
// kernel: kernel.5.cloned.1.call-start
scs
__scs_entry_jumppad:
0x0: {  	(pc) =	sbr.rel $0x88, $3  }
0x1: {  	(tag) =	ssettag $0x0;
	lr =	simm.s32 $0x1  }
0x2: {  	[smem:$0x3F97] =	sst lr;
	_ =	strace $0xD0000000  }
0x3: {  	_ = 	snop  }
0x4: {  	_ = 	snop  }
0x5: {  	_ = 	snop  }
0x6: {  	_ = 	snop  }
0x7: {  	_ = 	snop  }
__scs_overlays_trampoline_lowered:
0x8: {  	[smem:$0x3FA6] =	sst s0  }
0x9: {  	[smem:$0x3FA7] =	sst s1  }
0xa: {  	[smem:$0x3FA8] =	sst s2  }
0xb: {  	[smem:$0x3FA9] =	sst s3  }
0xc: {  	[smem:$0x3FAA] =	sst s4  }
0xd: {  	[smem:$0x3FAB] =	sst s5  }
0xe: {  	[smem:$0x3FAC] =	sst s6  }
0xf: {  	[smem:$0x3FAD] =	sst s7  }
0x10: {  	[smem:$0x3FAE] =	sst s8  }
0x11: {  	[smem:$0x3FAF] =	sst s9;
	s0 =	simm.s32 @!p0 $0x0  }
0x12: {  	s1 =	sld [smem:$0x3F95];
	s0 =	simm.s32 @p0 $0x1  }
0x13: {  	[smem:$0x3FB0] =	sst s0;
	s0 =	simm.s32 @!p1 $0x0  }
0x14: {  	s2 =	sld [smem:$0x3F94];
	s0 =	simm.s32 @p1 $0x1  }
0x15: {  	[smem:$0x3FB1] =	sst s0;
	s0 =	simm.s32 @!p2 $0x0  }
0x16: {  	s3 =	sld [smem:$0x3FDB];
	s0 =	simm.s32 @p2 $0x1  }
0x17: {  	s4 =	simm.s32 $0x1BF5;
	[smem:$0x3FB3] =	sst s0  }
0x18: {  	s0 =	sld [smem:$0x3F96];
	_ =	swait.ge [sflag:s4], $0x0  }
0x19: {  	s7 =	sld [smem:$0x3F97]  }
0x1a: {  	s8 =	sadd.s32 $0xFFFFE003, lr  }
0x1b: {  	s9 =	sadd.s32 $0xFFFFFEF7, lr;
	s5 =	simm.s32 $0xFFFFFFFF;
	p2 =	slt.u32 s8, $0xFFFFF086  }
0x1c: {  	p1 =	slt.u32 s9, $0xF7A;
	s5 =	simm.s32 @!p2 $0x0  }
0x1d: {  	s5 =	simm.s32 @p1 $0x1;
	p0 =	seq.s32 s7, s2  }
0x1e: {  	s7 =	smul.u32 @!p0 $0xF7A, s2;
	p2 =	seq.s32 @!p0 s5, $0x0  }
0x1f: {  	s9 =	smul.u32 $0xF7A, s1;
	s8 =	simm.s32 @!p0 $0x1BF5;
	p2 =	por !p2, p0  }
0x20: {  	[sflag:s8] =	ssyncset.s32 @!p0 $0xFFFFF086;
	s6 =	sadd.s32 @!p0 s3, s7;
	s7 =	simm.s32 @!p0 $0x108  }
0x21: {  	s3 =	sadd.s32 s3, s9;
	s6 =	sadd.s32 @!p0 $0x88, s6;
	s7 =	simm.s32 @p2 $0x1082  }
0x22: {  	[simem:s7], [sflag:s8] =	dma.local @!p0 [hbm:s6], $0xF7A  }
0x23: {  	s9 =	sor.u32 $0xD0000000, s2;
	s6 =	simm.s32 $0x108;
	_ =	swait.ge @!p0 [sflag:s8], $0x0  }
0x24: {  	s3 =	sadd.s32 $0x88, s3;
	s6 =	simm.s32 @!p1 $0x1082;
	[sflag:s4] =	ssyncset.s32 $0xFFFFF086  }
0x25: {  	[simem:s6], [sflag:s4] =	dma.local [hbm:s3], $0xF7A  }
0x26: {  	[smem:$0x3F97] =	sst s1;
	(tag) =	ssettag s2;
	_ =	strace s9  }
0x27: {  	s1 =	sld [smem:$0x3FA7]  }
0x28: {  	s2 =	sld [smem:$0x3FA8]  }
0x29: {  	s4 =	sld [smem:$0x3FAA]  }
0x2a: {  	p0 =	seq.s32 s5, $0x0;
	s5 =	sld [smem:$0x3FAB]  }
0x2b: {  	s6 =	sld [smem:$0x3FAC]  }
0x2c: {  	s7 =	sld [smem:$0x3FAD]  }
0x2d: {  	s3 =	simm.s32 $0x108;
	s8 =	sld [smem:$0x3FAE]  }
0x2e: {  	s3 =	simm.s32 @!p0 $0x1082;
	s9 =	sld [smem:$0x3FAF]  }
0x2f: {  	lr =	sadd.s32 s0, s3;
	s0 =	sld [smem:$0x3FA6]  }
0x30: {  	s3 =	sld [smem:$0x3FA9]  }
0x31: {  	[smem:$0x3FB2] =	sst s10  }
0x32: {  	s10 =	sld [smem:$0x3FB0];
	_ =	sdelay $0x3  }
0x33: {  	p0 =	seq.s32 s10, $0x1;
	s10 =	sld [smem:$0x3FB2];
	_ =	sdelay $0x3  }
0x34: {  	[smem:$0x3FB2] =	sst s10  }
0x35: {  	s10 =	sld [smem:$0x3FB1];
	_ =	sdelay $0x3  }
0x36: {  	p1 =	seq.s32 s10, $0x1;
	s10 =	sld [smem:$0x3FB2];
	_ =	sdelay $0x3  }
0x37: {  	[smem:$0x3FB2] =	sst s10  }
0x38: {  	s10 =	sld [smem:$0x3FB3]  }
0x39: {  	_ = 	snop;
	(pc) =	sbr.ind lr, $3  }
0x3a: {  	_ = 	snop  }
0x3b: {  	_ = 	snop  }
0x3c: {  	p2 =	seq.s32 s10, $0x1;
	s10 =	sld [smem:$0x3FB2]  }
0x3d: {  	_ =	shalt  }
0x3e: {  	_ =	shalt  }
0x3f: {  	_ =	shalt  }
0x40: {  	_ =	shalt  }
0x41: {  	_ =	shalt  }
0x42: {  	_ =	shalt  }
0x43: {  	_ =	shalt  }
0x44: {  	_ =	shalt  }
0x45: {  	_ =	shalt  }
0x46: {  	_ =	shalt  }
0x47: {  	_ =	shalt  }
0x48: {  	_ =	shalt  }
0x49: {  	_ =	shalt  }
0x4a: {  	_ =	shalt  }
0x4b: {  	_ =	shalt  }
0x4c: {  	_ =	shalt  }
0x4d: {  	_ =	shalt  }
0x4e: {  	_ =	shalt  }
0x4f: {  	_ =	shalt  }
0x50: {  	_ =	shalt  }
0x51: {  	_ =	shalt  }
0x52: {  	_ =	shalt  }
0x53: {  	_ =	shalt  }
0x54: {  	_ =	shalt  }
0x55: {  	_ =	shalt  }
0x56: {  	_ =	shalt  }
0x57: {  	_ =	shalt  }
0x58: {  	_ =	shalt  }
0x59: {  	_ =	shalt  }
0x5a: {  	_ =	shalt  }
0x5b: {  	_ =	shalt  }
0x5c: {  	_ =	shalt  }
0x5d: {  	_ =	shalt  }
0x5e: {  	_ =	shalt  }
0x5f: {  	_ =	shalt  }
0x60: {  	_ =	shalt  }
0x61: {  	_ =	shalt  }
0x62: {  	_ =	shalt  }
0x63: {  	_ =	shalt  }
0x64: {  	_ =	shalt  }
0x65: {  	_ =	shalt  }
0x66: {  	_ =	shalt  }
0x67: {  	_ =	shalt  }
0x68: {  	_ =	shalt  }
0x69: {  	_ =	shalt  }
0x6a: {  	_ =	shalt  }
0x6b: {  	_ =	shalt  }
0x6c: {  	_ =	shalt  }
0x6d: {  	_ =	shalt  }
0x6e: {  	_ =	shalt  }
0x6f: {  	_ =	shalt  }
0x70: {  	_ =	shalt  }
0x71: {  	_ =	shalt  }
0x72: {  	_ =	shalt  }
0x73: {  	_ =	shalt  }
0x74: {  	_ =	shalt  }
0x75: {  	_ =	shalt  }
0x76: {  	_ =	shalt  }
0x77: {  	_ =	shalt  }
0x78: {  	_ =	shalt  }
0x79: {  	_ =	shalt  }
0x7a: {  	_ =	shalt  }
0x7b: {  	_ =	shalt  }
0x7c: {  	_ =	shalt  }
0x7d: {  	_ =	shalt  }
0x7e: {  	_ =	shalt  }
0x7f: {  	_ =	shalt  }
0x80: {  	_ =	shalt  }
0x81: {  	_ =	shalt  }
0x82: {  	_ =	shalt  }
0x83: {  	_ =	shalt  }
0x84: {  	_ =	shalt  }
0x85: {  	_ =	shalt  }
0x86: {  	_ =	shalt  }
0x87: {  	_ =	shalt  }
.Lfunc_end0:
.L_simem_size_0:
called_computation_lowered:
.L_overlay_start_0:
0x88: {  	s2 =	sld [smem:$0x3FD9]  }
0x89: {  	s3 =	sld [smem:$0x3FFE];
	_ =	sdelay $0x1  }
0x8a: {  	s1 =	srdreg.scid  }
0x8b: {  	s0 =	sand.u32 $0x1, s1  }
0x8c: {  	s17 =	sshll.u32 s0, $0xA;
	s2 =	sadd.s32 s3, s2  }
0x8d: {  	s2 =	sadd.s32 s2, s17  }
0x8e: {  	[smem:$0x3FBE] =	sst s2  }
0x8f: {  	_ = 	snop  }
0x90: {  	s2 =	sld [smem:$0x3FC8]  }
0x91: {  	s18 =	sld [smem:$0x3FC6];
	(tm) =	ssettm $0x1  }
0x92: {  	s4 =	sld [smem:$0x3FFB];
	_ =	sdelay $0x3  }
0x93: {  	_ =	strace s4  }
0x94: {  	s4 =	sld [smem:$0x3FFC];
	_ =	sdelay $0x3  }
0x95: {  	_ =	strace s4  }
0x96: {  	s4 =	sld [smem:$0x3FFD];
	_ =	sdelay $0x3  }
0x97: {  	_ =	strace s4  }
0x98: {  	_ =	strace $0x8FFFFFFF  }
0x99: {  	s19 =	sld [smem:$0x3FDB];
	_ =	sdelay $0x1  }
0x9a: {  	s5 =	simm.s32 $_scs_section_size  }
0x9b: {  	s6 =	simm.s32 $_size__tile_overlayer_lowered;
	s7 =	simm.s32 $_tile_overlayer_lowered  }
0x9c: {  	s22 =	simm.s32 $0x1BFF;
	s21 =	sshll.u32 s7, $0x1;
	s4 =	sadd.s32 s5, s19  }
0x9d: {  	s8 =	simm.s32 $0x0;
	s20 =	sshll.u32 s6, $0x1;
	s6 =	sadd.s32 s21, s4  }
0x9e: {  	[timem:s8], [sflag:s22] =	dma.local [hbm:s6], s20  }
0x9f: {  	_ =	swait.ge [sflag:s22], s20  }
0xa0: {  	s5 =	ssub.s32 $0x0, s20;
	[sflag:s22] =	ssyncset.done $0x0  }
0xa1: {  	[sflag:s22] =	ssyncadd.s32 s5;
	_ =	sdelay $0x1  }
0xa2: {  	s23 =	simm.s32 $0x1B8B  }
0xa3: {  	_ =	swait.ge [sflag:s23], $0x1  }
0xa4: {  	[sflag:s23] =	ssyncset.done $0x0  }
0xa5: {  	s25 =	simm.s32 $0x1B8E;
	s24 =	sld [smem:$0x3FFE];
	[sflag:s23] =	ssyncadd.s32 $0xFFFFFFFF  }
0xa6: {  	s26 =	simm.s32 $execute0_lowered;
	[smem:$0x3FD2] =	sst s25  }
0xa7: {  	s6 =	sshll.u32 s26, $0x1;
	_ =	strace $0x80000046;
	[dreg:$0x1] =	wrdreg $0xFFFFFFFF  }
0xa8: {  	s28 =	simm.s32 $_size_execute0_lowered;
	s4 =	sadd.s32 s4, s6;
	[dreg:$0x0] =	wrdreg $0x0  }
0xa9: {  	s6 =	sshll.u32 s28, $0x1;
	[dreg:$0x2] =	wrdreg s4  }
0xaa: {  	[dreg:$0x3] =	wrdreg s6  }
0xab: {  	[dreg:$0x4] =	wrdreg $0xC0  }
0xac: {  	_ =	task [dreg:s8], $0x5FFFF  }
0xad: {  	[dreg:$0x1] =	wrdreg $0xFFFFFFFF  }
0xae: {  	[dreg:$0x0] =	wrdreg $0x60  }
0xaf: {  	[dreg:$0x2] =	wrdreg s2  }
0xb0: {  	[dreg:$0x3] =	wrdreg s18  }
0xb1: {  	[dreg:$0x4] =	wrdreg s24  }
0xb2: {  	[dreg:$0x5] =	wrdreg $0x9  }
0xb3: {  	_ =	task.clear_ibuf [dreg:s8], $0x6FFFF;
	_ =	strace $0x90000046  }
0xb4: {  	s29 =	simm.s32 $0x9;
	_ =	strace $0x80000048  }
0xb5: {  	_ =	swait.ge [sflag:s29], $0x1  }
0xb6: {  	[sflag:s29] =	ssyncadd.s32 $0xFFFFFFFF  }
0xb7: {  	_ =	strace $0x90000048  }
0xb8: {  	_ =	sfence  }
0xb9: {  	s30 =	sld [smem:$0x0];
	_ =	sdelay $0x2  }
0xba: {  	s31 =	sshll.u32 s1, $0xD;
	s1 =	sshrl.u32 s1, $0x2  }
0xbb: {  	s3 =	sand.u32 $0x4000, s31;
	s1 =	sadd.s32 s1, s30  }
0xbc: {  	s0 =	sor.u32 s3, s0;
	s1 =	sshll.u32 s1, $0x11  }
0xbd: {  	s0 =	sor.u32 s1, s0  }
0xbe: {  	s0 =	sadd.s32 $0x8F2B, s0  }
0xbf: {  	[sflag:s0] =	ssyncadd.remote.s32 $0x1  }
0xc0: {  	_ =	sfence.sel $0xFFFF  }
0xc1: {  	[dreg:$0x0] =	wrdreg $0xFFFFFFFF;
	(pc) =	sbr.abs _section_cstart, $3  }
0xc2: {  	[dreg:$0x1] =	wrdreg $0xFFFFFFFF  }
0xc3: {  	_ =	task.clear_ibuf [dreg:s8], $0x2FFFF;
	_ =	strace $0x9FFFFFFF  }
0xc4: {  	(tm) =	ssettm $0x7FFFFFFF  }
0xc5: {  	_ =	shalt  }
tec
execute0_lowered:
.L_overlay_start_1:
0x0: {  	(tag) =	ssettag $0x1  }
0x1: {  	s0 =	rddreg [dreg:$0x0]  }
0x2: {  	s20 =	rddreg [dreg:$0x1]  }
0x3: {  	s1 =	rddreg [dreg:$0x2];
	s3 =	simm.s32 $0x0;
	s2 =	srdreg.scid  }
0x4: {  	s21 =	stileid.u32;
	s12 =	simm.s32 $0x3200;
	s29 =	simm.s32 $0x4200  }
0x5: {  	s28 =	simm.s32 $0x5200;
	s11 =	simm.s32 $0x7200;
	s9 =	simm.s32 $0x8200  }
0x6: {  	s13 =	simm.s32 $0xA200;
	s14 =	simm.s32 $0xB200;
	s2 =	sand.u32 $0x1, s2  }
0x7: {  	[smem:$0x7FF] =	sst s3;
	s3 =	sshll.u32 s21, $0xA;
	s4 =	sshll.u32 s2, $0x9  }
0x8: {  	s16 =	simm.s32 $0xF200;
	s30 =	simm.s32 $0x1;
	s3 =	sor.u32 s4, s3  }
0x9: {  	s18 =	simm.s32 $0x2;
	s1 =	sadd.s32 s3, s1;
	s3 =	sshrl.u32 s3, $0x3  }
0xa: {  	s21 =	simm.s32 $0x1200;
	s2 =	ssub.s32 $0x2, s2;
	s0 =	sadd.s32 s0, s3  }
0xb: {  	vm0 =	vcmask $0x70C;
	_ =	strace $0x80000047;
	s23 =	sadd.s32 $0x1800, s1;
	[dreg:$0xb] =	wrdreg s0  }
0xc: {  	vm1 =	vcmask $0xB10;
	vm2 =	vcmask $0xF14;
	vm3 =	vcmask $0x1318;
	s22 =	sshrl.u32 s2, $0x1;
	s24 =	sadd.s32 $0x1880, s1;
	[dreg:$0xc] =	wrdreg s23  }
0xd: {  	vm4 =	vcmask $0x171C;
	vm5 =	vcmask $0x1B20;
	vm6 =	vmmov $0x1;
	s2 =	ssub.s32 s2, s22;
	s25 =	sadd.s32 $0x1900, s1;
	[dreg:$0xd] =	wrdreg s24  }
0xe: {  	vm7 =	vcmask $0x308;
	vm8 =	vcmask $0x1F24;
	v0 =	vlaneseq.u32;
	s22 =	simm.s32 $0x2200;
	s26 =	sadd.s32 $0x1980, s1;
	[dreg:$0xe] =	wrdreg s25  }
0xf: {  	vm9 =	vcmask $0x2328;
	vm10 =	vcmask $0x272C;
	v0 =	vmul.u32 $0x80, v0;
	s31 =	smax.u32 s2, $0x1;
	s1 =	simm.s32 $0x3;
	[dreg:$0xf] =	wrdreg s26  }
0x10: {  	vm11 =	vcmask $0x2B30;
	vm12 =	vcmask $0x2F34;
	vm13 =	vcmask $0x3338;
	s2 =	simm.s32 $0x0;
	[dreg:$0x10] =	wrdreg s31;
	s25 =	simm.s32 $0x7A1400  }
0x11: {  	vm14 =	vcmask $0x373C;
	vm15 =	vmmov $0x7fff;
	v1 =	vor.u32 $0x800, v0;
	s26 =	simm.s32 $0x6200;
	s24 =	simm.s32 $0x9200;
	s23 =	simm.s32 $0xC200  }
.LBB2_1:
0x12: {  	[dreg:$0x11] =	wrdreg s2  }
0x13: {  	s19 =	simm.s32 $0x0;
	s0 =	rddreg [dreg:$0xb]  }
0x14: {  	[tilespmem:s19], [sflag:$0x3] =	stream.linear.gather [hbm4b:s0+s19], $0x200, $0x38;
	[tilespmem:$0x14200] =	vst v63  }
0x15: {  	_ =	swait.ge [sflag:s1], $0x200  }
0x16: {  	[sflag:s1] =	ssyncset.done $0x0  }
0x17: {  	[sflag:s1] =	ssyncadd.s32 $0xFFFFFE00  }
0x18: {  	v2 =	vld [tilespmem:$0x0];
	_ =	sdelay $0x4  }
0x19: {  	v3 =	vsel vm0, $0x0, v2  }
0x1a: {  	(xrf0) =	vadd.scan.msk.s32 $0xffff, v3;
	v3 =	vsel vm1, $0x0, v2  }
0x1b: {  	(xrf0) =	vadd.scan.msk.s32 $0xffff, v3;
	v3 =	vsel vm2, $0x0, v2  }
0x1c: {  	(xrf0) =	vadd.scan.msk.s32 $0xffff, v3;
	v3 =	vsel vm3, $0x0, v2  }
0x1d: {  	(xrf0) =	vadd.scan.msk.s32 $0xffff, v3;
	v3 =	vsel vm4, $0x0, v2  }
0x1e: {  	(xrf0) =	vadd.scan.msk.s32 $0xffff, v3;
	v3 =	vsel vm5, $0x0, v2  }
0x1f: {  	(xrf0) =	vadd.scan.msk.s32 $0xffff, v3;
	v3 =	vnsel vm6, $0x0, v2;
	_ =	sdelay $0x1  }
0x20: {  	v4, _, _ =	vpop (xrf0);
	(xrf0) =	vadd.scan.msk.s32 $0xffff, v3  }
0x21: {  	(v2sf) =	vpush v4, $0xF;
	v3, _, _ =	vpop (xrf0)  }
0x22: {  	v2 =	vsel vm7, $0x0, v2;
	(v2sf) =	vpush v3, $0xF;
	v3, _, _ =	vpop (xrf0)  }
0x23: {  	(v2sf) =	vpush v3, $0xF;
	v3, _, _ =	vpop (xrf0)  }
0x24: {  	(v2sf) =	vpush v3, $0xF;
	v3, _, _ =	vpop (xrf0);
	(xrf0) =	vadd.scan.msk.s32 $0xffff, v2  }
0x25: {  	(v2sf) =	vpush v3, $0xF;
	v2, _, _ =	vpop (xrf0)  }
0x26: {  	(v2sf) =	vpush v2, $0xF;
	v2, _, _ =	vpop (xrf0)  }
0x27: {  	(v2sf) =	vpush v2, $0xF;
	_ =	sdelay $0x2  }
0x28: {  	v2, _, _ =	vpop (xrf0)  }
0x29: {  	(v2sf) =	vpush v2, $0xF;
	_ =	sdelay $0x4  }
0x2a: {  	s7 =	spop (v2sf)  }
0x2b: {  	s8 =	spop (v2sf)  }
0x2c: {  	s10 =	spop (v2sf)  }
0x2d: {  	s3 =	spop (v2sf)  }
0x2e: {  	s4 =	spop (v2sf)  }
0x2f: {  	s5 =	spop (v2sf)  }
0x30: {  	s6 =	spop (v2sf)  }
0x31: {  	s6 =	sand.u32 $0xFFFFF80, s6  }
0x32: {  	s17 =	simm.s32 $0x400;
	s31 =	simm.s32 $0x200;
	s6 =	sadd.s32 s20, s6  }
0x33: {  	[tilespmem:s31], [sflag:$0x1] =	stream.strided.gather [hbm4b:s6+s17], $0x1000, s25, s17, $0x38;
	[tilespmem:$0x14200] =	vst v63  }
0x34: {  	s15 =	spop (v2sf)  }
0x35: {  	s6 =	sand.u32 $0xFFFFF80, s15  }
0x36: {  	s0 =	sand.u32 $0xFFFFF80, s7;
	s6 =	sadd.s32 s20, s6  }
0x37: {  	[tilespmem:s21], [sflag:$0x1] =	stream.strided.gather [hbm4b:s6+s17], $0x1000, s25, s17, $0x38;
	[tilespmem:$0x14200] =	vst v63  }
0x38: {  	s0 =	sadd.s32 s20, s0;
	s1 =	sand.u32 $0xFFFFF80, s8  }
0x39: {  	[tilespmem:s22], [sflag:$0x1] =	stream.strided.gather [hbm4b:s0+s17], $0x1000, s25, s17, $0x38;
	[tilespmem:$0x14200] =	vst v63  }
0x3a: {  	s6 =	sand.u32 $0xFFFFF80, s10;
	s0 =	sadd.s32 s20, s1  }
0x3b: {  	[tilespmem:s12], [sflag:$0x1] =	stream.strided.gather [hbm4b:s0+s17], $0x1000, s25, s17, $0x38;
	[tilespmem:$0x14200] =	vst v63  }
0x3c: {  	s7 =	sand.u32 $0xFFFFF80, s3;
	s0 =	sadd.s32 s20, s6  }
0x3d: {  	[tilespmem:s29], [sflag:$0x1] =	stream.strided.gather [hbm4b:s0+s17], $0x1000, s25, s17, $0x38;
	[tilespmem:$0x14200] =	vst v63  }
0x3e: {  	s8 =	sand.u32 $0xFFFFF80, s4;
	s0 =	sadd.s32 s20, s7  }
0x3f: {  	[tilespmem:s28], [sflag:$0x1] =	stream.strided.gather [hbm4b:s0+s17], $0x1000, s25, s17, $0x38;
	[tilespmem:$0x14200] =	vst v63  }
0x40: {  	s10 =	sand.u32 $0xFFFFF80, s5;
	s0 =	sadd.s32 s20, s8  }
0x41: {  	[tilespmem:s26], [sflag:$0x1] =	stream.strided.gather [hbm4b:s0+s17], $0x1000, s25, s17, $0x38;
	[tilespmem:$0x14200] =	vst v63  }
0x42: {  	s0 =	sadd.s32 s20, s10  }
0x43: {  	[tilespmem:s11], [sflag:$0x1] =	stream.strided.gather [hbm4b:s0+s17], $0x1000, s25, s17, $0x38;
	[tilespmem:$0x14200] =	vst v63  }
0x44: {  	v2 =	vld [tilespmem:s19+$0x0];
	_ =	sdelay $0x4  }
0x45: {  	v3 =	vsel vm8, $0x0, v2  }
0x46: {  	v4 =	vsel vm9, $0x0, v2;
	(xrf0) =	vadd.scan.msk.s32 $0xffff, v3  }
0x47: {  	v3 =	vsel vm10, $0x0, v2;
	(xrf0) =	vadd.scan.msk.s32 $0xffff, v4  }
0x48: {  	(xrf0) =	vadd.scan.msk.s32 $0xffff, v3;
	v3 =	vsel vm11, $0x0, v2  }
0x49: {  	(xrf0) =	vadd.scan.msk.s32 $0xffff, v3;
	v3 =	vsel vm12, $0x0, v2;
	_ =	sdelay $0x1  }
0x4a: {  	(xrf0) =	vadd.scan.msk.s32 $0xffff, v3  }
0x4b: {  	v4 =	vsel vm13, $0x0, v2;
	v3, _, _ =	vpop (xrf0)  }
0x4c: {  	(xrf0) =	vadd.scan.msk.s32 $0xffff, v4;
	(v2sf) =	vpush v3, $0xF;
	v3, _, _ =	vpop (xrf0)  }
0x4d: {  	v4 =	vsel vm14, $0x0, v2;
	(v2sf) =	vpush v3, $0xF;
	v3, _, _ =	vpop (xrf0)  }
0x4e: {  	(xrf0) =	vadd.scan.msk.s32 $0xffff, v4;
	(v2sf) =	vpush v3, $0xF  }
0x4f: {  	v3, _, _ =	vpop (xrf0)  }
0x50: {  	(v2sf) =	vpush v3, $0xF;
	v3, _, _ =	vpop (xrf0)  }
0x51: {  	v4 =	vsel vm15, $0x0, v2;
	(v2sf) =	vpush v3, $0xF  }
0x52: {  	(xrf0) =	vadd.scan.msk.s32 $0xffff, v4;
	v3, _, _ =	vpop (xrf0)  }
0x53: {  	v4 =	vnsel vm6, $0x0, v2;
	(v2sf) =	vpush v3, $0xF  }
0x54: {  	(xrf0) =	vadd.scan.msk.s32 $0xffff, v4;
	v3, _, _ =	vpop (xrf0)  }
0x55: {  	v4 =	vsel vm7, $0x0, v2;
	(v2sf) =	vpush v3, $0xF  }
0x56: {  	(xrf0) =	vadd.scan.msk.s32 $0xffff, v4;
	_ =	sdelay $0x1  }
0x57: {  	v3 =	vsel vm0, $0x0, v2;
	v4, _, _ =	vpop (xrf0)  }
0x58: {  	v5 =	vsel vm1, $0x0, v2;
	(xrf0) =	vadd.scan.msk.s32 $0xffff, v3;
	(v2sf) =	vpush v4, $0xF  }
0x59: {  	v3 =	vsel vm2, $0x0, v2;
	v4, _, _ =	vpop (xrf0);
	(xrf0) =	vadd.scan.msk.s32 $0xffff, v5  }
0x5a: {  	v5 =	vsel vm3, $0x0, v2;
	(v2sf) =	vpush v4, $0xF;
	(xrf0) =	vadd.scan.msk.s32 $0xffff, v3;
	s1 =	spop (v2sf)  }
0x5b: {  	v4, _, _ =	vpop (xrf0);
	v3 =	vsel vm4, $0x0, v2;
	v2 =	vsel vm5, $0x0, v2;
	(xrf0) =	vadd.scan.msk.s32 $0xffff, v5;
	s12 =	sand.u32 $0xFFFFF80, s1;
	s7 =	spop (v2sf)  }
0x5c: {  	(v2sf) =	vpush v4, $0xF;
	(xrf0) =	vadd.scan.msk.s32 $0xffff, v3;
	s0 =	sadd.s32 s20, s12;
	s15 =	sand.u32 $0xFFFFF80, s7;
	s6 =	spop (v2sf)  }
0x5d: {  	[tilespmem:s9], [sflag:$0x2] =	stream.strided.gather [hbm4b:s0+s17], $0x1000, s25, s17, $0x38;
	[tilespmem:$0x14200] =	vst v63  }
0x5e: {  	(xrf0) =	vadd.scan.msk.s32 $0xffff, v2;
	v2, _, _ =	vpop (xrf0);
	s3 =	sadd.s32 s20, s15;
	s4 =	sand.u32 $0xFFFFF80, s6;
	s5 =	spop (v2sf)  }
0x5f: {  	v3, _, _ =	vpop (xrf0);
	(v2sf) =	vpush v2, $0xF;
	s8 =	sadd.s32 s20, s4;
	s9 =	sand.u32 $0xFFFFF80, s5;
	s4 =	spop (v2sf)  }
0x60: {  	v2, _, _ =	vpop (xrf0);
	(v2sf) =	vpush v3, $0xF;
	[tilespmem:s24], [sflag:$0x2] =	stream.strided.gather [hbm4b:s3+s17], $0x1000, s25, s17, $0x38;
	[tilespmem:$0x14200] =	vst v63  }
0x61: {  	(v2sf) =	vpush v2, $0xF;
	s10 =	sadd.s32 s20, s9;
	s3 =	spop (v2sf)  }
0x62: {  	v2, _, _ =	vpop (xrf0);
	[tilespmem:s13], [sflag:$0x2] =	stream.strided.gather [hbm4b:s8+s17], $0x1000, s25, s17, $0x38;
	[tilespmem:$0x14200] =	vst v63  }
0x63: {  	v3, _, _ =	vpop (xrf0);
	(v2sf) =	vpush v2, $0xF;
	s11 =	sand.u32 $0xFFFFF80, s4;
	s8 =	sand.u32 $0xFFFFF80, s3;
	s2 =	spop (v2sf)  }
0x64: {  	v2, _, _ =	vpop (xrf0);
	(v2sf) =	vpush v3, $0xF;
	[tilespmem:s14], [sflag:$0x2] =	stream.strided.gather [hbm4b:s10+s17], $0x1000, s25, s17, $0x38;
	[tilespmem:$0x14200] =	vst v63  }
0x65: {  	(v2sf) =	vpush v2, $0xF;
	s12 =	sadd.s32 s20, s11;
	s8 =	sadd.s32 s20, s8;
	s13 =	sand.u32 $0xFFFFF80, s2  }
0x66: {  	[tilespmem:s23], [sflag:$0x2] =	stream.strided.gather [hbm4b:s12+s17], $0x1000, s25, s17, $0x38;
	[tilespmem:$0x14200] =	vst v63  }
0x67: {  	s0 =	spop (v2sf);
	s10 =	simm.s32 $0xD200;
	s14 =	sadd.s32 s20, s13  }
0x68: {  	[tilespmem:s10], [sflag:$0x2] =	stream.strided.gather [hbm4b:s8+s17], $0x1000, s25, s17, $0x38;
	[tilespmem:$0x14200] =	vst v63  }
0x69: {  	s15 =	sand.u32 $0xFFFFF80, s0;
	s23 =	simm.s32 $0xE200;
	s10 =	spop (v2sf)  }
0x6a: {  	[tilespmem:s23], [sflag:$0x2] =	stream.strided.gather [hbm4b:s14+s17], $0x1000, s25, s17, $0x38;
	[tilespmem:$0x14200] =	vst v63  }
0x6b: {  	s9 =	sadd.s32 s20, s15;
	s15 =	spop (v2sf)  }
0x6c: {  	[tilespmem:s16], [sflag:$0x2] =	stream.strided.gather [hbm4b:s9+s17], $0x1000, s25, s17, $0x38;
	[tilespmem:$0x14200] =	vst v63  }
0x6d: {  	_ =	swait.ge [sflag:s30], $0x1000  }
0x6e: {  	s16 =	spop (v2sf)  }
0x6f: {  	[sflag:s30] =	ssyncset.done $0x0;
	s14 =	spop (v2sf)  }
0x70: {  	[sflag:s30] =	ssyncadd.s32 $0xFFFFF000;
	s12 =	spop (v2sf)  }
0x71: {  	_ =	swait.ge [sflag:s30], $0x1000  }
0x72: {  	s13 =	spop (v2sf)  }
0x73: {  	[sflag:s30] =	ssyncset.done $0x0;
	s11 =	spop (v2sf)  }
0x74: {  	[sflag:s30] =	ssyncadd.s32 $0xFFFFF000;
	s9 =	spop (v2sf)  }
0x75: {  	_ =	swait.ge [sflag:s30], $0x1000  }
0x76: {  	[sflag:s30] =	ssyncset.done $0x0  }
0x77: {  	[sflag:s30] =	ssyncadd.s32 $0xFFFFF000  }
0x78: {  	_ =	swait.ge [sflag:s30], $0x1000  }
0x79: {  	[sflag:s30] =	ssyncset.done $0x0  }
0x7a: {  	[sflag:s30] =	ssyncadd.s32 $0xFFFFF000  }
0x7b: {  	_ =	swait.ge [sflag:s30], $0x1000  }
0x7c: {  	[sflag:s30] =	ssyncset.done $0x0  }
0x7d: {  	[sflag:s30] =	ssyncadd.s32 $0xFFFFF000  }
0x7e: {  	_ =	swait.ge [sflag:s30], $0x1000  }
0x7f: {  	[sflag:s30] =	ssyncset.done $0x0  }
0x80: {  	[sflag:s30] =	ssyncadd.s32 $0xFFFFF000  }
0x81: {  	s10 =	sand.u32 $0x7F, s10;
	_ =	swait.ge [sflag:s30], $0x1000  }
0x82: {  	v2 =	vor.u32 s10, v0;
	[sflag:s30] =	ssyncset.done $0x0  }
0x83: {  	v3 =	vor.u32 s10, v1;
	[sflag:s30] =	ssyncadd.s32 $0xFFFFF000  }
0x84: {  	_ =	swait.ge [sflag:s30], $0x1000  }
0x85: {  	[sflag:s30] =	ssyncset.done $0x0  }
0x86: {  	s10 =	sand.u32 $0x70, s19;
	[sflag:s30] =	ssyncadd.s32 $0xFFFFF000  }
0x87: {  	v4 =	vor.u32 s10, v0;
	v2 =	vld.idx.msk [tilespmem:v2+s31+$0x0], $0xffff  }
0x88: {  	s15 =	sand.u32 $0x7F, s15;
	v5 =	vor.u32 s10, v1;
	v3 =	vld.idx.msk [tilespmem:v3+s31+$0x0], $0xffff  }
0x89: {  	v6 =	vor.u32 s15, v0  }
0x8a: {  	s19 =	sand.u32 $0x3000, s19;
	v7 =	vor.u32 s15, v1  }
0x8b: {  	s8 =	sor.u32 $0x10200, s19  }
0x8c: {  	[tilespmem:v4+s8+$0x0] =	vst.idx.msk $0xffff, v2  }
0x8d: {  	s19 =	sor.u32 $0x1, s10;
	[tilespmem:v5+s8+$0x0] =	vst.idx.msk $0xffff, v3  }
0x8e: {  	v3 =	vor.u32 s19, v0;
	v2 =	vld.idx.msk [tilespmem:v6+s21+$0x0], $0xffff  }
0x8f: {  	v4 =	vor.u32 s19, v1;
	s19 =	sand.u32 $0x7F, s16;
	v5 =	vld.idx.msk [tilespmem:v7+s21+$0x0], $0xffff  }
0x90: {  	v39 =	vor.u32 s19, v0  }
0x91: {  	v40 =	vor.u32 s19, v1;
	_ =	sdelay $0x1  }
0x92: {  	[tilespmem:v3+s8+$0x0] =	vst.idx.msk $0xffff, v2  }
0x93: {  	s19 =	sor.u32 $0x2, s10;
	[tilespmem:v4+s8+$0x0] =	vst.idx.msk $0xffff, v5  }
0x94: {  	v3 =	vor.u32 s19, v0;
	v2 =	vld.idx.msk [tilespmem:v39+s22+$0x0], $0xffff  }
0x95: {  	s14 =	sand.u32 $0x7F, s14;
	v4 =	vor.u32 s19, v1;
	v5 =	vld.idx.msk [tilespmem:v40+s22+$0x0], $0xffff  }
0x96: {  	v41 =	vor.u32 s14, v0  }
0x97: {  	v42 =	vor.u32 s14, v1;
	_ =	sdelay $0x1  }
0x98: {  	[tilespmem:v3+s8+$0x0] =	vst.idx.msk $0xffff, v2  }
0x99: {  	s23 =	simm.s32 $0x3200;
	s14 =	sor.u32 $0x3, s10;
	[tilespmem:v4+s8+$0x0] =	vst.idx.msk $0xffff, v5  }
0x9a: {  	v3 =	vor.u32 s14, v0;
	v2 =	vld.idx.msk [tilespmem:v41+s23+$0x0], $0xffff  }
0x9b: {  	s12 =	sand.u32 $0x7F, s12;
	v4 =	vor.u32 s14, v1;
	v5 =	vld.idx.msk [tilespmem:v42+s23+$0x0], $0xffff  }
0x9c: {  	v43 =	vor.u32 s12, v0  }
0x9d: {  	v44 =	vor.u32 s12, v1;
	_ =	sdelay $0x1  }
0x9e: {  	[tilespmem:v3+s8+$0x0] =	vst.idx.msk $0xffff, v2  }
0x9f: {  	s14 =	sor.u32 $0x4, s10;
	[tilespmem:v4+s8+$0x0] =	vst.idx.msk $0xffff, v5  }
0xa0: {  	v3 =	vor.u32 s14, v0;
	v2 =	vld.idx.msk [tilespmem:v43+s29+$0x0], $0xffff  }
0xa1: {  	s13 =	sand.u32 $0x7F, s13;
	v4 =	vor.u32 s14, v1;
	v5 =	vld.idx.msk [tilespmem:v44+s29+$0x0], $0xffff  }
0xa2: {  	v45 =	vor.u32 s13, v0  }
0xa3: {  	v46 =	vor.u32 s13, v1;
	_ =	sdelay $0x1  }
0xa4: {  	[tilespmem:v3+s8+$0x0] =	vst.idx.msk $0xffff, v2  }
0xa5: {  	s15 =	sor.u32 $0x5, s10;
	[tilespmem:v4+s8+$0x0] =	vst.idx.msk $0xffff, v5  }
0xa6: {  	v3 =	vor.u32 s15, v0;
	v2 =	vld.idx.msk [tilespmem:v45+s28+$0x0], $0xffff  }
0xa7: {  	s11 =	sand.u32 $0x7F, s11;
	v4 =	vor.u32 s15, v1;
	v5 =	vld.idx.msk [tilespmem:v46+s28+$0x0], $0xffff  }
0xa8: {  	v47 =	vor.u32 s11, v0  }
0xa9: {  	v48 =	vor.u32 s11, v1;
	_ =	sdelay $0x1  }
0xaa: {  	[tilespmem:v3+s8+$0x0] =	vst.idx.msk $0xffff, v2  }
0xab: {  	s14 =	sor.u32 $0x6, s10;
	[tilespmem:v4+s8+$0x0] =	vst.idx.msk $0xffff, v5  }
0xac: {  	v3 =	vor.u32 s14, v0;
	v2 =	vld.idx.msk [tilespmem:v47+s26+$0x0], $0xffff  }
0xad: {  	s9 =	sand.u32 $0x7F, s9;
	v4 =	vor.u32 s14, v1;
	v5 =	vld.idx.msk [tilespmem:v48+s26+$0x0], $0xffff  }
0xae: {  	v49 =	vor.u32 s9, v0  }
0xaf: {  	v50 =	vor.u32 s9, v1;
	_ =	sdelay $0x1  }
0xb0: {  	[tilespmem:v3+s8+$0x0] =	vst.idx.msk $0xffff, v2  }
0xb1: {  	s11 =	simm.s32 $0x7200;
	s15 =	sor.u32 $0x7, s10;
	[tilespmem:v4+s8+$0x0] =	vst.idx.msk $0xffff, v5  }
0xb2: {  	v3 =	vor.u32 s15, v0;
	v2 =	vld.idx.msk [tilespmem:v49+s11+$0x0], $0xffff  }
0xb3: {  	v5 =	vor.u32 s15, v1;
	v4 =	vld.idx.msk [tilespmem:v50+s11+$0x0], $0xffff;
	_ =	sdelay $0x3  }
0xb4: {  	s14 =	smin.u32 s30, $0x1F;
	[tilespmem:v3+s8+$0x0] =	vst.idx.msk $0xffff, v2  }
0xb5: {  	s9 =	sshll.u32 s14, $0x4;
	[tilespmem:v5+s8+$0x0] =	vst.idx.msk $0xffff, v4  }
0xb6: {  	v2 =	vld [tilespmem:s9+$0x0];
	_ =	sdelay $0x4  }
0xb7: {  	v3 =	vnsel vm6, $0x0, v2  }
0xb8: {  	(xrf0) =	vadd.scan.msk.s32 $0xffff, v3  }
0xb9: {  	v3 =	vsel vm7, $0x0, v2  }
0xba: {  	(xrf0) =	vadd.scan.msk.s32 $0xffff, v3;
	_ =	sdelay $0x3  }
0xbb: {  	v4 =	vsel vm0, $0x0, v2;
	v3, _, _ =	vpop (xrf0)  }
0xbc: {  	(xrf0) =	vadd.scan.msk.s32 $0xffff, v4;
	(v2sf) =	vpush v3, $0xF  }
0xbd: {  	v4 =	vsel vm1, $0x0, v2;
	v3, _, _ =	vpop (xrf0)  }
0xbe: {  	(xrf0) =	vadd.scan.msk.s32 $0xffff, v4;
	(v2sf) =	vpush v3, $0xF;
	_ =	sdelay $0x3  }
0xbf: {  	v3, _, _ =	vpop (xrf0)  }
0xc0: {  	v4 =	vsel vm2, $0x0, v2;
	(v2sf) =	vpush v3, $0xF  }
0xc1: {  	(xrf0) =	vadd.scan.msk.s32 $0xffff, v4;
	v3, _, _ =	vpop (xrf0)  }
0xc2: {  	v4 =	vsel vm3, $0x0, v2;
	(v2sf) =	vpush v3, $0xF  }
0xc3: {  	(xrf0) =	vadd.scan.msk.s32 $0xffff, v4;
	_ =	sdelay $0x3  }
0xc4: {  	v4 =	vsel vm4, $0x0, v2;
	v3, _, _ =	vpop (xrf0)  }
0xc5: {  	(xrf0) =	vadd.scan.msk.s32 $0xffff, v4;
	s15 =	spop (v2sf);
	(v2sf) =	vpush v3, $0xF  }
0xc6: {  	v2 =	vsel vm5, $0x0, v2;
	v3, _, _ =	vpop (xrf0)  }
0xc7: {  	(xrf0) =	vadd.scan.msk.s32 $0xffff, v2;
	s14 =	spop (v2sf);
	(v2sf) =	vpush v3, $0xF  }
0xc8: {  	s9 =	sand.u32 $0xFFFFF80, s15  }
0xc9: {  	s9 =	sadd.s32 s20, s9  }
0xca: {  	[tilespmem:s31], [sflag:$0x1] =	stream.strided.gather [hbm4b:s9+s17], $0x1000, s25, s17, $0x38;
	[tilespmem:$0x14200] =	vst v63  }
0xcb: {  	v2, _, _ =	vpop (xrf0);
	s9 =	sand.u32 $0xFFFFF80, s14  }
0xcc: {  	s9 =	sadd.s32 s20, s9;
	s15 =	spop (v2sf);
	(v2sf) =	vpush v2, $0xF  }
0xcd: {  	[tilespmem:s21], [sflag:$0x1] =	stream.strided.gather [hbm4b:s9+s17], $0x1000, s25, s17, $0x38;
	v2, _, _ =	vpop (xrf0);
	[tilespmem:$0x14200] =	vst v63  }
0xce: {  	s9 =	sand.u32 $0xFFFFF80, s15;
	s31 =	spop (v2sf);
	(v2sf) =	vpush v2, $0xF  }
0xcf: {  	s9 =	sadd.s32 s20, s9  }
0xd0: {  	[tilespmem:s22], [sflag:$0x1] =	stream.strided.gather [hbm4b:s9+s17], $0x1000, s25, s17, $0x38;
	[tilespmem:$0x14200] =	vst v63  }
0xd1: {  	s9 =	sand.u32 $0xFFFFF80, s31  }
0xd2: {  	s12 =	simm.s32 $0x3200;
	s9 =	sadd.s32 s20, s9  }
0xd3: {  	[tilespmem:s12], [sflag:$0x1] =	stream.strided.gather [hbm4b:s9+s17], $0x1000, s25, s17, $0x38;
	[tilespmem:$0x14200] =	vst v63  }
0xd4: {  	s12 =	spop (v2sf)  }
0xd5: {  	s9 =	sand.u32 $0xFFFFF80, s12  }
0xd6: {  	s14 =	spop (v2sf);
	s9 =	sadd.s32 s20, s9  }
0xd7: {  	[tilespmem:s29], [sflag:$0x1] =	stream.strided.gather [hbm4b:s9+s17], $0x1000, s25, s17, $0x38;
	[tilespmem:$0x14200] =	vst v63  }
0xd8: {  	s9 =	sand.u32 $0xFFFFF80, s14  }
0xd9: {  	s9 =	sadd.s32 s20, s9  }
0xda: {  	[tilespmem:s28], [sflag:$0x1] =	stream.strided.gather [hbm4b:s9+s17], $0x1000, s25, s17, $0x38;
	[tilespmem:$0x14200] =	vst v63  }
0xdb: {  	s15 =	spop (v2sf)  }
0xdc: {  	s9 =	sand.u32 $0xFFFFF80, s15  }
0xdd: {  	s28 =	spop (v2sf);
	s9 =	sadd.s32 s20, s9  }
0xde: {  	[tilespmem:s26], [sflag:$0x1] =	stream.strided.gather [hbm4b:s9+s17], $0x1000, s25, s17, $0x38;
	[tilespmem:$0x14200] =	vst v63  }
0xdf: {  	s9 =	sand.u32 $0xFFFFF80, s28  }
0xe0: {  	s9 =	sadd.s32 s20, s9  }
0xe1: {  	[tilespmem:s11], [sflag:$0x1] =	stream.strided.gather [hbm4b:s9+s17], $0x1000, s25, s17, $0x38;
	[tilespmem:$0x14200] =	vst v63  }
0xe2: {  	_ =	swait.ge [sflag:s18], $0x1000  }
0xe3: {  	[sflag:s18] =	ssyncset.done $0x0  }
0xe4: {  	[sflag:s18] =	ssyncadd.s32 $0xFFFFF000  }
0xe5: {  	_ =	swait.ge [sflag:s18], $0x1000  }
0xe6: {  	[sflag:s18] =	ssyncset.done $0x0  }
0xe7: {  	[sflag:s18] =	ssyncadd.s32 $0xFFFFF000  }
0xe8: {  	_ =	swait.ge [sflag:s18], $0x1000  }
0xe9: {  	[sflag:s18] =	ssyncset.done $0x0  }
0xea: {  	[sflag:s18] =	ssyncadd.s32 $0xFFFFF000  }
0xeb: {  	_ =	swait.ge [sflag:s18], $0x1000  }
0xec: {  	[sflag:s18] =	ssyncset.done $0x0  }
0xed: {  	[sflag:s18] =	ssyncadd.s32 $0xFFFFF000  }
0xee: {  	_ =	swait.ge [sflag:s18], $0x1000  }
0xef: {  	[sflag:s18] =	ssyncset.done $0x0  }
0xf0: {  	[sflag:s18] =	ssyncadd.s32 $0xFFFFF000  }
0xf1: {  	_ =	swait.ge [sflag:s18], $0x1000  }
0xf2: {  	[sflag:s18] =	ssyncset.done $0x0  }
0xf3: {  	[sflag:s18] =	ssyncadd.s32 $0xFFFFF000  }
0xf4: {  	s1 =	sand.u32 $0x7F, s1;
	_ =	swait.ge [sflag:s18], $0x1000  }
0xf5: {  	v2 =	vor.u32 s1, v0;
	[sflag:s18] =	ssyncset.done $0x0  }
0xf6: {  	v3 =	vor.u32 s1, v1;
	[sflag:s18] =	ssyncadd.s32 $0xFFFFF000  }
0xf7: {  	_ =	swait.ge [sflag:s18], $0x1000  }
0xf8: {  	[sflag:s18] =	ssyncset.done $0x0  }
0xf9: {  	s29 =	sor.u32 $0x8, s10;
	s9 =	simm.s32 $0x8200;
	[sflag:s18] =	ssyncadd.s32 $0xFFFFF000  }
0xfa: {  	v4 =	vor.u32 s29, v0;
	v2 =	vld.idx.msk [tilespmem:v2+s9+$0x0], $0xffff  }
0xfb: {  	s31 =	sand.u32 $0x7F, s7;
	v5 =	vor.u32 s29, v1;
	v3 =	vld.idx.msk [tilespmem:v3+s9+$0x0], $0xffff  }
0xfc: {  	v51 =	vor.u32 s31, v0  }
0xfd: {  	v52 =	vor.u32 s31, v1;
	_ =	sdelay $0x1  }
0xfe: {  	[tilespmem:v4+s8+$0x0] =	vst.idx.msk $0xffff, v2  }
0xff: {  	s7 =	sor.u32 $0x9, s10;
	[tilespmem:v5+s8+$0x0] =	vst.idx.msk $0xffff, v3  }
0x100: {  	v3 =	vor.u32 s7, v0;
	v2 =	vld.idx.msk [tilespmem:v51+s24+$0x0], $0xffff  }
0x101: {  	s11 =	sand.u32 $0x7F, s6;
	v4 =	vor.u32 s7, v1;
	v5 =	vld.idx.msk [tilespmem:v52+s24+$0x0], $0xffff  }
0x102: {  	v53 =	vor.u32 s11, v0  }
0x103: {  	v54 =	vor.u32 s11, v1;
	_ =	sdelay $0x1  }
0x104: {  	[tilespmem:v3+s8+$0x0] =	vst.idx.msk $0xffff, v2  }
0x105: {  	s13 =	simm.s32 $0xA200;
	s12 =	sor.u32 $0xA, s10;
	[tilespmem:v4+s8+$0x0] =	vst.idx.msk $0xffff, v5  }
0x106: {  	v3 =	vor.u32 s12, v0;
	v2 =	vld.idx.msk [tilespmem:v53+s13+$0x0], $0xffff  }
0x107: {  	s14 =	sand.u32 $0x7F, s5;
	v4 =	vor.u32 s12, v1;
	v5 =	vld.idx.msk [tilespmem:v54+s13+$0x0], $0xffff  }
0x108: {  	v55 =	vor.u32 s14, v0  }
0x109: {  	v56 =	vor.u32 s14, v1;
	_ =	sdelay $0x1  }
0x10a: {  	[tilespmem:v3+s8+$0x0] =	vst.idx.msk $0xffff, v2  }
0x10b: {  	s19 =	simm.s32 $0xB200;
	s15 =	sor.u32 $0xB, s10;
	[tilespmem:v4+s8+$0x0] =	vst.idx.msk $0xffff, v5  }
0x10c: {  	v3 =	vor.u32 s15, v0;
	v2 =	vld.idx.msk [tilespmem:v55+s19+$0x0], $0xffff  }
0x10d: {  	s17 =	sand.u32 $0x7F, s4;
	v4 =	vor.u32 s15, v1;
	v5 =	vld.idx.msk [tilespmem:v56+s19+$0x0], $0xffff  }
0x10e: {  	v57 =	vor.u32 s17, v0  }
0x10f: {  	v58 =	vor.u32 s17, v1;
	_ =	sdelay $0x1  }
0x110: {  	[tilespmem:v3+s8+$0x0] =	vst.idx.msk $0xffff, v2  }
0x111: {  	s23 =	simm.s32 $0xC200;
	s19 =	sor.u32 $0xC, s10;
	[tilespmem:v4+s8+$0x0] =	vst.idx.msk $0xffff, v5  }
0x112: {  	v3 =	vor.u32 s19, v0;
	v2 =	vld.idx.msk [tilespmem:v57+s23+$0x0], $0xffff  }
0x113: {  	s26 =	sand.u32 $0x7F, s3;
	v4 =	vor.u32 s19, v1;
	v5 =	vld.idx.msk [tilespmem:v58+s23+$0x0], $0xffff  }
0x114: {  	v59 =	vor.u32 s26, v0  }
0x115: {  	v60 =	vor.u32 s26, v1;
	_ =	sdelay $0x1  }
0x116: {  	[tilespmem:v3+s8+$0x0] =	vst.idx.msk $0xffff, v2  }
0x117: {  	s21 =	simm.s32 $0xD200;
	s28 =	sor.u32 $0xD, s10;
	[tilespmem:v4+s8+$0x0] =	vst.idx.msk $0xffff, v5  }
0x118: {  	v3 =	vor.u32 s28, v0;
	v2 =	vld.idx.msk [tilespmem:v59+s21+$0x0], $0xffff  }
0x119: {  	s2 =	sand.u32 $0x7F, s2;
	v5 =	vor.u32 s28, v1;
	v4 =	vld.idx.msk [tilespmem:v60+s21+$0x0], $0xffff  }
0x11a: {  	v61 =	vor.u32 s2, v0  }
0x11b: {  	v62 =	vor.u32 s2, v1;
	_ =	sdelay $0x1  }
0x11c: {  	[tilespmem:v3+s8+$0x0] =	vst.idx.msk $0xffff, v2  }
0x11d: {  	s22 =	simm.s32 $0xE200;
	s29 =	sor.u32 $0xE, s10;
	[tilespmem:v5+s8+$0x0] =	vst.idx.msk $0xffff, v4  }
0x11e: {  	v3 =	vor.u32 s29, v0;
	v2 =	vld.idx.msk [tilespmem:v61+s22+$0x0], $0xffff  }
0x11f: {  	s0 =	sand.u32 $0x7F, s0;
	v5 =	vor.u32 s29, v1;
	v4 =	vld.idx.msk [tilespmem:v62+s22+$0x0], $0xffff  }
0x120: {  	v63 =	vor.u32 s0, v0;
	_ =	sdelay $0x2  }
0x121: {  	[tilespmem:v3+s8+$0x0] =	vst.idx.msk $0xffff, v2  }
0x122: {  	s16 =	simm.s32 $0xF200;
	s31 =	sor.u32 $0xF, s10;
	[tilespmem:v5+s8+$0x0] =	vst.idx.msk $0xffff, v4  }
0x123: {  	v2 =	vor.u32 s0, v1;
	v5 =	vor.u32 s31, v0;
	v4 =	vld.idx.msk [tilespmem:v63+s16+$0x0], $0xffff;
	_ =	sdelay $0x3  }
0x124: {  	s5 =	simm.s32 $0x0;
	s14 =	simm.s32 $0xB200  }
0x125: {  	s4 =	simm.s32 $0x2;
	s6 =	simm.s32 $0x0;
	s7 =	simm.s32 $0x0;
	v3 =	vor.u32 s31, v1;
	v2 =	vld.idx.msk [tilespmem:v2+s16+$0x0], $0xffff;
	[tilespmem:v5+s8+$0x0] =	vst.idx.msk $0xffff, v4  }
.LBB2_2:
0x126: {  	_ =	sdelay $0x3  }
0x127: {  	s6 =	sadd.s32 $0x10, s6;
	[tilespmem:v3+s8+$0x0] =	vst.idx.msk $0xffff, v2  }
0x128: {  	v2 =	vld [tilespmem:s6+$0x0];
	_ =	sdelay $0x4  }
0x129: {  	v3 =	vsel vm8, $0x0, v2  }
0x12a: {  	v4 =	vsel vm9, $0x0, v2;
	(xrf0) =	vadd.scan.msk.s32 $0xffff, v3  }
0x12b: {  	v5 =	vsel vm10, $0x0, v2;
	(xrf0) =	vadd.scan.msk.s32 $0xffff, v4  }
0x12c: {  	v6 =	vsel vm11, $0x0, v2;
	(xrf0) =	vadd.scan.msk.s32 $0xffff, v5  }
0x12d: {  	v7 =	vsel vm12, $0x0, v2;
	(xrf0) =	vadd.scan.msk.s32 $0xffff, v6  }
0x12e: {  	v8 =	vsel vm13, $0x0, v2;
	(xrf0) =	vadd.scan.msk.s32 $0xffff, v7  }
0x12f: {  	v9 =	vsel vm14, $0x0, v2;
	v3 =	vnsel vm6, $0x0, v2;
	(xrf0) =	vadd.scan.msk.s32 $0xffff, v8  }
0x130: {  	v10 =	vsel vm15, $0x0, v2;
	v27, _, _ =	vpop (xrf0);
	(xrf0) =	vadd.scan.msk.s32 $0xffff, v9  }
0x131: {  	(v2sf) =	vpush v27, $0xF;
	v28, _, _ =	vpop (xrf0);
	(xrf0) =	vadd.scan.msk.s32 $0xffff, v10  }
0x132: {  	(xrf0) =	vadd.scan.msk.s32 $0xffff, v3;
	(v2sf) =	vpush v28, $0xF;
	v3, _, _ =	vpop (xrf0)  }
0x133: {  	v4 =	vsel vm7, $0x0, v2;
	(v2sf) =	vpush v3, $0xF  }
0x134: {  	v3, _, _ =	vpop (xrf0)  }
0x135: {  	(v2sf) =	vpush v3, $0xF  }
0x136: {  	(xrf0) =	vadd.scan.msk.s32 $0xffff, v4;
	v4, _, _ =	vpop (xrf0)  }
0x137: {  	v11 =	vsel vm0, $0x0, v2;
	v5 =	vsel vm2, $0x0, v2;
	(v2sf) =	vpush v4, $0xF  }
0x138: {  	v12 =	vsel vm1, $0x0, v2;
	(xrf0) =	vadd.scan.msk.s32 $0xffff, v11;
	v3, _, _ =	vpop (xrf0)  }
0x139: {  	(xrf0) =	vadd.scan.msk.s32 $0xffff, v12;
	(v2sf) =	vpush v3, $0xF  }
0x13a: {  	(xrf0) =	vadd.scan.msk.s32 $0xffff, v5;
	v5, _, _ =	vpop (xrf0)  }
0x13b: {  	(v2sf) =	vpush v5, $0xF  }
0x13c: {  	v4, _, _ =	vpop (xrf0)  }
0x13d: {  	(v2sf) =	vpush v4, $0xF  }
0x13e: {  	v29, _, _ =	vpop (xrf0)  }
0x13f: {  	s0 =	smov.u32 s4;
	s17 =	simm.s32 $0x400;
	v13 =	vsel vm3, $0x0, v2;
	(v2sf) =	vpush v29, $0xF  }
0x140: {  	s31 =	simm.s32 $0xF200;
	[dreg:$0xa] =	wrdreg s0;
	v14 =	vsel vm4, $0x0, v2;
	v2 =	vsel vm5, $0x0, v2;
	(xrf0) =	vadd.scan.msk.s32 $0xffff, v13;
	v30, _, _ =	vpop (xrf0);
	s8 =	spop (v2sf)  }
0x141: {  	(xrf0) =	vadd.scan.msk.s32 $0xffff, v14;
	(v2sf) =	vpush v30, $0xF;
	s2 =	sand.u32 $0xFFFFF80, s8;
	s0 =	sand.u32 $0x7F, s8;
	s1 =	spop (v2sf)  }
0x142: {  	(xrf0) =	vadd.scan.msk.s32 $0xffff, v2;
	s3 =	sadd.s32 s20, s2;
	s10 =	sand.u32 $0xFFFFF80, s1;
	s2 =	spop (v2sf)  }
0x143: {  	v2, _, _ =	vpop (xrf0);
	[tilespmem:s9], [sflag:$0x2] =	stream.strided.gather [hbm4b:s3+s17], $0x1000, s25, s17, $0x38;
	[tilespmem:$0x14200] =	vst v63  }
0x144: {  	v3, _, _ =	vpop (xrf0);
	(v2sf) =	vpush v2, $0xF;
	s8 =	sadd.s32 s20, s10;
	s11 =	sand.u32 $0xFFFFF80, s2;
	s3 =	spop (v2sf)  }
0x145: {  	v5, _, _ =	vpop (xrf0);
	(v2sf) =	vpush v3, $0xF;
	[tilespmem:s24], [sflag:$0x2] =	stream.strided.gather [hbm4b:s8+s17], $0x1000, s25, s17, $0x38;
	[tilespmem:$0x14200] =	vst v63  }
0x146: {  	(v2sf) =	vpush v5, $0xF;
	s12 =	sadd.s32 s20, s11;
	s15 =	sand.u32 $0xFFFFF80, s3;
	s10 =	spop (v2sf)  }
0x147: {  	v31, _, _ =	vpop (xrf0);
	[tilespmem:s13], [sflag:$0x2] =	stream.strided.gather [hbm4b:s12+s17], $0x1000, s25, s17, $0x38;
	[tilespmem:$0x14200] =	vst v63  }
0x148: {  	v4, _, _ =	vpop (xrf0);
	(v2sf) =	vpush v31, $0xF;
	s16 =	sadd.s32 s20, s15;
	s19 =	sand.u32 $0xFFFFF80, s10;
	s15 =	spop (v2sf)  }
0x149: {  	v32, _, _ =	vpop (xrf0);
	(v2sf) =	vpush v4, $0xF;
	[tilespmem:s14], [sflag:$0x2] =	stream.strided.gather [hbm4b:s16+s17], $0x1000, s25, s17, $0x38;
	[tilespmem:$0x14200] =	vst v63  }
0x14a: {  	s24 =	sadd.s32 s20, s19;
	s26 =	sand.u32 $0xFFFFF80, s15;
	(v2sf) =	vpush v32, $0xF;
	s16 =	spop (v2sf)  }
0x14b: {  	[tilespmem:s23], [sflag:$0x2] =	stream.strided.gather [hbm4b:s24+s17], $0x1000, s25, s17, $0x38;
	[tilespmem:$0x14200] =	vst v63  }
0x14c: {  	s12 =	sadd.s32 s20, s26;
	s13 =	sand.u32 $0xFFFFF80, s16;
	s19 =	spop (v2sf)  }
0x14d: {  	[tilespmem:s21], [sflag:$0x2] =	stream.strided.gather [hbm4b:s12+s17], $0x1000, s25, s17, $0x38;
	[tilespmem:$0x14200] =	vst v63  }
0x14e: {  	s14 =	sadd.s32 s20, s13;
	s11 =	spop (v2sf);
	s21 =	sand.u32 $0xFFFFF80, s19  }
0x14f: {  	[tilespmem:s22], [sflag:$0x2] =	stream.strided.gather [hbm4b:s14+s17], $0x1000, s25, s17, $0x38;
	[tilespmem:$0x14200] =	vst v63  }
0x150: {  	[dreg:$0x6] =	wrdreg s0;
	s23 =	sadd.s32 s20, s21;
	s24 =	spop (v2sf)  }
0x151: {  	[tilespmem:s31], [sflag:$0x2] =	stream.strided.gather [hbm4b:s23+s17], $0x1000, s25, s17, $0x38;
	[tilespmem:$0x14200] =	vst v63  }
0x152: {  	_ =	swait.ge [sflag:s30], $0x1000  }
0x153: {  	s26 =	spop (v2sf)  }
0x154: {  	[sflag:s30] =	ssyncset.done $0x0;
	s31 =	spop (v2sf)  }
0x155: {  	[sflag:s30] =	ssyncadd.s32 $0xFFFFF000;
	s0 =	spop (v2sf)  }
0x156: {  	_ =	swait.ge [sflag:s30], $0x1000  }
0x157: {  	s12 =	spop (v2sf)  }
0x158: {  	[sflag:s30] =	ssyncset.done $0x0;
	s21 =	spop (v2sf)  }
0x159: {  	s13 =	sand.u32 $0x7F, s1;
	[sflag:s30] =	ssyncadd.s32 $0xFFFFF000;
	s22 =	spop (v2sf)  }
0x15a: {  	s8 =	sand.u32 $0x7F, s24;
	s23 =	sand.u32 $0x7F, s2;
	_ =	swait.ge [sflag:s30], $0x1000  }
0x15b: {  	s24 =	sand.u32 $0x7F, s15;
	[dreg:$0x9] =	wrdreg s23;
	[sflag:s30] =	ssyncset.done $0x0  }
0x15c: {  	s14 =	smov.u32 s20;
	[dreg:$0x7] =	wrdreg s24;
	[sflag:s30] =	ssyncadd.s32 $0xFFFFF000  }
0x15d: {  	s20 =	sand.u32 $0x7F, s31;
	s31 =	sand.u32 $0x7F, s16;
	_ =	swait.ge [sflag:s30], $0x1000  }
0x15e: {  	s1 =	sand.u32 $0x7F, s19;
	[dreg:$0x5] =	wrdreg s31;
	[sflag:s30] =	ssyncset.done $0x0  }
0x15f: {  	[dreg:$0x4] =	wrdreg s1;
	[sflag:s30] =	ssyncadd.s32 $0xFFFFF000  }
0x160: {  	_ =	swait.ge [sflag:s30], $0x1000  }
0x161: {  	[sflag:s30] =	ssyncset.done $0x0  }
0x162: {  	[sflag:s30] =	ssyncadd.s32 $0xFFFFF000  }
0x163: {  	_ =	swait.ge [sflag:s30], $0x1000  }
0x164: {  	[sflag:s30] =	ssyncset.done $0x0  }
0x165: {  	[sflag:s30] =	ssyncadd.s32 $0xFFFFF000  }
0x166: {  	s11 =	sand.u32 $0x7F, s11;
	_ =	swait.ge [sflag:s30], $0x1000  }
0x167: {  	v2 =	vor.u32 s11, v0;
	[sflag:s30] =	ssyncset.done $0x0  }
0x168: {  	v3 =	vor.u32 s11, v1;
	[sflag:s30] =	ssyncadd.s32 $0xFFFFF000  }
0x169: {  	_ =	swait.ge [sflag:s30], $0x1000  }
0x16a: {  	s7 =	sadd.s32 $0x10, s7;
	[sflag:s30] =	ssyncset.done $0x0  }
0x16b: {  	s11 =	sand.u32 $0x70, s7;
	s2 =	simm.s32 $0x200;
	[sflag:s30] =	ssyncadd.s32 $0xFFFFF000  }
0x16c: {  	v4 =	vor.u32 s11, v0;
	v2 =	vld.idx.msk [tilespmem:v2+s2+$0x0], $0xffff  }
0x16d: {  	v5 =	vor.u32 s11, v1;
	v3 =	vld.idx.msk [tilespmem:v3+s2+$0x0], $0xffff  }
0x16e: {  	s5 =	sadd.s32 $0x200, s5;
	v33 =	vor.u32 s8, v0  }
0x16f: {  	v34 =	vor.u32 s8, v1;
	s8 =	sor.u32 $0xF, s11;
	s31 =	sand.u32 $0x3000, s5  }
0x170: {  	[dreg:$0x8] =	wrdreg s8;
	s8 =	sor.u32 $0x10200, s31  }
0x171: {  	[tilespmem:v4+s8+$0x0] =	vst.idx.msk $0xffff, v2  }
0x172: {  	s31 =	sor.u32 $0x1, s11;
	s2 =	simm.s32 $0x1200;
	[tilespmem:v5+s8+$0x0] =	vst.idx.msk $0xffff, v3  }
0x173: {  	v4 =	vor.u32 s31, v0;
	v2 =	vld.idx.msk [tilespmem:v33+s2+$0x0], $0xffff  }
0x174: {  	s9 =	sand.u32 $0x7F, s26;
	v5 =	vor.u32 s31, v1;
	v3 =	vld.idx.msk [tilespmem:v34+s2+$0x0], $0xffff  }
0x175: {  	v35 =	vor.u32 s9, v0  }
0x176: {  	v36 =	vor.u32 s9, v1;
	_ =	sdelay $0x1  }
0x177: {  	[tilespmem:v4+s8+$0x0] =	vst.idx.msk $0xffff, v2  }
0x178: {  	s28 =	sand.u32 $0x7F, s12;
	s12 =	sor.u32 $0x2, s11;
	s31 =	simm.s32 $0x2200;
	[tilespmem:v5+s8+$0x0] =	vst.idx.msk $0xffff, v3  }
0x179: {  	v4 =	vor.u32 s12, v0;
	v2 =	vld.idx.msk [tilespmem:v35+s31+$0x0], $0xffff  }
0x17a: {  	v5 =	vor.u32 s12, v1;
	v3 =	vld.idx.msk [tilespmem:v36+s31+$0x0], $0xffff  }
0x17b: {  	v37 =	vor.u32 s20, v0  }
0x17c: {  	v38 =	vor.u32 s20, v1;
	_ =	sdelay $0x1  }
0x17d: {  	[tilespmem:v4+s8+$0x0] =	vst.idx.msk $0xffff, v2  }
0x17e: {  	s29 =	sand.u32 $0x7F, s0;
	s0 =	sor.u32 $0x3, s11;
	s12 =	simm.s32 $0x3200;
	[tilespmem:v5+s8+$0x0] =	vst.idx.msk $0xffff, v3  }
0x17f: {  	v4 =	vor.u32 s0, v0;
	v2 =	vld.idx.msk [tilespmem:v37+s12+$0x0], $0xffff  }
0x180: {  	v5 =	vor.u32 s0, v1;
	v3 =	vld.idx.msk [tilespmem:v38+s12+$0x0], $0xffff  }
0x181: {  	v39 =	vor.u32 s29, v0  }
0x182: {  	v40 =	vor.u32 s29, v1;
	_ =	sdelay $0x1  }
0x183: {  	[tilespmem:v4+s8+$0x0] =	vst.idx.msk $0xffff, v2  }
0x184: {  	s9 =	sor.u32 $0x4, s11;
	s29 =	simm.s32 $0x4200;
	[tilespmem:v5+s8+$0x0] =	vst.idx.msk $0xffff, v3  }
0x185: {  	v4 =	vor.u32 s9, v0;
	v2 =	vld.idx.msk [tilespmem:v39+s29+$0x0], $0xffff  }
0x186: {  	v5 =	vor.u32 s9, v1;
	v3 =	vld.idx.msk [tilespmem:v40+s29+$0x0], $0xffff  }
0x187: {  	v41 =	vor.u32 s28, v0  }
0x188: {  	v42 =	vor.u32 s28, v1;
	_ =	sdelay $0x1  }
0x189: {  	[tilespmem:v4+s8+$0x0] =	vst.idx.msk $0xffff, v2  }
0x18a: {  	s28 =	simm.s32 $0x5200;
	s9 =	sor.u32 $0x5, s11;
	[tilespmem:v5+s8+$0x0] =	vst.idx.msk $0xffff, v3  }
0x18b: {  	v4 =	vor.u32 s9, v0;
	v2 =	vld.idx.msk [tilespmem:v41+s28+$0x0], $0xffff  }
0x18c: {  	s26 =	sand.u32 $0x7F, s21;
	v5 =	vor.u32 s9, v1;
	v3 =	vld.idx.msk [tilespmem:v42+s28+$0x0], $0xffff  }
0x18d: {  	v43 =	vor.u32 s26, v0  }
0x18e: {  	v44 =	vor.u32 s26, v1;
	_ =	sdelay $0x1  }
0x18f: {  	[tilespmem:v4+s8+$0x0] =	vst.idx.msk $0xffff, v2  }
0x190: {  	s26 =	simm.s32 $0x6200;
	s9 =	sor.u32 $0x6, s11;
	[tilespmem:v5+s8+$0x0] =	vst.idx.msk $0xffff, v3  }
0x191: {  	v4 =	vor.u32 s9, v0;
	v2 =	vld.idx.msk [tilespmem:v43+s26+$0x0], $0xffff  }
0x192: {  	s25 =	sand.u32 $0x7F, s22;
	v5 =	vor.u32 s9, v1;
	v3 =	vld.idx.msk [tilespmem:v44+s26+$0x0], $0xffff  }
0x193: {  	v45 =	vor.u32 s25, v0  }
0x194: {  	v46 =	vor.u32 s25, v1  }
0x195: {  	s19 =	sor.u32 $0xC, s11;
	s15 =	sor.u32 $0xE, s11;
	s16 =	sor.u32 $0xD, s11  }
0x196: {  	s21 =	sor.u32 $0xB, s11;
	s24 =	sor.u32 $0x8, s11;
	s23 =	sor.u32 $0x9, s11;
	[tilespmem:v4+s8+$0x0] =	vst.idx.msk $0xffff, v2  }
0x197: {  	s22 =	sor.u32 $0xA, s11;
	s1 =	sor.u32 $0x7, s11;
	s11 =	simm.s32 $0x7200;
	[tilespmem:v5+s8+$0x0] =	vst.idx.msk $0xffff, v3  }
0x198: {  	v4 =	vor.u32 s1, v0;
	v2 =	vld.idx.msk [tilespmem:v45+s11+$0x0], $0xffff  }
0x199: {  	v5 =	vor.u32 s1, v1;
	v3 =	vld.idx.msk [tilespmem:v46+s11+$0x0], $0xffff;
	_ =	sdelay $0x2  }
0x19a: {  	s9 =	rddreg [dreg:$0xa]  }
0x19b: {  	s0 =	smin.u32 s9, $0x1F;
	[tilespmem:v4+s8+$0x0] =	vst.idx.msk $0xffff, v2  }
0x19c: {  	s0 =	sshll.u32 s0, $0x4;
	[tilespmem:v5+s8+$0x0] =	vst.idx.msk $0xffff, v3  }
0x19d: {  	v2 =	vld [tilespmem:s0+$0x0];
	_ =	sdelay $0x4  }
0x19e: {  	v4 =	vnsel vm6, $0x0, v2  }
0x19f: {  	(xrf0) =	vadd.scan.msk.s32 $0xffff, v4  }
0x1a0: {  	v5 =	vsel vm7, $0x0, v2  }
0x1a1: {  	v3 =	vsel vm0, $0x0, v2;
	(xrf0) =	vadd.scan.msk.s32 $0xffff, v5  }
0x1a2: {  	v47 =	vsel vm1, $0x0, v2;
	(xrf0) =	vadd.scan.msk.s32 $0xffff, v3  }
0x1a3: {  	v48 =	vsel vm2, $0x0, v2;
	(xrf0) =	vadd.scan.msk.s32 $0xffff, v47  }
0x1a4: {  	v49 =	vsel vm3, $0x0, v2;
	v4 =	vsel vm4, $0x0, v2;
	v2 =	vsel vm5, $0x0, v2;
	(xrf0) =	vadd.scan.msk.s32 $0xffff, v48  }
0x1a5: {  	(xrf0) =	vadd.scan.msk.s32 $0xffff, v49;
	v3, _, _ =	vpop (xrf0)  }
0x1a6: {  	(xrf0) =	vadd.scan.msk.s32 $0xffff, v4;
	(v2sf) =	vpush v3, $0xF  }
0x1a7: {  	(xrf0) =	vadd.scan.msk.s32 $0xffff, v2;
	v2, _, _ =	vpop (xrf0)  }
0x1a8: {  	v3, _, _ =	vpop (xrf0);
	(v2sf) =	vpush v2, $0xF  }
0x1a9: {  	(v2sf) =	vpush v3, $0xF  }
0x1aa: {  	v2, _, _ =	vpop (xrf0)  }
0x1ab: {  	(v2sf) =	vpush v2, $0xF  }
0x1ac: {  	v3, _, _ =	vpop (xrf0)  }
0x1ad: {  	(v2sf) =	vpush v3, $0xF  }
0x1ae: {  	v2, _, _ =	vpop (xrf0)  }
0x1af: {  	(v2sf) =	vpush v2, $0xF  }
0x1b0: {  	v4, _, _ =	vpop (xrf0)  }
0x1b1: {  	(v2sf) =	vpush v4, $0xF  }
0x1b2: {  	v3, _, _ =	vpop (xrf0)  }
0x1b3: {  	(v2sf) =	vpush v3, $0xF;
	_ =	sdelay $0x1  }
0x1b4: {  	s1 =	spop (v2sf)  }
0x1b5: {  	s20 =	smov.u32 s14;
	s0 =	sand.u32 $0xFFFFF80, s1  }
0x1b6: {  	s25 =	simm.s32 $0x7A1400;
	s9 =	spop (v2sf);
	s0 =	sadd.s32 s14, s0  }
0x1b7: {  	s1 =	sand.u32 $0xFFFFF80, s9;
	s9 =	spop (v2sf);
	s14 =	simm.s32 $0x200  }
0x1b8: {  	[tilespmem:s14], [sflag:$0x1] =	stream.strided.gather [hbm4b:s0+s17], $0x1000, s25, s17, $0x38;
	[tilespmem:$0x14200] =	vst v63  }
0x1b9: {  	s1 =	sadd.s32 s20, s1;
	s9 =	sand.u32 $0xFFFFF80, s9;
	s14 =	spop (v2sf)  }
0x1ba: {  	[tilespmem:s2], [sflag:$0x1] =	stream.strided.gather [hbm4b:s1+s17], $0x1000, s25, s17, $0x38;
	[tilespmem:$0x14200] =	vst v63  }
0x1bb: {  	s2 =	sadd.s32 s20, s9;
	s9 =	sand.u32 $0xFFFFF80, s14;
	s14 =	spop (v2sf)  }
0x1bc: {  	[tilespmem:s31], [sflag:$0x1] =	stream.strided.gather [hbm4b:s2+s17], $0x1000, s25, s17, $0x38;
	[tilespmem:$0x14200] =	vst v63  }
0x1bd: {  	s14 =	sand.u32 $0xFFFFF80, s14;
	s2 =	sadd.s32 s20, s9;
	s31 =	spop (v2sf)  }
0x1be: {  	[tilespmem:s12], [sflag:$0x1] =	stream.strided.gather [hbm4b:s2+s17], $0x1000, s25, s17, $0x38;
	[tilespmem:$0x14200] =	vst v63  }
0x1bf: {  	s2 =	sadd.s32 s20, s14;
	s14 =	sand.u32 $0xFFFFF80, s31;
	s31 =	spop (v2sf)  }
0x1c0: {  	[tilespmem:s29], [sflag:$0x1] =	stream.strided.gather [hbm4b:s2+s17], $0x1000, s25, s17, $0x38;
	[tilespmem:$0x14200] =	vst v63  }
0x1c1: {  	s2 =	sadd.s32 s20, s14;
	s14 =	sand.u32 $0xFFFFF80, s31;
	s31 =	spop (v2sf)  }
0x1c2: {  	[tilespmem:s28], [sflag:$0x1] =	stream.strided.gather [hbm4b:s2+s17], $0x1000, s25, s17, $0x38;
	[tilespmem:$0x14200] =	vst v63  }
0x1c3: {  	s2 =	sadd.s32 s20, s14;
	s14 =	sand.u32 $0xFFFFF80, s31  }
0x1c4: {  	[tilespmem:s26], [sflag:$0x1] =	stream.strided.gather [hbm4b:s2+s17], $0x1000, s25, s17, $0x38;
	[tilespmem:$0x14200] =	vst v63  }
0x1c5: {  	s31 =	sadd.s32 s20, s14  }
0x1c6: {  	[tilespmem:s11], [sflag:$0x1] =	stream.strided.gather [hbm4b:s31+s17], $0x1000, s25, s17, $0x38;
	[tilespmem:$0x14200] =	vst v63  }
0x1c7: {  	_ =	swait.ge [sflag:s18], $0x1000  }
0x1c8: {  	[sflag:s18] =	ssyncset.done $0x0  }
0x1c9: {  	[sflag:s18] =	ssyncadd.s32 $0xFFFFF000  }
0x1ca: {  	_ =	swait.ge [sflag:s18], $0x1000  }
0x1cb: {  	[sflag:s18] =	ssyncset.done $0x0  }
0x1cc: {  	[sflag:s18] =	ssyncadd.s32 $0xFFFFF000  }
0x1cd: {  	_ =	swait.ge [sflag:s18], $0x1000  }
0x1ce: {  	[sflag:s18] =	ssyncset.done $0x0  }
0x1cf: {  	[sflag:s18] =	ssyncadd.s32 $0xFFFFF000  }
0x1d0: {  	_ =	swait.ge [sflag:s18], $0x1000  }
0x1d1: {  	[sflag:s18] =	ssyncset.done $0x0  }
0x1d2: {  	[sflag:s18] =	ssyncadd.s32 $0xFFFFF000  }
0x1d3: {  	_ =	swait.ge [sflag:s18], $0x1000  }
0x1d4: {  	[sflag:s18] =	ssyncset.done $0x0  }
0x1d5: {  	[sflag:s18] =	ssyncadd.s32 $0xFFFFF000  }
0x1d6: {  	_ =	swait.ge [sflag:s18], $0x1000  }
0x1d7: {  	[sflag:s18] =	ssyncset.done $0x0  }
0x1d8: {  	[sflag:s18] =	ssyncadd.s32 $0xFFFFF000  }
0x1d9: {  	_ =	swait.ge [sflag:s18], $0x1000  }
0x1da: {  	s1 =	rddreg [dreg:$0x6]  }
0x1db: {  	[sflag:s18] =	ssyncset.done $0x0;
	v2 =	vor.u32 s1, v0  }
0x1dc: {  	[sflag:s18] =	ssyncadd.s32 $0xFFFFF000;
	v3 =	vor.u32 s1, v1  }
0x1dd: {  	_ =	swait.ge [sflag:s18], $0x1000  }
0x1de: {  	[sflag:s18] =	ssyncset.done $0x0  }
0x1df: {  	s9 =	simm.s32 $0x8200;
	[sflag:s18] =	ssyncadd.s32 $0xFFFFF000  }
0x1e0: {  	v4 =	vor.u32 s24, v0;
	v2 =	vld.idx.msk [tilespmem:v2+s9+$0x0], $0xffff  }
0x1e1: {  	v5 =	vor.u32 s24, v1;
	v3 =	vld.idx.msk [tilespmem:v3+s9+$0x0], $0xffff  }
0x1e2: {  	v50 =	vor.u32 s13, v0  }
0x1e3: {  	v51 =	vor.u32 s13, v1;
	_ =	sdelay $0x1  }
0x1e4: {  	[tilespmem:v4+s8+$0x0] =	vst.idx.msk $0xffff, v2  }
0x1e5: {  	s24 =	simm.s32 $0x9200;
	[tilespmem:v5+s8+$0x0] =	vst.idx.msk $0xffff, v3  }
0x1e6: {  	v4 =	vor.u32 s23, v0;
	v2 =	vld.idx.msk [tilespmem:v50+s24+$0x0], $0xffff  }
0x1e7: {  	s2 =	rddreg [dreg:$0x9];
	v5 =	vor.u32 s23, v1;
	v3 =	vld.idx.msk [tilespmem:v51+s24+$0x0], $0xffff  }
0x1e8: {  	v52 =	vor.u32 s2, v0  }
0x1e9: {  	v53 =	vor.u32 s2, v1;
	_ =	sdelay $0x1  }
0x1ea: {  	[tilespmem:v4+s8+$0x0] =	vst.idx.msk $0xffff, v2  }
0x1eb: {  	s13 =	simm.s32 $0xA200;
	[tilespmem:v5+s8+$0x0] =	vst.idx.msk $0xffff, v3  }
0x1ec: {  	v4 =	vor.u32 s22, v0;
	v2 =	vld.idx.msk [tilespmem:v52+s13+$0x0], $0xffff  }
0x1ed: {  	s3 =	sand.u32 $0x7F, s3;
	v5 =	vor.u32 s22, v1;
	v3 =	vld.idx.msk [tilespmem:v53+s13+$0x0], $0xffff  }
0x1ee: {  	v54 =	vor.u32 s3, v0  }
0x1ef: {  	v55 =	vor.u32 s3, v1;
	_ =	sdelay $0x1  }
0x1f0: {  	[tilespmem:v4+s8+$0x0] =	vst.idx.msk $0xffff, v2  }
0x1f1: {  	s3 =	simm.s32 $0xB200;
	[tilespmem:v5+s8+$0x0] =	vst.idx.msk $0xffff, v3  }
0x1f2: {  	v4 =	vor.u32 s21, v0;
	v2 =	vld.idx.msk [tilespmem:v54+s3+$0x0], $0xffff  }
0x1f3: {  	s10 =	sand.u32 $0x7F, s10;
	v5 =	vor.u32 s21, v1;
	v3 =	vld.idx.msk [tilespmem:v55+s3+$0x0], $0xffff  }
0x1f4: {  	v56 =	vor.u32 s10, v0  }
0x1f5: {  	v57 =	vor.u32 s10, v1;
	_ =	sdelay $0x1  }
0x1f6: {  	[tilespmem:v4+s8+$0x0] =	vst.idx.msk $0xffff, v2  }
0x1f7: {  	s23 =	simm.s32 $0xC200;
	[tilespmem:v5+s8+$0x0] =	vst.idx.msk $0xffff, v3  }
0x1f8: {  	v4 =	vor.u32 s19, v0;
	v2 =	vld.idx.msk [tilespmem:v56+s23+$0x0], $0xffff  }
0x1f9: {  	s10 =	rddreg [dreg:$0x7];
	v5 =	vor.u32 s19, v1;
	v3 =	vld.idx.msk [tilespmem:v57+s23+$0x0], $0xffff  }
0x1fa: {  	v58 =	vor.u32 s10, v0  }
0x1fb: {  	v59 =	vor.u32 s10, v1;
	_ =	sdelay $0x1  }
0x1fc: {  	[tilespmem:v4+s8+$0x0] =	vst.idx.msk $0xffff, v2  }
0x1fd: {  	s21 =	simm.s32 $0xD200;
	[tilespmem:v5+s8+$0x0] =	vst.idx.msk $0xffff, v3  }
0x1fe: {  	v4 =	vor.u32 s16, v0;
	v2 =	vld.idx.msk [tilespmem:v58+s21+$0x0], $0xffff  }
0x1ff: {  	s17 =	rddreg [dreg:$0x5];
	v5 =	vor.u32 s16, v1;
	v3 =	vld.idx.msk [tilespmem:v59+s21+$0x0], $0xffff  }
0x200: {  	v60 =	vor.u32 s17, v0  }
0x201: {  	v61 =	vor.u32 s17, v1;
	_ =	sdelay $0x1  }
0x202: {  	[tilespmem:v4+s8+$0x0] =	vst.idx.msk $0xffff, v2  }
0x203: {  	s22 =	simm.s32 $0xE200;
	[tilespmem:v5+s8+$0x0] =	vst.idx.msk $0xffff, v3  }
0x204: {  	v4 =	vor.u32 s15, v0;
	v2 =	vld.idx.msk [tilespmem:v60+s22+$0x0], $0xffff  }
0x205: {  	s19 =	rddreg [dreg:$0x4];
	v5 =	vor.u32 s15, v1;
	v3 =	vld.idx.msk [tilespmem:v61+s22+$0x0], $0xffff  }
0x206: {  	v62 =	vor.u32 s19, v0;
	_ =	sdelay $0x2  }
0x207: {  	[tilespmem:v4+s8+$0x0] =	vst.idx.msk $0xffff, v2  }
0x208: {  	s31 =	rddreg [dreg:$0x8];
	s16 =	simm.s32 $0xF200;
	[tilespmem:v5+s8+$0x0] =	vst.idx.msk $0xffff, v3  }
0x209: {  	p0 =	sne.s32 s4, $0x20;
	v63 =	vor.u32 s19, v1;
	v5 =	vor.u32 s31, v0;
	v4 =	vld.idx.msk [tilespmem:v62+s16+$0x0], $0xffff  }
.Ltmp0:
0x20a: {  	_ = 	snop;
	(pc) =	sbr.rel @p0 .LBB2_2-.Ltmp0, $2  }
0x20b: {  	_ =	sdelay $0x2  }
0x20c: {  	s4 =	sadd.s32 $0x1, s4;
	s14 =	simm.s32 $0xB200;
	v3 =	vor.u32 s31, v1;
	v2 =	vld.idx.msk [tilespmem:v63+s16+$0x0], $0xffff;
	[tilespmem:v5+s8+$0x0] =	vst.idx.msk $0xffff, v4  }
0x20d: {  	_ =	sdelay $0x3  }
0x20e: {  	[tilespmem:v3+s8+$0x0] =	vst.idx.msk $0xffff, v2  }
0x20f: {  	_ =	swait.ge [sflag:s30], $0x1000  }
0x210: {  	[sflag:s30] =	ssyncset.done $0x0  }
0x211: {  	[sflag:s30] =	ssyncadd.s32 $0xFFFFF000  }
0x212: {  	_ =	swait.ge [sflag:s30], $0x1000  }
0x213: {  	[sflag:s30] =	ssyncset.done $0x0  }
0x214: {  	[sflag:s30] =	ssyncadd.s32 $0xFFFFF000  }
0x215: {  	_ =	swait.ge [sflag:s30], $0x1000  }
0x216: {  	[sflag:s30] =	ssyncset.done $0x0  }
0x217: {  	[sflag:s30] =	ssyncadd.s32 $0xFFFFF000  }
0x218: {  	_ =	swait.ge [sflag:s30], $0x1000  }
0x219: {  	[sflag:s30] =	ssyncset.done $0x0  }
0x21a: {  	[sflag:s30] =	ssyncadd.s32 $0xFFFFF000  }
0x21b: {  	_ =	swait.ge [sflag:s30], $0x1000  }
0x21c: {  	[sflag:s30] =	ssyncset.done $0x0  }
0x21d: {  	[sflag:s30] =	ssyncadd.s32 $0xFFFFF000  }
0x21e: {  	_ =	swait.ge [sflag:s30], $0x1000  }
0x21f: {  	[sflag:s30] =	ssyncset.done $0x0  }
0x220: {  	[sflag:s30] =	ssyncadd.s32 $0xFFFFF000  }
0x221: {  	_ =	swait.ge [sflag:s30], $0x1000  }
0x222: {  	[sflag:s30] =	ssyncset.done $0x0  }
0x223: {  	[sflag:s30] =	ssyncadd.s32 $0xFFFFF000  }
0x224: {  	_ =	swait.ge [sflag:s30], $0x1000  }
0x225: {  	s2 =	simm.s32 $0x400;
	s3 =	simm.s32 $0x20000;
	[sflag:s30] =	ssyncset.done $0x0  }
0x226: {  	s1 =	simm.s32 $0x10200;
	s0 =	rddreg [dreg:$0xc];
	[sflag:s30] =	ssyncadd.s32 $0xFFFFF000  }
0x227: {  	[hbm4b:s0+s2] =	stream.strided.scatter [tilespmem:s1], [sflag:$0x3], $0x1000, s3, s2, $0x38;
	[tilespmem:$0x14200] =	vst v63  }
0x228: {  	s1 =	simm.s32 $0x3  }
0x229: {  	_ =	swait.ge [sflag:s1], $0x1000  }
0x22a: {  	[sflag:s1] =	ssyncset.done $0x0  }
0x22b: {  	s4 =	simm.s32 $0x11200;
	s10 =	rddreg [dreg:$0xd];
	[sflag:s1] =	ssyncadd.s32 $0xFFFFF000  }
0x22c: {  	[hbm4b:s10+s2] =	stream.strided.scatter [tilespmem:s4], [sflag:$0x3], $0x1000, s3, s2, $0x38;
	[tilespmem:$0x14200] =	vst v63  }
0x22d: {  	_ =	swait.ge [sflag:s1], $0x1000  }
0x22e: {  	[sflag:s1] =	ssyncset.done $0x0  }
0x22f: {  	s17 =	simm.s32 $0x12200;
	s15 =	rddreg [dreg:$0xe];
	[sflag:s1] =	ssyncadd.s32 $0xFFFFF000  }
0x230: {  	[hbm4b:s15+s2] =	stream.strided.scatter [tilespmem:s17], [sflag:$0x3], $0x1000, s3, s2, $0x38;
	[tilespmem:$0x14200] =	vst v63  }
0x231: {  	_ =	swait.ge [sflag:s1], $0x1000  }
0x232: {  	[sflag:s1] =	ssyncset.done $0x0  }
0x233: {  	s21 =	simm.s32 $0x13200;
	s19 =	rddreg [dreg:$0xf];
	[sflag:s1] =	ssyncadd.s32 $0xFFFFF000  }
0x234: {  	[hbm4b:s19+s2] =	stream.strided.scatter [tilespmem:s21], [sflag:$0x3], $0x1000, s3, s2, $0x38;
	[tilespmem:$0x14200] =	vst v63  }
0x235: {  	_ =	swait.ge [sflag:s1], $0x1000  }
0x236: {  	s22 =	rddreg [dreg:$0x11]  }
0x237: {  	s31 =	rddreg [dreg:$0x10];
	s2 =	sadd.s32 $0x1, s22  }
0x238: {  	p0 =	sne.s32 s2, s31  }
.Ltmp1:
0x239: {  	_ = 	snop;
	(pc) =	sbr.rel @p0 .LBB2_1-.Ltmp1, $3  }
0x23a: {  	_ =	sdelay $0x1  }
0x23b: {  	[sflag:s1] =	ssyncset.done $0x0  }
0x23c: {  	s21 =	simm.s32 $0x1200;
	[sflag:s1] =	ssyncadd.s32 $0xFFFFF000;
	s22 =	simm.s32 $0x2200  }
0x23d: {  	_ =	sfence.sel $0x180000  }
0x23e: {  	[bflag:$0x0] =	sbarrier.arrive $0xFFFF  }
0x23f: {  	_ =	strace $0x90000047  }
0x240: {  	s0 =	stileid.u32;
	[bflag:$0x2] =	sbarrier.arrive $0xFFFF  }
0x241: {  	p0 =	sne.s32 s0, $0x0;
	s0 =	rddreg [dreg:$0x3]  }
0x242: {  	s0 =	sadd.s32 @!p0 $0x100000, s0  }
0x243: {  	[sflag:s0] =	ssyncadd.tile.s32 @!p0 $0x1;
	_ =	shalt  }
.Lfunc_end2:
_tile_overlayer_lowered:
.L_overlay_start_2:
0x244: {  	(tag) =	ssettag $0x2  }
0x245: {  	s0 =	rddreg [dreg:$0x0];
	s2 =	stileid.u32  }
0x246: {  	s1 =	rddreg [dreg:$0x1];
	p0 =	sne.s32 s2, $0x0  }
0x247: {  	s3 =	rddreg [dreg:$0x2];
	[bflag:$0x3] =	sbarrier.arrive $0xFFFF;
	s2 =	simm.s32 @!p0 $0x1C03  }
0x248: {  	[timem:s3], [sflag:s2] =	dma.local @!p0 [hbm:s0], s1  }
0x249: {  	s0 =	simm.s32 @!p0 $0x3  }
0x24a: {  	_ =	swait.ge @!p0 [sflag:s0], s1  }
0x24b: {  	s1 =	ssub.s32 @!p0 $0x0, s1;
	[sflag:s0] =	ssyncset.done @!p0 $0x0  }
0x24c: {  	[sflag:s0] =	ssyncadd.s32 @!p0 s1  }
0x24d: {  	[bflag:$0x3] =	sbarrier.arrive $0xFFFF  }
0x24e: {  	_ =	shalt  }

// kernel: kernel.8.cloned.1.call-start
scs
__scs_entry_jumppad:
0x0: {  	(pc) =	sbr.rel $0x88, $3  }
0x1: {  	(tag) =	ssettag $0x0;
	lr =	simm.s32 $0x1  }
0x2: {  	[smem:$0x3F97] =	sst lr;
	_ =	strace $0xD0000000  }
0x3: {  	_ = 	snop  }
0x4: {  	_ = 	snop  }
0x5: {  	_ = 	snop  }
0x6: {  	_ = 	snop  }
0x7: {  	_ = 	snop  }
__scs_overlays_trampoline_lowered:
0x8: {  	[smem:$0x3FA6] =	sst s0  }
0x9: {  	[smem:$0x3FA7] =	sst s1  }
0xa: {  	[smem:$0x3FA8] =	sst s2  }
0xb: {  	[smem:$0x3FA9] =	sst s3  }
0xc: {  	[smem:$0x3FAA] =	sst s4  }
0xd: {  	[smem:$0x3FAB] =	sst s5  }
0xe: {  	[smem:$0x3FAC] =	sst s6  }
0xf: {  	[smem:$0x3FAD] =	sst s7  }
0x10: {  	[smem:$0x3FAE] =	sst s8  }
0x11: {  	[smem:$0x3FAF] =	sst s9;
	s0 =	simm.s32 @!p0 $0x0  }
0x12: {  	s1 =	sld [smem:$0x3F95];
	s0 =	simm.s32 @p0 $0x1  }
0x13: {  	[smem:$0x3FB0] =	sst s0;
	s0 =	simm.s32 @!p1 $0x0  }
0x14: {  	s2 =	sld [smem:$0x3F94];
	s0 =	simm.s32 @p1 $0x1  }
0x15: {  	[smem:$0x3FB1] =	sst s0;
	s0 =	simm.s32 @!p2 $0x0  }
0x16: {  	s3 =	sld [smem:$0x3FDB];
	s0 =	simm.s32 @p2 $0x1  }
0x17: {  	s4 =	simm.s32 $0x1BF5;
	[smem:$0x3FB3] =	sst s0  }
0x18: {  	s0 =	sld [smem:$0x3F96];
	_ =	swait.ge [sflag:s4], $0x0  }
0x19: {  	s7 =	sld [smem:$0x3F97]  }
0x1a: {  	s8 =	sadd.s32 $0xFFFFE003, lr  }
0x1b: {  	s9 =	sadd.s32 $0xFFFFFEF7, lr;
	s5 =	simm.s32 $0xFFFFFFFF;
	p2 =	slt.u32 s8, $0xFFFFF086  }
0x1c: {  	p1 =	slt.u32 s9, $0xF7A;
	s5 =	simm.s32 @!p2 $0x0  }
0x1d: {  	s5 =	simm.s32 @p1 $0x1;
	p0 =	seq.s32 s7, s2  }
0x1e: {  	s7 =	smul.u32 @!p0 $0xF7A, s2;
	p2 =	seq.s32 @!p0 s5, $0x0  }
0x1f: {  	s9 =	smul.u32 $0xF7A, s1;
	s8 =	simm.s32 @!p0 $0x1BF5;
	p2 =	por !p2, p0  }
0x20: {  	[sflag:s8] =	ssyncset.s32 @!p0 $0xFFFFF086;
	s6 =	sadd.s32 @!p0 s3, s7;
	s7 =	simm.s32 @!p0 $0x108  }
0x21: {  	s3 =	sadd.s32 s3, s9;
	s6 =	sadd.s32 @!p0 $0x88, s6;
	s7 =	simm.s32 @p2 $0x1082  }
0x22: {  	[simem:s7], [sflag:s8] =	dma.local @!p0 [hbm:s6], $0xF7A  }
0x23: {  	s9 =	sor.u32 $0xD0000000, s2;
	s6 =	simm.s32 $0x108;
	_ =	swait.ge @!p0 [sflag:s8], $0x0  }
0x24: {  	s3 =	sadd.s32 $0x88, s3;
	s6 =	simm.s32 @!p1 $0x1082;
	[sflag:s4] =	ssyncset.s32 $0xFFFFF086  }
0x25: {  	[simem:s6], [sflag:s4] =	dma.local [hbm:s3], $0xF7A  }
0x26: {  	[smem:$0x3F97] =	sst s1;
	(tag) =	ssettag s2;
	_ =	strace s9  }
0x27: {  	s1 =	sld [smem:$0x3FA7]  }
0x28: {  	s2 =	sld [smem:$0x3FA8]  }
0x29: {  	s4 =	sld [smem:$0x3FAA]  }
0x2a: {  	p0 =	seq.s32 s5, $0x0;
	s5 =	sld [smem:$0x3FAB]  }
0x2b: {  	s6 =	sld [smem:$0x3FAC]  }
0x2c: {  	s7 =	sld [smem:$0x3FAD]  }
0x2d: {  	s3 =	simm.s32 $0x108;
	s8 =	sld [smem:$0x3FAE]  }
0x2e: {  	s3 =	simm.s32 @!p0 $0x1082;
	s9 =	sld [smem:$0x3FAF]  }
0x2f: {  	lr =	sadd.s32 s0, s3;
	s0 =	sld [smem:$0x3FA6]  }
0x30: {  	s3 =	sld [smem:$0x3FA9]  }
0x31: {  	[smem:$0x3FB2] =	sst s10  }
0x32: {  	s10 =	sld [smem:$0x3FB0];
	_ =	sdelay $0x3  }
0x33: {  	p0 =	seq.s32 s10, $0x1;
	s10 =	sld [smem:$0x3FB2];
	_ =	sdelay $0x3  }
0x34: {  	[smem:$0x3FB2] =	sst s10  }
0x35: {  	s10 =	sld [smem:$0x3FB1];
	_ =	sdelay $0x3  }
0x36: {  	p1 =	seq.s32 s10, $0x1;
	s10 =	sld [smem:$0x3FB2];
	_ =	sdelay $0x3  }
0x37: {  	[smem:$0x3FB2] =	sst s10  }
0x38: {  	s10 =	sld [smem:$0x3FB3]  }
0x39: {  	_ = 	snop;
	(pc) =	sbr.ind lr, $3  }
0x3a: {  	_ = 	snop  }
0x3b: {  	_ = 	snop  }
0x3c: {  	p2 =	seq.s32 s10, $0x1;
	s10 =	sld [smem:$0x3FB2]  }
0x3d: {  	_ =	shalt  }
0x3e: {  	_ =	shalt  }
0x3f: {  	_ =	shalt  }
0x40: {  	_ =	shalt  }
0x41: {  	_ =	shalt  }
0x42: {  	_ =	shalt  }
0x43: {  	_ =	shalt  }
0x44: {  	_ =	shalt  }
0x45: {  	_ =	shalt  }
0x46: {  	_ =	shalt  }
0x47: {  	_ =	shalt  }
0x48: {  	_ =	shalt  }
0x49: {  	_ =	shalt  }
0x4a: {  	_ =	shalt  }
0x4b: {  	_ =	shalt  }
0x4c: {  	_ =	shalt  }
0x4d: {  	_ =	shalt  }
0x4e: {  	_ =	shalt  }
0x4f: {  	_ =	shalt  }
0x50: {  	_ =	shalt  }
0x51: {  	_ =	shalt  }
0x52: {  	_ =	shalt  }
0x53: {  	_ =	shalt  }
0x54: {  	_ =	shalt  }
0x55: {  	_ =	shalt  }
0x56: {  	_ =	shalt  }
0x57: {  	_ =	shalt  }
0x58: {  	_ =	shalt  }
0x59: {  	_ =	shalt  }
0x5a: {  	_ =	shalt  }
0x5b: {  	_ =	shalt  }
0x5c: {  	_ =	shalt  }
0x5d: {  	_ =	shalt  }
0x5e: {  	_ =	shalt  }
0x5f: {  	_ =	shalt  }
0x60: {  	_ =	shalt  }
0x61: {  	_ =	shalt  }
0x62: {  	_ =	shalt  }
0x63: {  	_ =	shalt  }
0x64: {  	_ =	shalt  }
0x65: {  	_ =	shalt  }
0x66: {  	_ =	shalt  }
0x67: {  	_ =	shalt  }
0x68: {  	_ =	shalt  }
0x69: {  	_ =	shalt  }
0x6a: {  	_ =	shalt  }
0x6b: {  	_ =	shalt  }
0x6c: {  	_ =	shalt  }
0x6d: {  	_ =	shalt  }
0x6e: {  	_ =	shalt  }
0x6f: {  	_ =	shalt  }
0x70: {  	_ =	shalt  }
0x71: {  	_ =	shalt  }
0x72: {  	_ =	shalt  }
0x73: {  	_ =	shalt  }
0x74: {  	_ =	shalt  }
0x75: {  	_ =	shalt  }
0x76: {  	_ =	shalt  }
0x77: {  	_ =	shalt  }
0x78: {  	_ =	shalt  }
0x79: {  	_ =	shalt  }
0x7a: {  	_ =	shalt  }
0x7b: {  	_ =	shalt  }
0x7c: {  	_ =	shalt  }
0x7d: {  	_ =	shalt  }
0x7e: {  	_ =	shalt  }
0x7f: {  	_ =	shalt  }
0x80: {  	_ =	shalt  }
0x81: {  	_ =	shalt  }
0x82: {  	_ =	shalt  }
0x83: {  	_ =	shalt  }
0x84: {  	_ =	shalt  }
0x85: {  	_ =	shalt  }
0x86: {  	_ =	shalt  }
0x87: {  	_ =	shalt  }
.Lfunc_end0:
.L_simem_size_0:
called_computation.1_lowered:
.L_overlay_start_0:
0x88: {  	s2 =	sld [smem:$0x3FD9]  }
0x89: {  	s3 =	sld [smem:$0x3FFE];
	_ =	sdelay $0x1  }
0x8a: {  	s1 =	srdreg.scid  }
0x8b: {  	s0 =	sand.u32 $0x1, s1  }
0x8c: {  	s17 =	sshll.u32 s0, $0xA;
	s2 =	sadd.s32 s3, s2  }
0x8d: {  	s2 =	sadd.s32 s2, s17  }
0x8e: {  	[smem:$0x3FBE] =	sst s2  }
0x8f: {  	_ = 	snop  }
0x90: {  	s2 =	sld [smem:$0x3FC9];
	(tm) =	ssettm $0x1  }
0x91: {  	s18 =	sld [smem:$0x3FFB];
	_ =	sdelay $0x3  }
0x92: {  	_ =	strace s18  }
0x93: {  	s3 =	sld [smem:$0x3FFC];
	_ =	sdelay $0x3  }
0x94: {  	_ =	strace s3  }
0x95: {  	s3 =	sld [smem:$0x3FFD];
	_ =	sdelay $0x3  }
0x96: {  	_ =	strace s3  }
0x97: {  	_ =	strace $0x8FFFFFFF  }
0x98: {  	s19 =	sld [smem:$0x3FDB];
	_ =	sdelay $0x1  }
0x99: {  	s4 =	simm.s32 $_scs_section_size  }
0x9a: {  	s5 =	simm.s32 $_size__tile_overlayer_lowered;
	s6 =	simm.s32 $_tile_overlayer_lowered  }
0x9b: {  	s22 =	simm.s32 $0x1BFF;
	s21 =	sshll.u32 s6, $0x1;
	s3 =	sadd.s32 s4, s19  }
0x9c: {  	s7 =	simm.s32 $0x0;
	s20 =	sshll.u32 s5, $0x1;
	s5 =	sadd.s32 s21, s3  }
0x9d: {  	[timem:s7], [sflag:s22] =	dma.local [hbm:s5], s20  }
0x9e: {  	_ =	swait.ge [sflag:s22], s20  }
0x9f: {  	s4 =	ssub.s32 $0x0, s20;
	[sflag:s22] =	ssyncset.done $0x0  }
0xa0: {  	[sflag:s22] =	ssyncadd.s32 s4;
	_ =	sdelay $0x1  }
0xa1: {  	s23 =	simm.s32 $0x1B8B  }
0xa2: {  	_ =	swait.ge [sflag:s23], $0x1  }
0xa3: {  	[sflag:s23] =	ssyncset.done $0x0  }
0xa4: {  	s25 =	simm.s32 $0x1B8E;
	s24 =	sld [smem:$0x3FFE];
	[sflag:s23] =	ssyncadd.s32 $0xFFFFFFFF  }
0xa5: {  	s26 =	simm.s32 $execute0_lowered;
	[smem:$0x3FD2] =	sst s25  }
0xa6: {  	s5 =	sshll.u32 s26, $0x1;
	_ =	strace $0x80000049;
	[dreg:$0x1] =	wrdreg $0xFFFFFFFF  }
0xa7: {  	s28 =	simm.s32 $_size_execute0_lowered;
	s3 =	sadd.s32 s3, s5;
	[dreg:$0x0] =	wrdreg $0x0  }
0xa8: {  	s5 =	sshll.u32 s28, $0x1;
	[dreg:$0x2] =	wrdreg s3  }
0xa9: {  	[dreg:$0x3] =	wrdreg s5  }
0xaa: {  	[dreg:$0x4] =	wrdreg $0xC0  }
0xab: {  	_ =	task [dreg:s7], $0x5FFFF  }
0xac: {  	[dreg:$0x1] =	wrdreg $0xFFFFFFFF  }
0xad: {  	[dreg:$0x0] =	wrdreg $0x60  }
0xae: {  	[dreg:$0x2] =	wrdreg s2  }
0xaf: {  	[dreg:$0x3] =	wrdreg s24  }
0xb0: {  	[dreg:$0x4] =	wrdreg $0x9  }
0xb1: {  	_ =	task.clear_ibuf [dreg:s7], $0x5FFFF;
	_ =	strace $0x90000049  }
0xb2: {  	s29 =	simm.s32 $0x9;
	_ =	strace $0x8000004B  }
0xb3: {  	_ =	swait.ge [sflag:s29], $0x1  }
0xb4: {  	[sflag:s29] =	ssyncadd.s32 $0xFFFFFFFF  }
0xb5: {  	_ =	strace $0x9000004B  }
0xb6: {  	_ =	sfence  }
0xb7: {  	s30 =	sld [smem:$0x0];
	_ =	sdelay $0x2  }
0xb8: {  	s31 =	sshll.u32 s1, $0xD;
	s1 =	sshrl.u32 s1, $0x2  }
0xb9: {  	s3 =	sand.u32 $0x4000, s31;
	s1 =	sadd.s32 s1, s30  }
0xba: {  	s0 =	sor.u32 s3, s0;
	s1 =	sshll.u32 s1, $0x11  }
0xbb: {  	s0 =	sor.u32 s1, s0  }
0xbc: {  	s0 =	sadd.s32 $0x8F2B, s0  }
0xbd: {  	[sflag:s0] =	ssyncadd.remote.s32 $0x1  }
0xbe: {  	_ =	sfence.sel $0xFFFF  }
0xbf: {  	[dreg:$0x0] =	wrdreg $0xFFFFFFFF;
	(pc) =	sbr.abs _section_cstart, $3  }
0xc0: {  	[dreg:$0x1] =	wrdreg $0xFFFFFFFF  }
0xc1: {  	_ =	task.clear_ibuf [dreg:s7], $0x2FFFF;
	_ =	strace $0x9FFFFFFF  }
0xc2: {  	(tm) =	ssettm $0x7FFFFFFF  }
0xc3: {  	_ =	shalt  }
tec
execute0_lowered:
.L_overlay_start_1:
0x0: {  	(tag) =	ssettag $0x1  }
0x1: {  	s1 =	srdreg.scid  }
0x2: {  	s3 =	rddreg [dreg:$0x0];
	s0 =	stileid.u32;
	s14 =	sand.u32 $0x1, s1  }
0x3: {  	s15 =	rddreg [dreg:$0x1];
	s4 =	sshll.u32 s0, $0xA;
	s5 =	sshll.u32 s14, $0x9  }
0x4: {  	s2 =	simm.s32 $0x0;
	s1 =	rddreg [dreg:$0x2];
	s16 =	sor.u32 s5, s4  }
0x5: {  	[smem:$0x7FF] =	sst s2;
	s4 =	sshrl.u32 s16, $0x3  }
0x6: {  	_ =	strace $0x8000004A;
	s4 =	sadd.s32 s3, s4;
	s3 =	simm.s32 $0x2  }
0x7: {  	[tilespmem:s2], [sflag:$0x2] =	stream.linear.gather [hbm4b:s4+s2], $0x200, $0x38;
	[tilespmem:$0x4200] =	vst v63  }
0x8: {  	_ =	swait.ge [sflag:s3], $0x200  }
0x9: {  	s6 =	simm.s32 $0x80;
	[sflag:s3] =	ssyncset.done $0x0  }
0xa: {  	s7 =	simm.s32 $0x200;
	s5 =	sadd.s32 $0x198400, s15;
	[sflag:s3] =	ssyncadd.s32 $0xFFFFFE00  }
0xb: {  	[tilespmem:s7], [sflag:$0x1] =	stream.indirect.gather [hbm4b:s5+s6], $0x20, s2, s6, $0xb8;
	[tilespmem:$0x4200] =	vst v63  }
0xc: {  	s8 =	simm.s32 $0x1200  }
0xd: {  	[tilespmem:s8], [sflag:$0x1] =	stream.indirect.gather [hbm4b:s5+s6], $0x20, s6, s6, $0xb8;
	[tilespmem:$0x4200] =	vst v63  }
0xe: {  	s9 =	simm.s32 $0x100;
	s10 =	simm.s32 $0x2200  }
0xf: {  	[tilespmem:s10], [sflag:$0x1] =	stream.indirect.gather [hbm4b:s5+s6], $0x20, s9, s6, $0xb8;
	[tilespmem:$0x4200] =	vst v63  }
0x10: {  	s11 =	simm.s32 $0x180;
	s12 =	simm.s32 $0x3200;
	s13 =	simm.s32 $0x1  }
0x11: {  	[tilespmem:s12], [sflag:$0x1] =	stream.indirect.gather [hbm4b:s5+s6], $0x20, s11, s6, $0xb8;
	[tilespmem:$0x4200] =	vst v63  }
0x12: {  	_ =	swait.ge [sflag:s13], $0x1000  }
0x13: {  	[sflag:s13] =	ssyncset.done $0x0  }
0x14: {  	[sflag:s13] =	ssyncadd.s32 $0xFFFFF000  }
0x15: {  	_ =	swait.ge [sflag:s13], $0x1000  }
0x16: {  	[sflag:s13] =	ssyncset.done $0x0  }
0x17: {  	s14 =	ssub.s32 $0x2, s14;
	[sflag:s13] =	ssyncadd.s32 $0xFFFFF000  }
0x18: {  	s17 =	sshrl.u32 s14, $0x1;
	_ =	swait.ge [sflag:s13], $0x1000  }
0x19: {  	s30 =	ssub.s32 s14, s17;
	[sflag:s13] =	ssyncset.done $0x0  }
0x1a: {  	s31 =	smax.u32 s30, $0x1;
	[sflag:s13] =	ssyncadd.s32 $0xFFFFF000  }
0x1b: {  	s16 =	sshll.u32 s16, $0x2;
	p0 =	sne.s32 s31, $0x1;
	_ =	swait.ge [sflag:s13], $0x1000  }
.Ltmp0:
0x1c: {  	s15 =	sadd.s32 s16, s15;
	[sflag:s13] =	ssyncset.done $0x0;
	(pc) =	sbr.rel @!p0 .LBB2_2-.Ltmp0, $4  }
0x1d: {  	s14 =	sadd.s32 $0x11800, s15;
	[sflag:s13] =	ssyncadd.s32 $0xFFFFF000  }
0x1e: {  	[hbm4b:s14+s2] =	stream.linear.scatter [tilespmem:s7], [sflag:$0x2], $0x4000, $0x38;
	[tilespmem:$0x4200] =	vst v63  }
0x1f: {  	_ =	swait.ge [sflag:s3], $0x4000  }
0x20: {  	s15 =	sadd.s32 $0xFFFFFFFF, s31;
	[sflag:s3] =	ssyncset.done $0x0  }
.LBB2_1:
0x21: {  	p0 =	sne.s32 s15, $0x1;
	s15 =	sadd.s32 $0xFFFFFFFF, s15;
	[sflag:s3] =	ssyncadd.s32 $0xFFFFC000  }
0x22: {  	[tilespmem:s2], [sflag:$0x2] =	stream.linear.gather [hbm4b:s4+s2], $0x200, $0x38;
	[tilespmem:$0x4200] =	vst v63  }
0x23: {  	_ =	swait.ge [sflag:s3], $0x200  }
0x24: {  	[sflag:s3] =	ssyncset.done $0x0  }
0x25: {  	[sflag:s3] =	ssyncadd.s32 $0xFFFFFE00  }
0x26: {  	[tilespmem:s7], [sflag:$0x1] =	stream.indirect.gather [hbm4b:s5+s6], $0x20, s2, s6, $0xb8;
	[tilespmem:$0x4200] =	vst v63  }
0x27: {  	_ = 	snop  }
0x28: {  	[tilespmem:s8], [sflag:$0x1] =	stream.indirect.gather [hbm4b:s5+s6], $0x20, s6, s6, $0xb8;
	[tilespmem:$0x4200] =	vst v63  }
0x29: {  	_ = 	snop  }
0x2a: {  	[tilespmem:s10], [sflag:$0x1] =	stream.indirect.gather [hbm4b:s5+s6], $0x20, s9, s6, $0xb8;
	[tilespmem:$0x4200] =	vst v63  }
0x2b: {  	_ = 	snop  }
0x2c: {  	[tilespmem:s12], [sflag:$0x1] =	stream.indirect.gather [hbm4b:s5+s6], $0x20, s11, s6, $0xb8;
	[tilespmem:$0x4200] =	vst v63  }
0x2d: {  	_ =	swait.ge [sflag:s13], $0x1000  }
0x2e: {  	[sflag:s13] =	ssyncset.done $0x0  }
0x2f: {  	[sflag:s13] =	ssyncadd.s32 $0xFFFFF000  }
0x30: {  	_ =	swait.ge [sflag:s13], $0x1000  }
0x31: {  	[sflag:s13] =	ssyncset.done $0x0  }
0x32: {  	[sflag:s13] =	ssyncadd.s32 $0xFFFFF000  }
0x33: {  	_ =	swait.ge [sflag:s13], $0x1000  }
0x34: {  	[sflag:s13] =	ssyncset.done $0x0  }
0x35: {  	[sflag:s13] =	ssyncadd.s32 $0xFFFFF000  }
0x36: {  	_ =	swait.ge [sflag:s13], $0x1000  }
.Ltmp1:
0x37: {  	[sflag:s13] =	ssyncset.done $0x0;
	(pc) =	sbr.rel @p0 .LBB2_1-.Ltmp1, $4  }
0x38: {  	[sflag:s13] =	ssyncadd.s32 $0xFFFFF000  }
0x39: {  	[hbm4b:s14+s2] =	stream.linear.scatter [tilespmem:s7], [sflag:$0x2], $0x4000, $0x38;
	[tilespmem:$0x4200] =	vst v63  }
0x3a: {  	_ =	swait.ge [sflag:s3], $0x4000  }
0x3b: {  	[sflag:s3] =	ssyncset.done $0x0  }
.LBB2_2:
0x3c: {  	[sflag:s3] =	ssyncadd.s32 $0xFFFFC000  }
0x3d: {  	_ =	sfence.sel $0x180000  }
0x3e: {  	[bflag:$0x0] =	sbarrier.arrive $0xFFFF  }
0x3f: {  	p0 =	sne.s32 s0, $0x0;
	_ =	strace $0x9000004A  }
0x40: {  	s0 =	sadd.s32 @!p0 $0x100000, s1;
	[bflag:$0x2] =	sbarrier.arrive $0xFFFF  }
0x41: {  	[sflag:s0] =	ssyncadd.tile.s32 @!p0 $0x1;
	_ =	shalt  }
.Lfunc_end2:
_tile_overlayer_lowered:
.L_overlay_start_2:
0x42: {  	(tag) =	ssettag $0x2  }
0x43: {  	s0 =	rddreg [dreg:$0x0];
	s2 =	stileid.u32  }
0x44: {  	s1 =	rddreg [dreg:$0x1];
	p0 =	sne.s32 s2, $0x0  }
0x45: {  	s3 =	rddreg [dreg:$0x2];
	[bflag:$0x3] =	sbarrier.arrive $0xFFFF;
	s2 =	simm.s32 @!p0 $0x1C02  }
0x46: {  	[timem:s3], [sflag:s2] =	dma.local @!p0 [hbm:s0], s1  }
0x47: {  	s0 =	simm.s32 @!p0 $0x2  }
0x48: {  	_ =	swait.ge @!p0 [sflag:s0], s1  }
0x49: {  	s1 =	ssub.s32 @!p0 $0x0, s1;
	[sflag:s0] =	ssyncset.done @!p0 $0x0  }
0x4a: {  	[sflag:s0] =	ssyncadd.s32 @!p0 s1  }
0x4b: {  	[bflag:$0x3] =	sbarrier.arrive $0xFFFF  }
0x4c: {  	_ =	shalt  }

</sc_bundles>
